<compile_context>
chip_gen: v7x
topology: tpu7x:2x2x1
jax: 0.10.2.dev20260603
libtpu: 0.0.44.dev20260713+nightly
codegen_flags: <defaults>
</compile_context>

<pallas_src>
import dataclasses
import functools

import jax
import jax.numpy as jnp
from jax import lax
from jax.experimental import pallas as pl
from jax.experimental.pallas import tpu as pltpu
from jax.experimental.pallas import tpu_sc as plsc

N = 10000
E = 320000
D_IN = 128
H = 64
C = 2
G = 64

NC = 2
NS = 16
NW = NC * NS
EPW = E // NW
K = 80
CH = EPW // K
L = 16
NPAD = 10240
NR = NPAD // 2
RPW = NR // NS
HP = 128
NHALF = N // 2
R = 1000


def _mesh():
    return plsc.VectorSubcoreMesh(core_axis_name="c", subcore_axis_name="s")


def _sc_params():
    cp = pltpu.CompilerParams()
    if "needs_layout_passes" in pltpu.CompilerParams.__dataclass_fields__:
        cp = dataclasses.replace(cp, needs_layout_passes=False)
    return cp



def _prep(src, dst, zeros_h):

    @functools.partial(
        pl.kernel,
        out_type=(
            jax.ShapeDtypeStruct((NW, 2, L, NHALF), jnp.float32),
            jax.ShapeDtypeStruct((NW, EPW), jnp.int32),
            jax.ShapeDtypeStruct((NW, CH, K), jnp.int32),
        ),
        mesh=_mesh(),
        compiler_params=_sc_params(),
        scratch_types=[
            pltpu.VMEM((EPW,), jnp.int32),
            pltpu.VMEM((CH, K), jnp.int32),
            pltpu.VMEM((L, NHALF), jnp.float32),
        ],
    )
    def k(src_hbm, dst_hbm, zh_hbm, hist_hbm, gi_hbm, ai_hbm, sg, da, hist):
        c = lax.axis_index("c")
        s = lax.axis_index("s")
        w = c * NS + s
        pltpu.sync_copy(src_hbm.at[w], sg)
        pltpu.sync_copy(dst_hbm.at[w], da)
        lanes = lax.iota(jnp.int32, L)
        ones_v = jnp.ones((L,), jnp.float32)

        for half in range(2):
            lo = half * NHALF
            pltpu.sync_copy(zh_hbm, hist)

            @pl.loop(0, CH)
            def _(r):
                for q in range(K // L):
                    dv = da[r, pl.ds(q * L, L)]
                    loc = dv - lo
                    msk = jnp.logical_and(loc >= 0, loc < NHALF)
                    plsc.addupdate_scatter(
                        hist, [lanes, loc], ones_v, mask=msk)

            pltpu.sync_copy(hist, hist_hbm.at[w, half])

        @pl.loop(0, CH)
        def _(r):
            for q in range(K // L):
                sl2 = pl.ds(q * L, L)
                sl1 = pl.ds(r * K + q * L, L)
                sv = sg[sl1]
                dv = da[r, sl2]
                par = lax.bitwise_and(dv, 1)
                sg[sl1] = sv + par * N
                da[r, sl2] = lax.shift_right_logical(dv, 1)

        pltpu.sync_copy(sg, gi_hbm.at[w])
        pltpu.sync_copy(da, ai_hbm.at[w])

    return k(src, dst, zeros_h)


def _scat(g2, gidx, aidx, zeros_acc):

    @functools.partial(
        pl.kernel,
        out_type=jax.ShapeDtypeStruct((NC, NR, HP), jnp.float32),
        mesh=_mesh(),
        scratch_types=[
            pltpu.VMEM((EPW,), jnp.int32),
            pltpu.VMEM((CH, K), jnp.int32),
            pltpu.VMEM((K, HP), jnp.float32),
            pltpu.VMEM((K, HP), jnp.float32),
            pltpu.VMEM_SHARED((NR, HP), jnp.float32),
            pltpu.SemaphoreType.DMA,
            pltpu.SemaphoreType.DMA,
        ],
    )
    def k(g_hbm, gi_hbm, ai_hbm, z_hbm, out_hbm,
          gi, ai, r0, r1, acc, sem0, sem1):
        c = lax.axis_index("c")
        s = lax.axis_index("s")
        w = c * NS + s
        pltpu.sync_copy(z_hbm.at[pl.ds(s * RPW, RPW)],
                        acc.at[pl.ds(s * RPW, RPW)])
        pltpu.sync_copy(gi_hbm.at[w], gi)
        pltpu.sync_copy(ai_hbm.at[w], ai)
        plsc.subcore_barrier()

        pltpu.async_copy(g_hbm.at[gi.at[pl.ds(0, K)]], r0, sem0)

        @pl.loop(0, CH // 2)
        def _(i):
            j = 2 * i
            pltpu.make_async_copy(g_hbm.at[gi.at[pl.ds(j * K, K)]], r0, sem0).wait()
            pltpu.async_copy(g_hbm.at[gi.at[pl.ds((j + 1) * K, K)]], r1, sem1)
            pltpu.sync_copy(r0, acc.at[ai.at[j]], add=True)

            @pl.when(j + 2 < CH)
            def _():
                pltpu.async_copy(g_hbm.at[gi.at[pl.ds((j + 2) * K, K)]], r0, sem0)

            pltpu.make_async_copy(g_hbm.at[gi.at[pl.ds((j + 1) * K, K)]], r1, sem1).wait()
            pltpu.sync_copy(r1, acc.at[ai.at[j + 1]], add=True)

        pltpu.make_async_copy(g_hbm.at[gi.at[pl.ds((CH - 1) * K, K)]], r0, sem0).wait()
        pltpu.sync_copy(r0, acc.at[ai.at[CH - 1]], add=True)

        plsc.subcore_barrier()
        pltpu.sync_copy(acc.at[pl.ds(s * RPW, RPW)],
                        out_hbm.at[c].at[pl.ds(s * RPW, RPW)])

    return k(g2, gidx, aidx, zeros_acc)



def _degsum(histr):

    def body(h_ref, o_ref):
        deg = jnp.sum(h_ref[...], axis=(0, 1, 2)) + 1.0
        o_ref[...] = jnp.broadcast_to(lax.rsqrt(deg)[:, None], (NHALF, 8))

    return pl.pallas_call(
        body,
        grid=(2,),
        in_specs=[pl.BlockSpec((NW, 1, L, NHALF), lambda i: (0, i, 0, 0))],
        out_specs=pl.BlockSpec((NHALF, 8), lambda i: (i, 0)),
        out_shape=jax.ShapeDtypeStruct((N, 8), jnp.float32),
    )(histr)


def _mm_t1(x, W1):

    def body(x_ref, w_ref, o_ref):
        o_ref[...] = jnp.dot(x_ref[...], w_ref[...],
                             preferred_element_type=jnp.float32,
                             precision=lax.Precision.HIGHEST)

    return pl.pallas_call(
        body,
        grid=(N // R,),
        in_specs=[
            pl.BlockSpec((R, D_IN), lambda i: (i, 0)),
            pl.BlockSpec((D_IN, H), lambda i: (0, 0)),
        ],
        out_specs=pl.BlockSpec((R, H), lambda i: (i, 0)),
        out_shape=jax.ShapeDtypeStruct((N, H), jnp.float32),
    )(x, W1)


def _emit_table(t, o_ref):
    par = pl.program_id(1)
    z = jnp.zeros((R, H), jnp.float32)
    o_ref[0] = jnp.where(par == 0,
                         jnp.concatenate([t, z], axis=1),
                         jnp.concatenate([z, t], axis=1))


def _pack1(t1, dinv):

    def body(t_ref, d_ref, o_ref):
        _emit_table(t_ref[...] * d_ref[:, 0:1], o_ref)

    return pl.pallas_call(
        body,
        grid=(N // R, 2),
        in_specs=[
            pl.BlockSpec((R, H), lambda i, t: (i, 0)),
            pl.BlockSpec((R, 8), lambda i, t: (i, 0)),
        ],
        out_specs=pl.BlockSpec((1, R, HP), lambda i, t: (t, i, 0)),
        out_shape=jax.ShapeDtypeStruct((2, N, HP), jnp.float32),
    )(t1, dinv)


def _mm_mid(p, g_prev, dinv, b, W):

    def body(p_ref, g_ref, d_ref, b_ref, w_ref, o_ref):
        dv = d_ref[:, 0:1]
        h = dv * (p_ref[0] + p_ref[1] + g_ref[0][:, :H]) + b_ref[...]
        h = jnp.maximum(h, 0.0)
        t = jnp.dot(h, w_ref[...],
                    preferred_element_type=jnp.float32,
                    precision=lax.Precision.HIGHEST) * dv
        _emit_table(t, o_ref)

    return pl.pallas_call(
        body,
        grid=(N // R, 2),
        in_specs=[
            pl.BlockSpec((NC, R, H), lambda i, t: (0, i, 0)),
            pl.BlockSpec((1, R, HP), lambda i, t: (0, i, 0)),
            pl.BlockSpec((R, 8), lambda i, t: (i, 0)),
            pl.BlockSpec((1, H), lambda i, t: (0, 0)),
            pl.BlockSpec((H, H), lambda i, t: (0, 0)),
        ],
        out_specs=pl.BlockSpec((1, R, HP), lambda i, t: (t, i, 0)),
        out_shape=jax.ShapeDtypeStruct((2, N, HP), jnp.float32),
    )(p, g_prev, dinv, b.reshape(1, H), W)


def _final(p, g_prev, dinv, b, batch3, Wl, bl):

    def body(p_ref, g_ref, d_ref, b_ref, bat_ref, wl_ref, bl_ref,
             o_ref, acc_ref):
        i = pl.program_id(0)

        @pl.when(i == 0)
        def _():
            acc_ref[...] = jnp.zeros_like(acc_ref)

        dinv = d_ref[:, 0:1]
        h = dinv * (p_ref[0] + p_ref[1] + g_ref[0][:, :H]) + b_ref[...]
        bat = bat_ref[0]
        gid = lax.broadcasted_iota(jnp.int32, (G, R), 0)
        m = (gid == bat).astype(jnp.float32)
        haug = jnp.concatenate(
            [h, jnp.ones((R, H), jnp.float32)], axis=1)
        acc_ref[...] += jnp.dot(m, haug,
                                preferred_element_type=jnp.float32,
                                precision=lax.Precision.HIGHEST)

        @pl.when(i == N // R - 1)
        def _():
            sums = acc_ref[:, :H]
            cnt = acc_ref[:, H:]
            pooled = sums / jnp.maximum(cnt, 1.0)
            o_ref[...] = jnp.dot(pooled, wl_ref[...],
                                 preferred_element_type=jnp.float32,
                                 precision=lax.Precision.HIGHEST) + bl_ref[...]

    return pl.pallas_call(
        body,
        grid=(N // R,),
        in_specs=[
            pl.BlockSpec((NC, R, H), lambda i: (0, i, 0)),
            pl.BlockSpec((1, R, HP), lambda i: (0, i, 0)),
            pl.BlockSpec((R, 8), lambda i: (i, 0)),
            pl.BlockSpec((1, H), lambda i: (0, 0)),
            pl.BlockSpec((1, 1, R), lambda i: (i, 0, 0)),
            pl.BlockSpec((H, C), lambda i: (0, 0)),
            pl.BlockSpec((1, C), lambda i: (0, 0)),
        ],
        out_specs=pl.BlockSpec((G, C), lambda i: (0, 0)),
        out_shape=jax.ShapeDtypeStruct((G, C), jnp.float32),
        scratch_shapes=[pltpu.VMEM((G, 2 * H), jnp.float32)],
    )(p, g_prev, dinv, b.reshape(1, H), batch3, Wl, bl.reshape(1, C))



def kernel(x, edge_index, batch, W1, b1, W2, b2, W3, b3, Wl, bl):
    src = edge_index[0].reshape(NW, EPW)
    dst = edge_index[1].reshape(NW, CH, K)
    batch3 = batch.reshape(N // R, 1, R)

    zeros_acc = jnp.zeros((NR, HP), jnp.float32)
    zeros_h = jnp.zeros((L, NHALF), jnp.float32)

    histp, gidx, aidx = _prep(src, dst, zeros_h)
    dinv = _degsum(histp)

    t1 = _mm_t1(x, W1)
    g1 = _pack1(t1, dinv)
    p1 = _scat(g1.reshape(2 * N, HP), gidx, aidx, zeros_acc)
    g2 = _mm_mid(p1.reshape(NC, NPAD, H), g1, dinv, b1, W2)
    p2 = _scat(g2.reshape(2 * N, HP), gidx, aidx, zeros_acc)
    g3 = _mm_mid(p2.reshape(NC, NPAD, H), g2, dinv, b2, W3)
    p3 = _scat(g3.reshape(2 * N, HP), gidx, aidx, zeros_acc)
    return _final(p3.reshape(NC, NPAD, H), g3, dinv, b3, batch3, Wl, bl)

# --- scband reference (transcript-rebuilt; emitter-appended) ---
"""Pipeline reference for scband-gcn-66005057405150 (READ-ONLY COPY).

The authoritative reference and input builder live on the scoring server;
editing this copy changes nothing except your own understanding.
"""

import jax, jax.numpy as jnp
import numpy as np

N = 10000
E = 320000
D_IN = 128
H = 64
C = 2
G = 64

def setup_inputs(seed: int = 0):
    key = jax.random.key(seed)
    ks = jax.random.split(key, 10)
    x = jax.random.normal(ks[0], (N, D_IN), dtype=jnp.float32)
    edge_index = jax.random.randint(ks[1], (2, E), 0, N, dtype=jnp.int32)
    batch = jnp.sort(jax.random.randint(ks[2], (N,), 0, G, dtype=jnp.int32))
    def glorot(k, fan_in, fan_out):
        s = float(np.sqrt(6.0 / (fan_in + fan_out)))
        return jax.random.uniform(k, (fan_in, fan_out), minval=-s, maxval=s, dtype=jnp.float32)
    W1 = glorot(ks[3], D_IN, H); b1 = jnp.zeros((H,), jnp.float32)
    W2 = glorot(ks[4], H, H); b2 = jnp.zeros((H,), jnp.float32)
    W3 = glorot(ks[5], H, H); b3 = jnp.zeros((H,), jnp.float32)
    Wl = glorot(ks[6], H, C); bl = jnp.zeros((C,), jnp.float32)
    return {"x": x, "edge_index": edge_index, "batch": batch,
            "W1": W1, "b1": b1, "W2": W2, "b2": b2, "W3": W3, "b3": b3,
            "Wl": Wl, "bl": bl}

def _gcn_norm(edge_index, n):
    # GCNConv default: add self-loops, symmetric normalization D^-1/2 (A+I) D^-1/2
    loop = jnp.arange(n, dtype=edge_index.dtype)
    src = jnp.concatenate([edge_index[0], loop])
    dst = jnp.concatenate([edge_index[1], loop])
    deg = jnp.zeros((n,), jnp.float32).at[dst].add(1.0)
    dinv = jax.lax.rsqrt(jnp.maximum(deg, 1.0))
    norm = dinv[src] * dinv[dst]
    return src, dst, norm

def _gcn_conv(x, src, dst, norm, W, b):
    h = x @ W
    msg = h[src] * norm[:, None]
    out = jnp.zeros((x.shape[0], W.shape[1]), jnp.float32).at[dst].add(msg)
    return out + b

def reference(x, edge_index, batch, W1, b1, W2, b2, W3, b3, Wl, bl):
    src, dst, norm = _gcn_norm(edge_index, x.shape[0])
    h = jax.nn.relu(_gcn_conv(x, src, dst, norm, W1, b1))
    h = jax.nn.relu(_gcn_conv(h, src, dst, norm, W2, b2))
    h = _gcn_conv(h, src, dst, norm, W3, b3)
    sums = jax.ops.segment_sum(h, batch, num_segments=G)
    cnt = jax.ops.segment_sum(jnp.ones((h.shape[0],), jnp.float32), batch, num_segments=G)
    pooled = sums / jnp.maximum(cnt, 1.0)[:, None]
    # F.dropout(p=0.5, training=self.training): identity in eval mode
    return pooled @ Wl + bl

if __name__ == "__main__":
    import jax
    _d = setup_inputs()
    print(jax.jit(kernel)(*tuple(_d.values())))

</pallas_src>

<mosaic_0001>
#map = affine_map<(d0, d1) -> (0, 0)>
#map1 = affine_map<(d0, d1) -> (0, 0, 0)>
#map2 = affine_map<(d0, d1) -> (0, 0, 0, 0)>
module attributes {stable_mosaic.version = 14 : i64} {
  func.func @k(%arg0: i32, %arg1: i32, %arg2: memref<32x10000xi32, #tpu.memory_space<hbm>>, %arg3: memref<32x125x80xi32, #tpu.memory_space<hbm>>, %arg4: memref<16x5000xf32, #tpu.memory_space<hbm>>, %arg5: memref<32x2x16x5000xf32, #tpu.memory_space<hbm>>, %arg6: memref<32x10000xi32, #tpu.memory_space<hbm>>, %arg7: memref<32x125x80xi32, #tpu.memory_space<hbm>>, %arg8: memref<10000xi32, #tpu.memory_space<vmem>>, %arg9: memref<125x80xi32, #tpu.memory_space<vmem>>, %arg10: memref<16x5000xf32, #tpu.memory_space<vmem>>) attributes {dimension_semantics = [#tpu.dimension_semantics<core_parallel>, #tpu.dimension_semantics<subcore_parallel>], iteration_bounds = array<i64: 2, 16>, scalar_prefetch = 0 : i64, scratch_operands = 3 : i64, tpu.core_type = #tpu.core_type<sc_vector_subcore>, window_params = [{transform_indices = #map}, {transform_indices = #map1}, {transform_indices = #map}, {transform_indices = #map2}, {transform_indices = #map}, {transform_indices = #map1}]} {
    %mul3A = arith.constant 16 : i32
    %mul3A_0 = arith.muli %arg0, %mul3A : i32
    %add3A = arith.addi %mul3A_0, %arg1 : i32
    "tpu.region"() ({
      %run_scoped3A_17 = tpu.sem_alloc : memref<!tpu.dma_semaphore, #tpu.memory_space<semaphore_mem>>
      %dma_start3A = arith.constant 0 : i32
      %dma_start3A_18 = tpu.memref_slice %arg2[%add3A, %dma_start3A] : memref<32x10000xi32, #tpu.memory_space<hbm>> -> memref<1x10000xi32, #tpu.memory_space<hbm>>
      %dma_start3A_19 = tpu.memref_squeeze %dma_start3A_18 : memref<1x10000xi32, #tpu.memory_space<hbm>> -> memref<10000xi32, #tpu.memory_space<hbm>>
      %dma_start3A_20 = arith.constant 0 : i32
      %dma_start3A_21 = tpu.memref_slice %arg2[%add3A, %dma_start3A_20] : memref<32x10000xi32, #tpu.memory_space<hbm>> -> memref<1x10000xi32, #tpu.memory_space<hbm>>
      %dma_start3A_22 = tpu.memref_squeeze %dma_start3A_21 : memref<1x10000xi32, #tpu.memory_space<hbm>> -> memref<10000xi32, #tpu.memory_space<hbm>>
      tpu.enqueue_dma source(%dma_start3A_22 : memref<10000xi32, #tpu.memory_space<hbm>>) target(%arg8 : memref<10000xi32, #tpu.memory_space<vmem>>) target_semaphore(%run_scoped3A_17 : memref<!tpu.dma_semaphore, #tpu.memory_space<semaphore_mem>>)
      %dma_wait3A = arith.constant 0 : i32
      %dma_wait3A_23 = tpu.memref_slice %arg2[%add3A, %dma_wait3A] : memref<32x10000xi32, #tpu.memory_space<hbm>> -> memref<1x10000xi32, #tpu.memory_space<hbm>>
      %dma_wait3A_24 = tpu.memref_squeeze %dma_wait3A_23 : memref<1x10000xi32, #tpu.memory_space<hbm>> -> memref<10000xi32, #tpu.memory_space<hbm>>
      %dma_wait3A_25 = arith.constant 0 : i32
      %dma_wait3A_26 = tpu.memref_slice %arg2[%add3A, %dma_wait3A_25] : memref<32x10000xi32, #tpu.memory_space<hbm>> -> memref<1x10000xi32, #tpu.memory_space<hbm>>
      %dma_wait3A_27 = tpu.memref_squeeze %dma_wait3A_26 : memref<1x10000xi32, #tpu.memory_space<hbm>> -> memref<10000xi32, #tpu.memory_space<hbm>>
      tpu.wait_dma2 semaphore(%run_scoped3A_17 : memref<!tpu.dma_semaphore, #tpu.memory_space<semaphore_mem>>) src(%dma_wait3A_27 : memref<10000xi32, #tpu.memory_space<hbm>>) dst(%arg8 : memref<10000xi32, #tpu.memory_space<vmem>>)
      tpu.yield
    }) : () -> ()
    "tpu.region"() ({
      %run_scoped3A_17 = tpu.sem_alloc : memref<!tpu.dma_semaphore, #tpu.memory_space<semaphore_mem>>
      %dma_start3A = arith.constant 0 : i32
      %dma_start3A_18 = arith.constant 0 : i32
      %dma_start3A_19 = tpu.memref_slice %arg3[%add3A, %dma_start3A, %dma_start3A_18] : memref<32x125x80xi32, #tpu.memory_space<hbm>> -> memref<1x125x80xi32, #tpu.memory_space<hbm>>
      %dma_start3A_20 = tpu.memref_squeeze %dma_start3A_19 : memref<1x125x80xi32, #tpu.memory_space<hbm>> -> memref<125x80xi32, #tpu.memory_space<hbm>>
      %dma_start3A_21 = arith.constant 0 : i32
      %dma_start3A_22 = arith.constant 0 : i32
      %dma_start3A_23 = tpu.memref_slice %arg3[%add3A, %dma_start3A_21, %dma_start3A_22] : memref<32x125x80xi32, #tpu.memory_space<hbm>> -> memref<1x125x80xi32, #tpu.memory_space<hbm>>
      %dma_start3A_24 = tpu.memref_squeeze %dma_start3A_23 : memref<1x125x80xi32, #tpu.memory_space<hbm>> -> memref<125x80xi32, #tpu.memory_space<hbm>>
      tpu.enqueue_dma source(%dma_start3A_24 : memref<125x80xi32, #tpu.memory_space<hbm>>) target(%arg9 : memref<125x80xi32, #tpu.memory_space<vmem>>) target_semaphore(%run_scoped3A_17 : memref<!tpu.dma_semaphore, #tpu.memory_space<semaphore_mem>>)
      %dma_wait3A = arith.constant 0 : i32
      %dma_wait3A_25 = arith.constant 0 : i32
      %dma_wait3A_26 = tpu.memref_slice %arg3[%add3A, %dma_wait3A, %dma_wait3A_25] : memref<32x125x80xi32, #tpu.memory_space<hbm>> -> memref<1x125x80xi32, #tpu.memory_space<hbm>>
      %dma_wait3A_27 = tpu.memref_squeeze %dma_wait3A_26 : memref<1x125x80xi32, #tpu.memory_space<hbm>> -> memref<125x80xi32, #tpu.memory_space<hbm>>
      %dma_wait3A_28 = arith.constant 0 : i32
      %dma_wait3A_29 = arith.constant 0 : i32
      %dma_wait3A_30 = tpu.memref_slice %arg3[%add3A, %dma_wait3A_28, %dma_wait3A_29] : memref<32x125x80xi32, #tpu.memory_space<hbm>> -> memref<1x125x80xi32, #tpu.memory_space<hbm>>
      %dma_wait3A_31 = tpu.memref_squeeze %dma_wait3A_30 : memref<1x125x80xi32, #tpu.memory_space<hbm>> -> memref<125x80xi32, #tpu.memory_space<hbm>>
      tpu.wait_dma2 semaphore(%run_scoped3A_17 : memref<!tpu.dma_semaphore, #tpu.memory_space<semaphore_mem>>) src(%dma_wait3A_31 : memref<125x80xi32, #tpu.memory_space<hbm>>) dst(%arg9 : memref<125x80xi32, #tpu.memory_space<vmem>>)
      tpu.yield
    }) : () -> ()
    %iota3A = tpu.iota {dimensions = array<i32: 0>} : vector<16xi32>
    %broadcast_in_dim3A = arith.constant 1.000000e+00 : f32
    %broadcast_in_dim3A_1 = vector.broadcast %broadcast_in_dim3A : f32 to vector<16xf32>
    "tpu.region"() ({
      %run_scoped3A_17 = tpu.sem_alloc : memref<!tpu.dma_semaphore, #tpu.memory_space<semaphore_mem>>
      tpu.enqueue_dma source(%arg4 : memref<16x5000xf32, #tpu.memory_space<hbm>>) target(%arg10 : memref<16x5000xf32, #tpu.memory_space<vmem>>) target_semaphore(%run_scoped3A_17 : memref<!tpu.dma_semaphore, #tpu.memory_space<semaphore_mem>>)
      tpu.wait_dma2 semaphore(%run_scoped3A_17 : memref<!tpu.dma_semaphore, #tpu.memory_space<semaphore_mem>>) src(%arg4 : memref<16x5000xf32, #tpu.memory_space<hbm>>) dst(%arg10 : memref<16x5000xf32, #tpu.memory_space<vmem>>)
      tpu.yield
    }) : () -> ()
    %scan3A = arith.constant 0 : i32
    %scan3A_2 = arith.constant 125 : i32
    %scan3A_3 = arith.addi %scan3A, %scan3A_2 : i32
    %scan3A_4 = arith.constant 1 : i32
    scf.for %scan3A_17 = %scan3A to %scan3A_3 step %scan3A_4  : i32 {
      %mul3A_18 = arith.constant 1 : i32
      %mul3A_19 = arith.muli %scan3A_17, %mul3A_18 : i32
      %add3A_20 = arith.constant 0 : i32
      %add3A_21 = arith.addi %add3A_20, %mul3A_19 : i32
      %get3A = arith.index_cast %add3A_21 : i32 to index
      %get3A_22 = arith.constant 0 : index
      %get3A_23 = tpu.vector_load %arg9[%get3A, %get3A_22] {strides = array<i32>} : memref<125x80xi32, #tpu.memory_space<vmem>>, vector<16xi32>,
      %sub3A = arith.constant 0 : i32
      %sub3A_24 = vector.broadcast %sub3A : i32 to vector<16xi32>
      %sub3A_25 = arith.subi %get3A_23, %sub3A_24 : vector<16xi32>
      %ge3A = arith.constant 0 : i32
      %ge3A_26 = vector.broadcast %ge3A : i32 to vector<16xi32>
      %ge3A_27 = arith.cmpi sge, %sub3A_25, %ge3A_26 : vector<16xi32>
      %lt3A = arith.constant 5000 : i32
      %lt3A_28 = vector.broadcast %lt3A : i32 to vector<16xi32>
      %lt3A_29 = arith.cmpi slt, %sub3A_25, %lt3A_28 : vector<16xi32>
      %and3A = arith.andi %ge3A_27, %lt3A_29 : vector<16xi1>
      tpu.vector_store_idx %arg10[%iota3A, %sub3A_25], %broadcast_in_dim3A_1 masked %and3A {add = true} : memref<16x5000xf32, #tpu.memory_space<vmem>>[vector<16xi32>, vector<16xi32>], vector<16xf32>, vector<16xi1>
      %get3A_30 = arith.index_cast %add3A_21 : i32 to index
      %get3A_31 = arith.constant 16 : index
      %get3A_32 = tpu.vector_load %arg9[%get3A_30, %get3A_31] {strides = array<i32>} : memref<125x80xi32, #tpu.memory_space<vmem>>, vector<16xi32>,
      %sub3A_33 = arith.constant 0 : i32
      %sub3A_34 = vector.broadcast %sub3A_33 : i32 to vector<16xi32>
      %sub3A_35 = arith.subi %get3A_32, %sub3A_34 : vector<16xi32>
      %ge3A_36 = arith.constant 0 : i32
      %ge3A_37 = vector.broadcast %ge3A_36 : i32 to vector<16xi32>
      %ge3A_38 = arith.cmpi sge, %sub3A_35, %ge3A_37 : vector<16xi32>
      %lt3A_39 = arith.constant 5000 : i32
      %lt3A_40 = vector.broadcast %lt3A_39 : i32 to vector<16xi32>
      %lt3A_41 = arith.cmpi slt, %sub3A_35, %lt3A_40 : vector<16xi32>
      %and3A_42 = arith.andi %ge3A_38, %lt3A_41 : vector<16xi1>
      tpu.vector_store_idx %arg10[%iota3A, %sub3A_35], %broadcast_in_dim3A_1 masked %and3A_42 {add = true} : memref<16x5000xf32, #tpu.memory_space<vmem>>[vector<16xi32>, vector<16xi32>], vector<16xf32>, vector<16xi1>
      %get3A_43 = arith.index_cast %add3A_21 : i32 to index
      %get3A_44 = arith.constant 32 : index
      %get3A_45 = tpu.vector_load %arg9[%get3A_43, %get3A_44] {strides = array<i32>} : memref<125x80xi32, #tpu.memory_space<vmem>>, vector<16xi32>,
      %sub3A_46 = arith.constant 0 : i32
      %sub3A_47 = vector.broadcast %sub3A_46 : i32 to vector<16xi32>
      %sub3A_48 = arith.subi %get3A_45, %sub3A_47 : vector<16xi32>
      %ge3A_49 = arith.constant 0 : i32
      %ge3A_50 = vector.broadcast %ge3A_49 : i32 to vector<16xi32>
      %ge3A_51 = arith.cmpi sge, %sub3A_48, %ge3A_50 : vector<16xi32>
      %lt3A_52 = arith.constant 5000 : i32
      %lt3A_53 = vector.broadcast %lt3A_52 : i32 to vector<16xi32>
      %lt3A_54 = arith.cmpi slt, %sub3A_48, %lt3A_53 : vector<16xi32>
      %and3A_55 = arith.andi %ge3A_51, %lt3A_54 : vector<16xi1>
      tpu.vector_store_idx %arg10[%iota3A, %sub3A_48], %broadcast_in_dim3A_1 masked %and3A_55 {add = true} : memref<16x5000xf32, #tpu.memory_space<vmem>>[vector<16xi32>, vector<16xi32>], vector<16xf32>, vector<16xi1>
      %get3A_56 = arith.index_cast %add3A_21 : i32 to index
      %get3A_57 = arith.constant 48 : index
      %get3A_58 = tpu.vector_load %arg9[%get3A_56, %get3A_57] {strides = array<i32>} : memref<125x80xi32, #tpu.memory_space<vmem>>, vector<16xi32>,
      %sub3A_59 = arith.constant 0 : i32
      %sub3A_60 = vector.broadcast %sub3A_59 : i32 to vector<16xi32>
      %sub3A_61 = arith.subi %get3A_58, %sub3A_60 : vector<16xi32>
      %ge3A_62 = arith.constant 0 : i32
      %ge3A_63 = vector.broadcast %ge3A_62 : i32 to vector<16xi32>
      %ge3A_64 = arith.cmpi sge, %sub3A_61, %ge3A_63 : vector<16xi32>
      %lt3A_65 = arith.constant 5000 : i32
      %lt3A_66 = vector.broadcast %lt3A_65 : i32 to vector<16xi32>
      %lt3A_67 = arith.cmpi slt, %sub3A_61, %lt3A_66 : vector<16xi32>
      %and3A_68 = arith.andi %ge3A_64, %lt3A_67 : vector<16xi1>
      tpu.vector_store_idx %arg10[%iota3A, %sub3A_61], %broadcast_in_dim3A_1 masked %and3A_68 {add = true} : memref<16x5000xf32, #tpu.memory_space<vmem>>[vector<16xi32>, vector<16xi32>], vector<16xf32>, vector<16xi1>
      %get3A_69 = arith.index_cast %add3A_21 : i32 to index
      %get3A_70 = arith.constant 64 : index
      %get3A_71 = tpu.vector_load %arg9[%get3A_69, %get3A_70] {strides = array<i32>} : memref<125x80xi32, #tpu.memory_space<vmem>>, vector<16xi32>,
      %sub3A_72 = arith.constant 0 : i32
      %sub3A_73 = vector.broadcast %sub3A_72 : i32 to vector<16xi32>
      %sub3A_74 = arith.subi %get3A_71, %sub3A_73 : vector<16xi32>
      %ge3A_75 = arith.constant 0 : i32
      %ge3A_76 = vector.broadcast %ge3A_75 : i32 to vector<16xi32>
      %ge3A_77 = arith.cmpi sge, %sub3A_74, %ge3A_76 : vector<16xi32>
      %lt3A_78 = arith.constant 5000 : i32
      %lt3A_79 = vector.broadcast %lt3A_78 : i32 to vector<16xi32>
      %lt3A_80 = arith.cmpi slt, %sub3A_74, %lt3A_79 : vector<16xi32>
      %and3A_81 = arith.andi %ge3A_77, %lt3A_80 : vector<16xi1>
      tpu.vector_store_idx %arg10[%iota3A, %sub3A_74], %broadcast_in_dim3A_1 masked %and3A_81 {add = true} : memref<16x5000xf32, #tpu.memory_space<vmem>>[vector<16xi32>, vector<16xi32>], vector<16xf32>, vector<16xi1>
    }
    %scan3A_5 = arith.constant 125 : i32
    %run_scoped3A = arith.constant 0 : i32
    "tpu.region"() ({
      %run_scoped3A_17 = tpu.sem_alloc : memref<!tpu.dma_semaphore, #tpu.memory_space<semaphore_mem>>
      %dma_start3A = arith.constant 0 : i32
      %dma_start3A_18 = arith.constant 0 : i32
      %dma_start3A_19 = tpu.memref_slice %arg5[%add3A, %run_scoped3A, %dma_start3A, %dma_start3A_18] : memref<32x2x16x5000xf32, #tpu.memory_space<hbm>> -> memref<1x1x16x5000xf32, #tpu.memory_space<hbm>>
      %dma_start3A_20 = tpu.memref_squeeze %dma_start3A_19 : memref<1x1x16x5000xf32, #tpu.memory_space<hbm>> -> memref<16x5000xf32, #tpu.memory_space<hbm>>
      %dma_start3A_21 = arith.constant 0 : i32
      %dma_start3A_22 = arith.constant 0 : i32
      %dma_start3A_23 = tpu.memref_slice %arg5[%add3A, %run_scoped3A, %dma_start3A_21, %dma_start3A_22] : memref<32x2x16x5000xf32, #tpu.memory_space<hbm>> -> memref<1x1x16x5000xf32, #tpu.memory_space<hbm>>
      %dma_start3A_24 = tpu.memref_squeeze %dma_start3A_23 : memref<1x1x16x5000xf32, #tpu.memory_space<hbm>> -> memref<16x5000xf32, #tpu.memory_space<hbm>>
      tpu.enqueue_dma source(%arg10 : memref<16x5000xf32, #tpu.memory_space<vmem>>) target(%dma_start3A_24 : memref<16x5000xf32, #tpu.memory_space<hbm>>) target_semaphore(%run_scoped3A_17 : memref<!tpu.dma_semaphore, #tpu.memory_space<semaphore_mem>>)
      %dma_wait3A = arith.constant 0 : i32
      %dma_wait3A_25 = arith.constant 0 : i32
      %dma_wait3A_26 = tpu.memref_slice %arg5[%add3A, %run_scoped3A, %dma_wait3A, %dma_wait3A_25] : memref<32x2x16x5000xf32, #tpu.memory_space<hbm>> -> memref<1x1x16x5000xf32, #tpu.memory_space<hbm>>
      %dma_wait3A_27 = tpu.memref_squeeze %dma_wait3A_26 : memref<1x1x16x5000xf32, #tpu.memory_space<hbm>> -> memref<16x5000xf32, #tpu.memory_space<hbm>>
      %dma_wait3A_28 = arith.constant 0 : i32
      %dma_wait3A_29 = arith.constant 0 : i32
      %dma_wait3A_30 = tpu.memref_slice %arg5[%add3A, %run_scoped3A, %dma_wait3A_28, %dma_wait3A_29] : memref<32x2x16x5000xf32, #tpu.memory_space<hbm>> -> memref<1x1x16x5000xf32, #tpu.memory_space<hbm>>
      %dma_wait3A_31 = tpu.memref_squeeze %dma_wait3A_30 : memref<1x1x16x5000xf32, #tpu.memory_space<hbm>> -> memref<16x5000xf32, #tpu.memory_space<hbm>>
      tpu.wait_dma2 semaphore(%run_scoped3A_17 : memref<!tpu.dma_semaphore, #tpu.memory_space<semaphore_mem>>) src(%arg10 : memref<16x5000xf32, #tpu.memory_space<vmem>>) dst(%dma_wait3A_31 : memref<16x5000xf32, #tpu.memory_space<hbm>>)
      tpu.yield
    }) : () -> ()
    "tpu.region"() ({
      %run_scoped3A_17 = tpu.sem_alloc : memref<!tpu.dma_semaphore, #tpu.memory_space<semaphore_mem>>
      tpu.enqueue_dma source(%arg4 : memref<16x5000xf32, #tpu.memory_space<hbm>>) target(%arg10 : memref<16x5000xf32, #tpu.memory_space<vmem>>) target_semaphore(%run_scoped3A_17 : memref<!tpu.dma_semaphore, #tpu.memory_space<semaphore_mem>>)
      tpu.wait_dma2 semaphore(%run_scoped3A_17 : memref<!tpu.dma_semaphore, #tpu.memory_space<semaphore_mem>>) src(%arg4 : memref<16x5000xf32, #tpu.memory_space<hbm>>) dst(%arg10 : memref<16x5000xf32, #tpu.memory_space<vmem>>)
      tpu.yield
    }) : () -> ()
    %scan3A_6 = arith.constant 0 : i32
    %scan3A_7 = arith.constant 125 : i32
    %scan3A_8 = arith.addi %scan3A_6, %scan3A_7 : i32
    %scan3A_9 = arith.constant 1 : i32
    scf.for %scan3A_17 = %scan3A_6 to %scan3A_8 step %scan3A_9  : i32 {
      %mul3A_18 = arith.constant 1 : i32
      %mul3A_19 = arith.muli %scan3A_17, %mul3A_18 : i32
      %add3A_20 = arith.constant 0 : i32
      %add3A_21 = arith.addi %add3A_20, %mul3A_19 : i32
      %get3A = arith.index_cast %add3A_21 : i32 to index
      %get3A_22 = arith.constant 0 : index
      %get3A_23 = tpu.vector_load %arg9[%get3A, %get3A_22] {strides = array<i32>} : memref<125x80xi32, #tpu.memory_space<vmem>>, vector<16xi32>,
      %sub3A = arith.constant 5000 : i32
      %sub3A_24 = vector.broadcast %sub3A : i32 to vector<16xi32>
      %sub3A_25 = arith.subi %get3A_23, %sub3A_24 : vector<16xi32>
      %ge3A = arith.constant 0 : i32
      %ge3A_26 = vector.broadcast %ge3A : i32 to vector<16xi32>
      %ge3A_27 = arith.cmpi sge, %sub3A_25, %ge3A_26 : vector<16xi32>
      %lt3A = arith.constant 5000 : i32
      %lt3A_28 = vector.broadcast %lt3A : i32 to vector<16xi32>
      %lt3A_29 = arith.cmpi slt, %sub3A_25, %lt3A_28 : vector<16xi32>
      %and3A = arith.andi %ge3A_27, %lt3A_29 : vector<16xi1>
      tpu.vector_store_idx %arg10[%iota3A, %sub3A_25], %broadcast_in_dim3A_1 masked %and3A {add = true} : memref<16x5000xf32, #tpu.memory_space<vmem>>[vector<16xi32>, vector<16xi32>], vector<16xf32>, vector<16xi1>
      %get3A_30 = arith.index_cast %add3A_21 : i32 to index
      %get3A_31 = arith.constant 16 : index
      %get3A_32 = tpu.vector_load %arg9[%get3A_30, %get3A_31] {strides = array<i32>} : memref<125x80xi32, #tpu.memory_space<vmem>>, vector<16xi32>,
      %sub3A_33 = arith.constant 5000 : i32
      %sub3A_34 = vector.broadcast %sub3A_33 : i32 to vector<16xi32>
      %sub3A_35 = arith.subi %get3A_32, %sub3A_34 : vector<16xi32>
      %ge3A_36 = arith.constant 0 : i32
      %ge3A_37 = vector.broadcast %ge3A_36 : i32 to vector<16xi32>
      %ge3A_38 = arith.cmpi sge, %sub3A_35, %ge3A_37 : vector<16xi32>
      %lt3A_39 = arith.constant 5000 : i32
      %lt3A_40 = vector.broadcast %lt3A_39 : i32 to vector<16xi32>
      %lt3A_41 = arith.cmpi slt, %sub3A_35, %lt3A_40 : vector<16xi32>
      %and3A_42 = arith.andi %ge3A_38, %lt3A_41 : vector<16xi1>
      tpu.vector_store_idx %arg10[%iota3A, %sub3A_35], %broadcast_in_dim3A_1 masked %and3A_42 {add = true} : memref<16x5000xf32, #tpu.memory_space<vmem>>[vector<16xi32>, vector<16xi32>], vector<16xf32>, vector<16xi1>
      %get3A_43 = arith.index_cast %add3A_21 : i32 to index
      %get3A_44 = arith.constant 32 : index
      %get3A_45 = tpu.vector_load %arg9[%get3A_43, %get3A_44] {strides = array<i32>} : memref<125x80xi32, #tpu.memory_space<vmem>>, vector<16xi32>,
      %sub3A_46 = arith.constant 5000 : i32
      %sub3A_47 = vector.broadcast %sub3A_46 : i32 to vector<16xi32>
      %sub3A_48 = arith.subi %get3A_45, %sub3A_47 : vector<16xi32>
      %ge3A_49 = arith.constant 0 : i32
      %ge3A_50 = vector.broadcast %ge3A_49 : i32 to vector<16xi32>
      %ge3A_51 = arith.cmpi sge, %sub3A_48, %ge3A_50 : vector<16xi32>
      %lt3A_52 = arith.constant 5000 : i32
      %lt3A_53 = vector.broadcast %lt3A_52 : i32 to vector<16xi32>
      %lt3A_54 = arith.cmpi slt, %sub3A_48, %lt3A_53 : vector<16xi32>
      %and3A_55 = arith.andi %ge3A_51, %lt3A_54 : vector<16xi1>
      tpu.vector_store_idx %arg10[%iota3A, %sub3A_48], %broadcast_in_dim3A_1 masked %and3A_55 {add = true} : memref<16x5000xf32, #tpu.memory_space<vmem>>[vector<16xi32>, vector<16xi32>], vector<16xf32>, vector<16xi1>
      %get3A_56 = arith.index_cast %add3A_21 : i32 to index
      %get3A_57 = arith.constant 48 : index
      %get3A_58 = tpu.vector_load %arg9[%get3A_56, %get3A_57] {strides = array<i32>} : memref<125x80xi32, #tpu.memory_space<vmem>>, vector<16xi32>,
      %sub3A_59 = arith.constant 5000 : i32
      %sub3A_60 = vector.broadcast %sub3A_59 : i32 to vector<16xi32>
      %sub3A_61 = arith.subi %get3A_58, %sub3A_60 : vector<16xi32>
      %ge3A_62 = arith.constant 0 : i32
      %ge3A_63 = vector.broadcast %ge3A_62 : i32 to vector<16xi32>
      %ge3A_64 = arith.cmpi sge, %sub3A_61, %ge3A_63 : vector<16xi32>
      %lt3A_65 = arith.constant 5000 : i32
      %lt3A_66 = vector.broadcast %lt3A_65 : i32 to vector<16xi32>
      %lt3A_67 = arith.cmpi slt, %sub3A_61, %lt3A_66 : vector<16xi32>
      %and3A_68 = arith.andi %ge3A_64, %lt3A_67 : vector<16xi1>
      tpu.vector_store_idx %arg10[%iota3A, %sub3A_61], %broadcast_in_dim3A_1 masked %and3A_68 {add = true} : memref<16x5000xf32, #tpu.memory_space<vmem>>[vector<16xi32>, vector<16xi32>], vector<16xf32>, vector<16xi1>
      %get3A_69 = arith.index_cast %add3A_21 : i32 to index
      %get3A_70 = arith.constant 64 : index
      %get3A_71 = tpu.vector_load %arg9[%get3A_69, %get3A_70] {strides = array<i32>} : memref<125x80xi32, #tpu.memory_space<vmem>>, vector<16xi32>,
      %sub3A_72 = arith.constant 5000 : i32
      %sub3A_73 = vector.broadcast %sub3A_72 : i32 to vector<16xi32>
      %sub3A_74 = arith.subi %get3A_71, %sub3A_73 : vector<16xi32>
      %ge3A_75 = arith.constant 0 : i32
      %ge3A_76 = vector.broadcast %ge3A_75 : i32 to vector<16xi32>
      %ge3A_77 = arith.cmpi sge, %sub3A_74, %ge3A_76 : vector<16xi32>
      %lt3A_78 = arith.constant 5000 : i32
      %lt3A_79 = vector.broadcast %lt3A_78 : i32 to vector<16xi32>
      %lt3A_80 = arith.cmpi slt, %sub3A_74, %lt3A_79 : vector<16xi32>
      %and3A_81 = arith.andi %ge3A_77, %lt3A_80 : vector<16xi1>
      tpu.vector_store_idx %arg10[%iota3A, %sub3A_74], %broadcast_in_dim3A_1 masked %and3A_81 {add = true} : memref<16x5000xf32, #tpu.memory_space<vmem>>[vector<16xi32>, vector<16xi32>], vector<16xf32>, vector<16xi1>
    }
    %scan3A_10 = arith.constant 125 : i32
    %run_scoped3A_11 = arith.constant 1 : i32
    "tpu.region"() ({
      %run_scoped3A_17 = tpu.sem_alloc : memref<!tpu.dma_semaphore, #tpu.memory_space<semaphore_mem>>
      %dma_start3A = arith.constant 0 : i32
      %dma_start3A_18 = arith.constant 0 : i32
      %dma_start3A_19 = tpu.memref_slice %arg5[%add3A, %run_scoped3A_11, %dma_start3A, %dma_start3A_18] : memref<32x2x16x5000xf32, #tpu.memory_space<hbm>> -> memref<1x1x16x5000xf32, #tpu.memory_space<hbm>>
      %dma_start3A_20 = tpu.memref_squeeze %dma_start3A_19 : memref<1x1x16x5000xf32, #tpu.memory_space<hbm>> -> memref<16x5000xf32, #tpu.memory_space<hbm>>
      %dma_start3A_21 = arith.constant 0 : i32
      %dma_start3A_22 = arith.constant 0 : i32
      %dma_start3A_23 = tpu.memref_slice %arg5[%add3A, %run_scoped3A_11, %dma_start3A_21, %dma_start3A_22] : memref<32x2x16x5000xf32, #tpu.memory_space<hbm>> -> memref<1x1x16x5000xf32, #tpu.memory_space<hbm>>
      %dma_start3A_24 = tpu.memref_squeeze %dma_start3A_23 : memref<1x1x16x5000xf32, #tpu.memory_space<hbm>> -> memref<16x5000xf32, #tpu.memory_space<hbm>>
      tpu.enqueue_dma source(%arg10 : memref<16x5000xf32, #tpu.memory_space<vmem>>) target(%dma_start3A_24 : memref<16x5000xf32, #tpu.memory_space<hbm>>) target_semaphore(%run_scoped3A_17 : memref<!tpu.dma_semaphore, #tpu.memory_space<semaphore_mem>>)
      %dma_wait3A = arith.constant 0 : i32
      %dma_wait3A_25 = arith.constant 0 : i32
      %dma_wait3A_26 = tpu.memref_slice %arg5[%add3A, %run_scoped3A_11, %dma_wait3A, %dma_wait3A_25] : memref<32x2x16x5000xf32, #tpu.memory_space<hbm>> -> memref<1x1x16x5000xf32, #tpu.memory_space<hbm>>
      %dma_wait3A_27 = tpu.memref_squeeze %dma_wait3A_26 : memref<1x1x16x5000xf32, #tpu.memory_space<hbm>> -> memref<16x5000xf32, #tpu.memory_space<hbm>>
      %dma_wait3A_28 = arith.constant 0 : i32
      %dma_wait3A_29 = arith.constant 0 : i32
      %dma_wait3A_30 = tpu.memref_slice %arg5[%add3A, %run_scoped3A_11, %dma_wait3A_28, %dma_wait3A_29] : memref<32x2x16x5000xf32, #tpu.memory_space<hbm>> -> memref<1x1x16x5000xf32, #tpu.memory_space<hbm>>
      %dma_wait3A_31 = tpu.memref_squeeze %dma_wait3A_30 : memref<1x1x16x5000xf32, #tpu.memory_space<hbm>> -> memref<16x5000xf32, #tpu.memory_space<hbm>>
      tpu.wait_dma2 semaphore(%run_scoped3A_17 : memref<!tpu.dma_semaphore, #tpu.memory_space<semaphore_mem>>) src(%arg10 : memref<16x5000xf32, #tpu.memory_space<vmem>>) dst(%dma_wait3A_31 : memref<16x5000xf32, #tpu.memory_space<hbm>>)
      tpu.yield
    }) : () -> ()
    %scan3A_12 = arith.constant 0 : i32
    %scan3A_13 = arith.constant 125 : i32
    %scan3A_14 = arith.addi %scan3A_12, %scan3A_13 : i32
    %scan3A_15 = arith.constant 1 : i32
    scf.for %scan3A_17 = %scan3A_12 to %scan3A_14 step %scan3A_15  : i32 {
      %mul3A_18 = arith.constant 1 : i32
      %mul3A_19 = arith.muli %scan3A_17, %mul3A_18 : i32
      %add3A_20 = arith.constant 0 : i32
      %add3A_21 = arith.addi %add3A_20, %mul3A_19 : i32
      %mul3A_22 = arith.constant 80 : i32
      %mul3A_23 = arith.muli %add3A_21, %mul3A_22 : i32
      %add3A_24 = arith.constant 0 : i32
      %add3A_25 = arith.addi %mul3A_23, %add3A_24 : i32
      %get3A = arith.index_cast %add3A_25 : i32 to index
      %get3A_26 = tpu.vector_load %arg8[%get3A] {strides = array<i32>} : memref<10000xi32, #tpu.memory_space<vmem>>, vector<16xi32>,
      %get3A_27 = arith.index_cast %add3A_21 : i32 to index
      %get3A_28 = arith.constant 0 : index
      %get3A_29 = tpu.vector_load %arg9[%get3A_27, %get3A_28] {strides = array<i32>} : memref<125x80xi32, #tpu.memory_space<vmem>>, vector<16xi32>,
      %and3A = arith.constant 1 : i32
      %and3A_30 = vector.broadcast %and3A : i32 to vector<16xi32>
      %and3A_31 = arith.andi %get3A_29, %and3A_30 : vector<16xi32>
      %mul3A_32 = arith.constant 10000 : i32
      %mul3A_33 = vector.broadcast %mul3A_32 : i32 to vector<16xi32>
      %mul3A_34 = arith.muli %and3A_31, %mul3A_33 : vector<16xi32>
      %add3A_35 = arith.addi %get3A_26, %mul3A_34 : vector<16xi32>
      %swap3A = arith.index_cast %add3A_25 : i32 to index
      %swap3A_36 = tpu.vector_load %arg8[%swap3A] {strides = array<i32>} : memref<10000xi32, #tpu.memory_space<vmem>>, vector<16xi32>,
      tpu.vector_store %arg8[%swap3A], %add3A_35 {strides = array<i32>} : memref<10000xi32, #tpu.memory_space<vmem>>, vector<16xi32>,
      %shift_right_logical3A = arith.constant 1 : i32
      %shift_right_logical3A_37 = vector.broadcast %shift_right_logical3A : i32 to vector<16xi32>
      %shift_right_logical3A_38 = arith.shrui %get3A_29, %shift_right_logical3A_37 : vector<16xi32>
      %swap3A_39 = arith.index_cast %add3A_21 : i32 to index
      %swap3A_40 = arith.constant 0 : index
      %swap3A_41 = tpu.vector_load %arg9[%swap3A_39, %swap3A_40] {strides = array<i32>} : memref<125x80xi32, #tpu.memory_space<vmem>>, vector<16xi32>,
      tpu.vector_store %arg9[%swap3A_39, %swap3A_40], %shift_right_logical3A_38 {strides = array<i32>} : memref<125x80xi32, #tpu.memory_space<vmem>>, vector<16xi32>,
      %mul3A_42 = arith.constant 80 : i32
      %mul3A_43 = arith.muli %add3A_21, %mul3A_42 : i32
      %add3A_44 = arith.constant 16 : i32
      %add3A_45 = arith.addi %mul3A_43, %add3A_44 : i32
      %get3A_46 = arith.index_cast %add3A_45 : i32 to index
      %get3A_47 = tpu.vector_load %arg8[%get3A_46] {strides = array<i32>} : memref<10000xi32, #tpu.memory_space<vmem>>, vector<16xi32>,
      %get3A_48 = arith.index_cast %add3A_21 : i32 to index
      %get3A_49 = arith.constant 16 : index
      %get3A_50 = tpu.vector_load %arg9[%get3A_48, %get3A_49] {strides = array<i32>} : memref<125x80xi32, #tpu.memory_space<vmem>>, vector<16xi32>,
      %and3A_51 = arith.constant 1 : i32
      %and3A_52 = vector.broadcast %and3A_51 : i32 to vector<16xi32>
      %and3A_53 = arith.andi %get3A_50, %and3A_52 : vector<16xi32>
      %mul3A_54 = arith.constant 10000 : i32
      %mul3A_55 = vector.broadcast %mul3A_54 : i32 to vector<16xi32>
      %mul3A_56 = arith.muli %and3A_53, %mul3A_55 : vector<16xi32>
      %add3A_57 = arith.addi %get3A_47, %mul3A_56 : vector<16xi32>
      %swap3A_58 = arith.index_cast %add3A_45 : i32 to index
      %swap3A_59 = tpu.vector_load %arg8[%swap3A_58] {strides = array<i32>} : memref<10000xi32, #tpu.memory_space<vmem>>, vector<16xi32>,
      tpu.vector_store %arg8[%swap3A_58], %add3A_57 {strides = array<i32>} : memref<10000xi32, #tpu.memory_space<vmem>>, vector<16xi32>,
      %shift_right_logical3A_60 = arith.constant 1 : i32
      %shift_right_logical3A_61 = vector.broadcast %shift_right_logical3A_60 : i32 to vector<16xi32>
      %shift_right_logical3A_62 = arith.shrui %get3A_50, %shift_right_logical3A_61 : vector<16xi32>
      %swap3A_63 = arith.index_cast %add3A_21 : i32 to index
      %swap3A_64 = arith.constant 16 : index
      %swap3A_65 = tpu.vector_load %arg9[%swap3A_63, %swap3A_64] {strides = array<i32>} : memref<125x80xi32, #tpu.memory_space<vmem>>, vector<16xi32>,
      tpu.vector_store %arg9[%swap3A_63, %swap3A_64], %shift_right_logical3A_62 {strides = array<i32>} : memref<125x80xi32, #tpu.memory_space<vmem>>, vector<16xi32>,
      %mul3A_66 = arith.constant 80 : i32
      %mul3A_67 = arith.muli %add3A_21, %mul3A_66 : i32
      %add3A_68 = arith.constant 32 : i32
      %add3A_69 = arith.addi %mul3A_67, %add3A_68 : i32
      %get3A_70 = arith.index_cast %add3A_69 : i32 to index
      %get3A_71 = tpu.vector_load %arg8[%get3A_70] {strides = array<i32>} : memref<10000xi32, #tpu.memory_space<vmem>>, vector<16xi32>,
      %get3A_72 = arith.index_cast %add3A_21 : i32 to index
      %get3A_73 = arith.constant 32 : index
      %get3A_74 = tpu.vector_load %arg9[%get3A_72, %get3A_73] {strides = array<i32>} : memref<125x80xi32, #tpu.memory_space<vmem>>, vector<16xi32>,
      %and3A_75 = arith.constant 1 : i32
      %and3A_76 = vector.broadcast %and3A_75 : i32 to vector<16xi32>
      %and3A_77 = arith.andi %get3A_74, %and3A_76 : vector<16xi32>
      %mul3A_78 = arith.constant 10000 : i32
      %mul3A_79 = vector.broadcast %mul3A_78 : i32 to vector<16xi32>
      %mul3A_80 = arith.muli %and3A_77, %mul3A_79 : vector<16xi32>
      %add3A_81 = arith.addi %get3A_71, %mul3A_80 : vector<16xi32>
      %swap3A_82 = arith.index_cast %add3A_69 : i32 to index
      %swap3A_83 = tpu.vector_load %arg8[%swap3A_82] {strides = array<i32>} : memref<10000xi32, #tpu.memory_space<vmem>>, vector<16xi32>,
      tpu.vector_store %arg8[%swap3A_82], %add3A_81 {strides = array<i32>} : memref<10000xi32, #tpu.memory_space<vmem>>, vector<16xi32>,
      %shift_right_logical3A_84 = arith.constant 1 : i32
      %shift_right_logical3A_85 = vector.broadcast %shift_right_logical3A_84 : i32 to vector<16xi32>
      %shift_right_logical3A_86 = arith.shrui %get3A_74, %shift_right_logical3A_85 : vector<16xi32>
      %swap3A_87 = arith.index_cast %add3A_21 : i32 to index
      %swap3A_88 = arith.constant 32 : index
      %swap3A_89 = tpu.vector_load %arg9[%swap3A_87, %swap3A_88] {strides = array<i32>} : memref<125x80xi32, #tpu.memory_space<vmem>>, vector<16xi32>,
      tpu.vector_store %arg9[%swap3A_87, %swap3A_88], %shift_right_logical3A_86 {strides = array<i32>} : memref<125x80xi32, #tpu.memory_space<vmem>>, vector<16xi32>,
      %mul3A_90 = arith.constant 80 : i32
      %mul3A_91 = arith.muli %add3A_21, %mul3A_90 : i32
      %add3A_92 = arith.constant 48 : i32
      %add3A_93 = arith.addi %mul3A_91, %add3A_92 : i32
      %get3A_94 = arith.index_cast %add3A_93 : i32 to index
      %get3A_95 = tpu.vector_load %arg8[%get3A_94] {strides = array<i32>} : memref<10000xi32, #tpu.memory_space<vmem>>, vector<16xi32>,
      %get3A_96 = arith.index_cast %add3A_21 : i32 to index
      %get3A_97 = arith.constant 48 : index
      %get3A_98 = tpu.vector_load %arg9[%get3A_96, %get3A_97] {strides = array<i32>} : memref<125x80xi32, #tpu.memory_space<vmem>>, vector<16xi32>,
      %and3A_99 = arith.constant 1 : i32
      %and3A_100 = vector.broadcast %and3A_99 : i32 to vector<16xi32>
      %and3A_101 = arith.andi %get3A_98, %and3A_100 : vector<16xi32>
      %mul3A_102 = arith.constant 10000 : i32
      %mul3A_103 = vector.broadcast %mul3A_102 : i32 to vector<16xi32>
      %mul3A_104 = arith.muli %and3A_101, %mul3A_103 : vector<16xi32>
      %add3A_105 = arith.addi %get3A_95, %mul3A_104 : vector<16xi32>
      %swap3A_106 = arith.index_cast %add3A_93 : i32 to index
      %swap3A_107 = tpu.vector_load %arg8[%swap3A_106] {strides = array<i32>} : memref<10000xi32, #tpu.memory_space<vmem>>, vector<16xi32>,
      tpu.vector_store %arg8[%swap3A_106], %add3A_105 {strides = array<i32>} : memref<10000xi32, #tpu.memory_space<vmem>>, vector<16xi32>,
      %shift_right_logical3A_108 = arith.constant 1 : i32
      %shift_right_logical3A_109 = vector.broadcast %shift_right_logical3A_108 : i32 to vector<16xi32>
      %shift_right_logical3A_110 = arith.shrui %get3A_98, %shift_right_logical3A_109 : vector<16xi32>
      %swap3A_111 = arith.index_cast %add3A_21 : i32 to index
      %swap3A_112 = arith.constant 48 : index
      %swap3A_113 = tpu.vector_load %arg9[%swap3A_111, %swap3A_112] {strides = array<i32>} : memref<125x80xi32, #tpu.memory_space<vmem>>, vector<16xi32>,
      tpu.vector_store %arg9[%swap3A_111, %swap3A_112], %shift_right_logical3A_110 {strides = array<i32>} : memref<125x80xi32, #tpu.memory_space<vmem>>, vector<16xi32>,
      %mul3A_114 = arith.constant 80 : i32
      %mul3A_115 = arith.muli %add3A_21, %mul3A_114 : i32
      %add3A_116 = arith.constant 64 : i32
      %add3A_117 = arith.addi %mul3A_115, %add3A_116 : i32
      %get3A_118 = arith.index_cast %add3A_117 : i32 to index
      %get3A_119 = tpu.vector_load %arg8[%get3A_118] {strides = array<i32>} : memref<10000xi32, #tpu.memory_space<vmem>>, vector<16xi32>,
      %get3A_120 = arith.index_cast %add3A_21 : i32 to index
      %get3A_121 = arith.constant 64 : index
      %get3A_122 = tpu.vector_load %arg9[%get3A_120, %get3A_121] {strides = array<i32>} : memref<125x80xi32, #tpu.memory_space<vmem>>, vector<16xi32>,
      %and3A_123 = arith.constant 1 : i32
      %and3A_124 = vector.broadcast %and3A_123 : i32 to vector<16xi32>
      %and3A_125 = arith.andi %get3A_122, %and3A_124 : vector<16xi32>
      %mul3A_126 = arith.constant 10000 : i32
      %mul3A_127 = vector.broadcast %mul3A_126 : i32 to vector<16xi32>
      %mul3A_128 = arith.muli %and3A_125, %mul3A_127 : vector<16xi32>
      %add3A_129 = arith.addi %get3A_119, %mul3A_128 : vector<16xi32>
      %swap3A_130 = arith.index_cast %add3A_117 : i32 to index
      %swap3A_131 = tpu.vector_load %arg8[%swap3A_130] {strides = array<i32>} : memref<10000xi32, #tpu.memory_space<vmem>>, vector<16xi32>,
      tpu.vector_store %arg8[%swap3A_130], %add3A_129 {strides = array<i32>} : memref<10000xi32, #tpu.memory_space<vmem>>, vector<16xi32>,
      %shift_right_logical3A_132 = arith.constant 1 : i32
      %shift_right_logical3A_133 = vector.broadcast %shift_right_logical3A_132 : i32 to vector<16xi32>
      %shift_right_logical3A_134 = arith.shrui %get3A_122, %shift_right_logical3A_133 : vector<16xi32>
      %swap3A_135 = arith.index_cast %add3A_21 : i32 to index
      %swap3A_136 = arith.constant 64 : index
      %swap3A_137 = tpu.vector_load %arg9[%swap3A_135, %swap3A_136] {strides = array<i32>} : memref<125x80xi32, #tpu.memory_space<vmem>>, vector<16xi32>,
      tpu.vector_store %arg9[%swap3A_135, %swap3A_136], %shift_right_logical3A_134 {strides = array<i32>} : memref<125x80xi32, #tpu.memory_space<vmem>>, vector<16xi32>,
    }
    %scan3A_16 = arith.constant 125 : i32
    "tpu.region"() ({
      %run_scoped3A_17 = tpu.sem_alloc : memref<!tpu.dma_semaphore, #tpu.memory_space<semaphore_mem>>
      %dma_start3A = arith.constant 0 : i32
      %dma_start3A_18 = tpu.memref_slice %arg6[%add3A, %dma_start3A] : memref<32x10000xi32, #tpu.memory_space<hbm>> -> memref<1x10000xi32, #tpu.memory_space<hbm>>
      %dma_start3A_19 = tpu.memref_squeeze %dma_start3A_18 : memref<1x10000xi32, #tpu.memory_space<hbm>> -> memref<10000xi32, #tpu.memory_space<hbm>>
      %dma_start3A_20 = arith.constant 0 : i32
      %dma_start3A_21 = tpu.memref_slice %arg6[%add3A, %dma_start3A_20] : memref<32x10000xi32, #tpu.memory_space<hbm>> -> memref<1x10000xi32, #tpu.memory_space<hbm>>
      %dma_start3A_22 = tpu.memref_squeeze %dma_start3A_21 : memref<1x10000xi32, #tpu.memory_space<hbm>> -> memref<10000xi32, #tpu.memory_space<hbm>>
      tpu.enqueue_dma source(%arg8 : memref<10000xi32, #tpu.memory_space<vmem>>) target(%dma_start3A_22 : memref<10000xi32, #tpu.memory_space<hbm>>) target_semaphore(%run_scoped3A_17 : memref<!tpu.dma_semaphore, #tpu.memory_space<semaphore_mem>>)
      %dma_wait3A = arith.constant 0 : i32
      %dma_wait3A_23 = tpu.memref_slice %arg6[%add3A, %dma_wait3A] : memref<32x10000xi32, #tpu.memory_space<hbm>> -> memref<1x10000xi32, #tpu.memory_space<hbm>>
      %dma_wait3A_24 = tpu.memref_squeeze %dma_wait3A_23 : memref<1x10000xi32, #tpu.memory_space<hbm>> -> memref<10000xi32, #tpu.memory_space<hbm>>
      %dma_wait3A_25 = arith.constant 0 : i32
      %dma_wait3A_26 = tpu.memref_slice %arg6[%add3A, %dma_wait3A_25] : memref<32x10000xi32, #tpu.memory_space<hbm>> -> memref<1x10000xi32, #tpu.memory_space<hbm>>
      %dma_wait3A_27 = tpu.memref_squeeze %dma_wait3A_26 : memref<1x10000xi32, #tpu.memory_space<hbm>> -> memref<10000xi32, #tpu.memory_space<hbm>>
      tpu.wait_dma2 semaphore(%run_scoped3A_17 : memref<!tpu.dma_semaphore, #tpu.memory_space<semaphore_mem>>) src(%arg8 : memref<10000xi32, #tpu.memory_space<vmem>>) dst(%dma_wait3A_27 : memref<10000xi32, #tpu.memory_space<hbm>>)
      tpu.yield
    }) : () -> ()
    "tpu.region"() ({
      %run_scoped3A_17 = tpu.sem_alloc : memref<!tpu.dma_semaphore, #tpu.memory_space<semaphore_mem>>
      %dma_start3A = arith.constant 0 : i32
      %dma_start3A_18 = arith.constant 0 : i32
      %dma_start3A_19 = tpu.memref_slice %arg7[%add3A, %dma_start3A, %dma_start3A_18] : memref<32x125x80xi32, #tpu.memory_space<hbm>> -> memref<1x125x80xi32, #tpu.memory_space<hbm>>
      %dma_start3A_20 = tpu.memref_squeeze %dma_start3A_19 : memref<1x125x80xi32, #tpu.memory_space<hbm>> -> memref<125x80xi32, #tpu.memory_space<hbm>>
      %dma_start3A_21 = arith.constant 0 : i32
      %dma_start3A_22 = arith.constant 0 : i32
      %dma_start3A_23 = tpu.memref_slice %arg7[%add3A, %dma_start3A_21, %dma_start3A_22] : memref<32x125x80xi32, #tpu.memory_space<hbm>> -> memref<1x125x80xi32, #tpu.memory_space<hbm>>
      %dma_start3A_24 = tpu.memref_squeeze %dma_start3A_23 : memref<1x125x80xi32, #tpu.memory_space<hbm>> -> memref<125x80xi32, #tpu.memory_space<hbm>>
      tpu.enqueue_dma source(%arg9 : memref<125x80xi32, #tpu.memory_space<vmem>>) target(%dma_start3A_24 : memref<125x80xi32, #tpu.memory_space<hbm>>) target_semaphore(%run_scoped3A_17 : memref<!tpu.dma_semaphore, #tpu.memory_space<semaphore_mem>>)
      %dma_wait3A = arith.constant 0 : i32
      %dma_wait3A_25 = arith.constant 0 : i32
      %dma_wait3A_26 = tpu.memref_slice %arg7[%add3A, %dma_wait3A, %dma_wait3A_25] : memref<32x125x80xi32, #tpu.memory_space<hbm>> -> memref<1x125x80xi32, #tpu.memory_space<hbm>>
      %dma_wait3A_27 = tpu.memref_squeeze %dma_wait3A_26 : memref<1x125x80xi32, #tpu.memory_space<hbm>> -> memref<125x80xi32, #tpu.memory_space<hbm>>
      %dma_wait3A_28 = arith.constant 0 : i32
      %dma_wait3A_29 = arith.constant 0 : i32
      %dma_wait3A_30 = tpu.memref_slice %arg7[%add3A, %dma_wait3A_28, %dma_wait3A_29] : memref<32x125x80xi32, #tpu.memory_space<hbm>> -> memref<1x125x80xi32, #tpu.memory_space<hbm>>
      %dma_wait3A_31 = tpu.memref_squeeze %dma_wait3A_30 : memref<1x125x80xi32, #tpu.memory_space<hbm>> -> memref<125x80xi32, #tpu.memory_space<hbm>>
      tpu.wait_dma2 semaphore(%run_scoped3A_17 : memref<!tpu.dma_semaphore, #tpu.memory_space<semaphore_mem>>) src(%arg9 : memref<125x80xi32, #tpu.memory_space<vmem>>) dst(%dma_wait3A_31 : memref<125x80xi32, #tpu.memory_space<hbm>>)
      tpu.yield
    }) : () -> ()
    return
  }
}

#map = affine_map<(d0, d1) -> (0, 0)>
#map1 = affine_map<(d0, d1) -> (0, 0, 0)>
module attributes {stable_mosaic.version = 14 : i64} {
  func.func @k(%arg0: i32, %arg1: i32, %arg2: memref<20000x128xf32, #tpu.memory_space<hbm>>, %arg3: memref<32x10000xi32, #tpu.memory_space<hbm>>, %arg4: memref<32x125x80xi32, #tpu.memory_space<hbm>>, %arg5: memref<5120x128xf32, #tpu.memory_space<hbm>>, %arg6: memref<2x5120x128xf32, #tpu.memory_space<hbm>>, %arg7: memref<10000xi32, #tpu.memory_space<vmem>>, %arg8: memref<125x80xi32, #tpu.memory_space<vmem>>, %arg9: memref<80x128xf32, #tpu.memory_space<vmem>>, %arg10: memref<80x128xf32, #tpu.memory_space<vmem>>, %arg11: memref<5120x128xf32, #tpu.memory_space<vmem_shared>>, %arg12: memref<!tpu.dma_semaphore, #tpu.memory_space<semaphore_mem>>, %arg13: memref<!tpu.dma_semaphore, #tpu.memory_space<semaphore_mem>>) attributes {dimension_semantics = [#tpu.dimension_semantics<core_parallel>, #tpu.dimension_semantics<subcore_parallel>], iteration_bounds = array<i64: 2, 16>, scalar_prefetch = 0 : i64, scratch_operands = 7 : i64, tpu.core_type = #tpu.core_type<sc_vector_subcore>, window_params = [{transform_indices = #map}, {transform_indices = #map}, {transform_indices = #map1}, {transform_indices = #map}, {transform_indices = #map1}]} {
    %mul3A = arith.constant 16 : i32
    %mul3A_0 = arith.muli %arg0, %mul3A : i32
    %add3A = arith.addi %mul3A_0, %arg1 : i32
    %mul3A_1 = arith.constant 320 : i32
    %mul3A_2 = arith.muli %arg1, %mul3A_1 : i32
    %mul3A_3 = arith.constant 320 : i32
    %mul3A_4 = arith.muli %arg1, %mul3A_3 : i32
    "tpu.region"() ({
      %run_scoped3A_22 = tpu.sem_alloc : memref<!tpu.dma_semaphore, #tpu.memory_space<semaphore_mem>>
      %dma_start3A_23 = arith.constant 0 : i32
      %dma_start3A_24 = tpu.memref_slice %arg11[%mul3A_4, %dma_start3A_23] : memref<5120x128xf32, #tpu.memory_space<vmem_shared>> -> memref<320x128xf32, #tpu.memory_space<vmem_shared>>
      %dma_start3A_25 = arith.constant 0 : i32
      %dma_start3A_26 = tpu.memref_slice %arg5[%mul3A_2, %dma_start3A_25] : memref<5120x128xf32, #tpu.memory_space<hbm>> -> memref<320x128xf32, #tpu.memory_space<hbm>>
      tpu.enqueue_dma source(%dma_start3A_26 : memref<320x128xf32, #tpu.memory_space<hbm>>) target(%dma_start3A_24 : memref<320x128xf32, #tpu.memory_space<vmem_shared>>) target_semaphore(%run_scoped3A_22 : memref<!tpu.dma_semaphore, #tpu.memory_space<semaphore_mem>>)
      %dma_wait3A_27 = arith.constant 0 : i32
      %dma_wait3A_28 = tpu.memref_slice %arg11[%mul3A_4, %dma_wait3A_27] : memref<5120x128xf32, #tpu.memory_space<vmem_shared>> -> memref<320x128xf32, #tpu.memory_space<vmem_shared>>
      %dma_wait3A_29 = arith.constant 0 : i32
      %dma_wait3A_30 = tpu.memref_slice %arg5[%mul3A_2, %dma_wait3A_29] : memref<5120x128xf32, #tpu.memory_space<hbm>> -> memref<320x128xf32, #tpu.memory_space<hbm>>
      tpu.wait_dma2 semaphore(%run_scoped3A_22 : memref<!tpu.dma_semaphore, #tpu.memory_space<semaphore_mem>>) src(%dma_wait3A_30 : memref<320x128xf32, #tpu.memory_space<hbm>>) dst(%dma_wait3A_28 : memref<320x128xf32, #tpu.memory_space<vmem_shared>>)
      tpu.yield
    }) : () -> ()
    "tpu.region"() ({
      %run_scoped3A_22 = tpu.sem_alloc : memref<!tpu.dma_semaphore, #tpu.memory_space<semaphore_mem>>
      %dma_start3A_23 = arith.constant 0 : i32
      %dma_start3A_24 = tpu.memref_slice %arg3[%add3A, %dma_start3A_23] : memref<32x10000xi32, #tpu.memory_space<hbm>> -> memref<1x10000xi32, #tpu.memory_space<hbm>>
      %dma_start3A_25 = tpu.memref_squeeze %dma_start3A_24 : memref<1x10000xi32, #tpu.memory_space<hbm>> -> memref<10000xi32, #tpu.memory_space<hbm>>
      %dma_start3A_26 = arith.constant 0 : i32
      %dma_start3A_27 = tpu.memref_slice %arg3[%add3A, %dma_start3A_26] : memref<32x10000xi32, #tpu.memory_space<hbm>> -> memref<1x10000xi32, #tpu.memory_space<hbm>>
      %dma_start3A_28 = tpu.memref_squeeze %dma_start3A_27 : memref<1x10000xi32, #tpu.memory_space<hbm>> -> memref<10000xi32, #tpu.memory_space<hbm>>
      tpu.enqueue_dma source(%dma_start3A_28 : memref<10000xi32, #tpu.memory_space<hbm>>) target(%arg7 : memref<10000xi32, #tpu.memory_space<vmem>>) target_semaphore(%run_scoped3A_22 : memref<!tpu.dma_semaphore, #tpu.memory_space<semaphore_mem>>)
      %dma_wait3A_29 = arith.constant 0 : i32
      %dma_wait3A_30 = tpu.memref_slice %arg3[%add3A, %dma_wait3A_29] : memref<32x10000xi32, #tpu.memory_space<hbm>> -> memref<1x10000xi32, #tpu.memory_space<hbm>>
      %dma_wait3A_31 = tpu.memref_squeeze %dma_wait3A_30 : memref<1x10000xi32, #tpu.memory_space<hbm>> -> memref<10000xi32, #tpu.memory_space<hbm>>
      %dma_wait3A_32 = arith.constant 0 : i32
      %dma_wait3A_33 = tpu.memref_slice %arg3[%add3A, %dma_wait3A_32] : memref<32x10000xi32, #tpu.memory_space<hbm>> -> memref<1x10000xi32, #tpu.memory_space<hbm>>
      %dma_wait3A_34 = tpu.memref_squeeze %dma_wait3A_33 : memref<1x10000xi32, #tpu.memory_space<hbm>> -> memref<10000xi32, #tpu.memory_space<hbm>>
      tpu.wait_dma2 semaphore(%run_scoped3A_22 : memref<!tpu.dma_semaphore, #tpu.memory_space<semaphore_mem>>) src(%dma_wait3A_34 : memref<10000xi32, #tpu.memory_space<hbm>>) dst(%arg7 : memref<10000xi32, #tpu.memory_space<vmem>>)
      tpu.yield
    }) : () -> ()
    "tpu.region"() ({
      %run_scoped3A_22 = tpu.sem_alloc : memref<!tpu.dma_semaphore, #tpu.memory_space<semaphore_mem>>
      %dma_start3A_23 = arith.constant 0 : i32
      %dma_start3A_24 = arith.constant 0 : i32
      %dma_start3A_25 = tpu.memref_slice %arg4[%add3A, %dma_start3A_23, %dma_start3A_24] : memref<32x125x80xi32, #tpu.memory_space<hbm>> -> memref<1x125x80xi32, #tpu.memory_space<hbm>>
      %dma_start3A_26 = tpu.memref_squeeze %dma_start3A_25 : memref<1x125x80xi32, #tpu.memory_space<hbm>> -> memref<125x80xi32, #tpu.memory_space<hbm>>
      %dma_start3A_27 = arith.constant 0 : i32
      %dma_start3A_28 = arith.constant 0 : i32
      %dma_start3A_29 = tpu.memref_slice %arg4[%add3A, %dma_start3A_27, %dma_start3A_28] : memref<32x125x80xi32, #tpu.memory_space<hbm>> -> memref<1x125x80xi32, #tpu.memory_space<hbm>>
      %dma_start3A_30 = tpu.memref_squeeze %dma_start3A_29 : memref<1x125x80xi32, #tpu.memory_space<hbm>> -> memref<125x80xi32, #tpu.memory_space<hbm>>
      tpu.enqueue_dma source(%dma_start3A_30 : memref<125x80xi32, #tpu.memory_space<hbm>>) target(%arg8 : memref<125x80xi32, #tpu.memory_space<vmem>>) target_semaphore(%run_scoped3A_22 : memref<!tpu.dma_semaphore, #tpu.memory_space<semaphore_mem>>)
      %dma_wait3A_31 = arith.constant 0 : i32
      %dma_wait3A_32 = arith.constant 0 : i32
      %dma_wait3A_33 = tpu.memref_slice %arg4[%add3A, %dma_wait3A_31, %dma_wait3A_32] : memref<32x125x80xi32, #tpu.memory_space<hbm>> -> memref<1x125x80xi32, #tpu.memory_space<hbm>>
      %dma_wait3A_34 = tpu.memref_squeeze %dma_wait3A_33 : memref<1x125x80xi32, #tpu.memory_space<hbm>> -> memref<125x80xi32, #tpu.memory_space<hbm>>
      %dma_wait3A_35 = arith.constant 0 : i32
      %dma_wait3A_36 = arith.constant 0 : i32
      %dma_wait3A_37 = tpu.memref_slice %arg4[%add3A, %dma_wait3A_35, %dma_wait3A_36] : memref<32x125x80xi32, #tpu.memory_space<hbm>> -> memref<1x125x80xi32, #tpu.memory_space<hbm>>
      %dma_wait3A_38 = tpu.memref_squeeze %dma_wait3A_37 : memref<1x125x80xi32, #tpu.memory_space<hbm>> -> memref<125x80xi32, #tpu.memory_space<hbm>>
      tpu.wait_dma2 semaphore(%run_scoped3A_22 : memref<!tpu.dma_semaphore, #tpu.memory_space<semaphore_mem>>) src(%dma_wait3A_38 : memref<125x80xi32, #tpu.memory_space<hbm>>) dst(%arg8 : memref<125x80xi32, #tpu.memory_space<vmem>>)
      tpu.yield
    }) : () -> ()
    %barrier3A = arith.constant 0 : index
    tpu.barrier barrier_id(%barrier3A)
    %dma_start3A = arith.constant 0 : i32
    %dma_start3A_5 = tpu.memref_slice %arg7[%dma_start3A] : memref<10000xi32, #tpu.memory_space<vmem>> -> memref<80xi32, #tpu.memory_space<vmem>>
    %dma_start3A_6 = arith.constant 0 : i32
    %dma_start3A_7 = arith.constant 0 : i32
    %dma_start3A_8 = tpu.memref_slice %arg2[%dma_start3A_6, %dma_start3A_7] : memref<20000x128xf32, #tpu.memory_space<hbm>> -> memref<20000x128xf32, #tpu.memory_space<hbm>>
    tpu.enqueue_indirect_dma source(%dma_start3A_8 : memref<20000x128xf32, #tpu.memory_space<hbm>>) target(%arg9 : memref<80x128xf32, #tpu.memory_space<vmem>>) offsets(%dma_start3A_5 : memref<80xi32, #tpu.memory_space<vmem>>) semaphore(%arg12 : memref<!tpu.dma_semaphore, #tpu.memory_space<semaphore_mem>>)
    %scan3A = arith.constant 0 : i32
    %scan3A_9 = arith.constant 62 : i32
    %scan3A_10 = arith.addi %scan3A, %scan3A_9 : i32
    %scan3A_11 = arith.constant 1 : i32
    scf.for %scan3A_22 = %scan3A to %scan3A_10 step %scan3A_11  : i32 {
      %mul3A_23 = arith.constant 1 : i32
      %mul3A_24 = arith.muli %scan3A_22, %mul3A_23 : i32
      %add3A_25 = arith.constant 0 : i32
      %add3A_26 = arith.addi %add3A_25, %mul3A_24 : i32
      %mul3A_27 = arith.constant 2 : i32
      %mul3A_28 = arith.muli %mul3A_27, %add3A_26 : i32
      %mul3A_29 = arith.constant 80 : i32
      %mul3A_30 = arith.muli %mul3A_28, %mul3A_29 : i32
      %dma_wait3A_31 = tpu.memref_slice %arg7[%mul3A_30] : memref<10000xi32, #tpu.memory_space<vmem>> -> memref<80xi32, #tpu.memory_space<vmem>>
      %dma_wait3A_32 = arith.constant 0 : i32
      %dma_wait3A_33 = arith.constant 0 : i32
      %dma_wait3A_34 = tpu.memref_slice %arg2[%dma_wait3A_32, %dma_wait3A_33] : memref<20000x128xf32, #tpu.memory_space<hbm>> -> memref<20000x128xf32, #tpu.memory_space<hbm>>
      tpu.wait_indirect_dma semaphore(%arg12 : memref<!tpu.dma_semaphore, #tpu.memory_space<semaphore_mem>>) src(%dma_wait3A_34 : memref<20000x128xf32, #tpu.memory_space<hbm>>) dst(%arg9 : memref<80x128xf32, #tpu.memory_space<vmem>>)
      %add3A_35 = arith.constant 1 : i32
      %add3A_36 = arith.addi %mul3A_28, %add3A_35 : i32
      %mul3A_37 = arith.constant 80 : i32
      %mul3A_38 = arith.muli %add3A_36, %mul3A_37 : i32
      %dma_start3A_39 = tpu.memref_slice %arg7[%mul3A_38] : memref<10000xi32, #tpu.memory_space<vmem>> -> memref<80xi32, #tpu.memory_space<vmem>>
      %dma_start3A_40 = arith.constant 0 : i32
      %dma_start3A_41 = arith.constant 0 : i32
      %dma_start3A_42 = tpu.memref_slice %arg2[%dma_start3A_40, %dma_start3A_41] : memref<20000x128xf32, #tpu.memory_space<hbm>> -> memref<20000x128xf32, #tpu.memory_space<hbm>>
      tpu.enqueue_indirect_dma source(%dma_start3A_42 : memref<20000x128xf32, #tpu.memory_space<hbm>>) target(%arg10 : memref<80x128xf32, #tpu.memory_space<vmem>>) offsets(%dma_start3A_39 : memref<80xi32, #tpu.memory_space<vmem>>) semaphore(%arg13 : memref<!tpu.dma_semaphore, #tpu.memory_space<semaphore_mem>>)
      "tpu.region"() ({
        %run_scoped3A_57 = tpu.sem_alloc : memref<!tpu.dma_semaphore, #tpu.memory_space<semaphore_mem>>
        %dma_start3A_58 = arith.constant 0 : i32
        %dma_start3A_59 = tpu.memref_slice %arg8[%mul3A_28, %dma_start3A_58] : memref<125x80xi32, #tpu.memory_space<vmem>> -> memref<1x80xi32, #tpu.memory_space<vmem>>
        %dma_start3A_60 = tpu.memref_squeeze %dma_start3A_59 : memref<1x80xi32, #tpu.memory_space<vmem>> -> memref<80xi32, #tpu.memory_space<vmem>>
        %dma_start3A_61 = arith.constant 0 : i32
        %dma_start3A_62 = arith.constant 0 : i32
        %dma_start3A_63 = tpu.memref_slice %arg11[%dma_start3A_61, %dma_start3A_62] : memref<5120x128xf32, #tpu.memory_space<vmem_shared>> -> memref<5120x128xf32, #tpu.memory_space<vmem_shared>>
        tpu.enqueue_indirect_dma source(%arg9 : memref<80x128xf32, #tpu.memory_space<vmem>>) target(%dma_start3A_63 : memref<5120x128xf32, #tpu.memory_space<vmem_shared>>) offsets(%dma_start3A_60 : memref<80xi32, #tpu.memory_space<vmem>>) semaphore(%run_scoped3A_57 : memref<!tpu.dma_semaphore, #tpu.memory_space<semaphore_mem>>) {add = true}
        %dma_wait3A_64 = arith.constant 0 : i32
        %dma_wait3A_65 = tpu.memref_slice %arg8[%mul3A_28, %dma_wait3A_64] : memref<125x80xi32, #tpu.memory_space<vmem>> -> memref<1x80xi32, #tpu.memory_space<vmem>>
        %dma_wait3A_66 = tpu.memref_squeeze %dma_wait3A_65 : memref<1x80xi32, #tpu.memory_space<vmem>> -> memref<80xi32, #tpu.memory_space<vmem>>
        %dma_wait3A_67 = arith.constant 0 : i32
        %dma_wait3A_68 = arith.constant 0 : i32
        %dma_wait3A_69 = tpu.memref_slice %arg11[%dma_wait3A_67, %dma_wait3A_68] : memref<5120x128xf32, #tpu.memory_space<vmem_shared>> -> memref<5120x128xf32, #tpu.memory_space<vmem_shared>>
        tpu.wait_indirect_dma semaphore(%run_scoped3A_57 : memref<!tpu.dma_semaphore, #tpu.memory_space<semaphore_mem>>) src(%arg9 : memref<80x128xf32, #tpu.memory_space<vmem>>) dst(%dma_wait3A_69 : memref<5120x128xf32, #tpu.memory_space<vmem_shared>>)
        tpu.yield
      }) : () -> ()
      %add3A_43 = arith.constant 2 : i32
      %add3A_44 = arith.addi %mul3A_28, %add3A_43 : i32
      %lt3A = arith.constant 125 : i32
      %lt3A_45 = arith.cmpi slt, %add3A_44, %lt3A : i32
      %convert_element_type3A = arith.extui %lt3A_45 : i1 to i32
      %cond3A = arith.constant 0 : i32
      %cond3A_46 = arith.cmpi ne, %convert_element_type3A, %cond3A : i32
      scf.if %cond3A_46 {
        %add3A_57 = arith.constant 2 : i32
        %add3A_58 = arith.addi %mul3A_28, %add3A_57 : i32
        %mul3A_59 = arith.constant 80 : i32
        %mul3A_60 = arith.muli %add3A_58, %mul3A_59 : i32
        %dma_start3A_61 = tpu.memref_slice %arg7[%mul3A_60] : memref<10000xi32, #tpu.memory_space<vmem>> -> memref<80xi32, #tpu.memory_space<vmem>>
        %dma_start3A_62 = arith.constant 0 : i32
        %dma_start3A_63 = arith.constant 0 : i32
        %dma_start3A_64 = tpu.memref_slice %arg2[%dma_start3A_62, %dma_start3A_63] : memref<20000x128xf32, #tpu.memory_space<hbm>> -> memref<20000x128xf32, #tpu.memory_space<hbm>>
        tpu.enqueue_indirect_dma source(%dma_start3A_64 : memref<20000x128xf32, #tpu.memory_space<hbm>>) target(%arg9 : memref<80x128xf32, #tpu.memory_space<vmem>>) offsets(%dma_start3A_61 : memref<80xi32, #tpu.memory_space<vmem>>) semaphore(%arg12 : memref<!tpu.dma_semaphore, #tpu.memory_space<semaphore_mem>>)
      } else {
      }
      %add3A_47 = arith.constant 1 : i32
      %add3A_48 = arith.addi %mul3A_28, %add3A_47 : i32
      %mul3A_49 = arith.constant 80 : i32
      %mul3A_50 = arith.muli %add3A_48, %mul3A_49 : i32
      %dma_wait3A_51 = tpu.memref_slice %arg7[%mul3A_50] : memref<10000xi32, #tpu.memory_space<vmem>> -> memref<80xi32, #tpu.memory_space<vmem>>
      %dma_wait3A_52 = arith.constant 0 : i32
      %dma_wait3A_53 = arith.constant 0 : i32
      %dma_wait3A_54 = tpu.memref_slice %arg2[%dma_wait3A_52, %dma_wait3A_53] : memref<20000x128xf32, #tpu.memory_space<hbm>> -> memref<20000x128xf32, #tpu.memory_space<hbm>>
      tpu.wait_indirect_dma semaphore(%arg13 : memref<!tpu.dma_semaphore, #tpu.memory_space<semaphore_mem>>) src(%dma_wait3A_54 : memref<20000x128xf32, #tpu.memory_space<hbm>>) dst(%arg10 : memref<80x128xf32, #tpu.memory_space<vmem>>)
      %add3A_55 = arith.constant 1 : i32
      %add3A_56 = arith.addi %mul3A_28, %add3A_55 : i32
      "tpu.region"() ({
        %run_scoped3A_57 = tpu.sem_alloc : memref<!tpu.dma_semaphore, #tpu.memory_space<semaphore_mem>>
        %dma_start3A_58 = arith.constant 0 : i32
        %dma_start3A_59 = tpu.memref_slice %arg8[%add3A_56, %dma_start3A_58] : memref<125x80xi32, #tpu.memory_space<vmem>> -> memref<1x80xi32, #tpu.memory_space<vmem>>
        %dma_start3A_60 = tpu.memref_squeeze %dma_start3A_59 : memref<1x80xi32, #tpu.memory_space<vmem>> -> memref<80xi32, #tpu.memory_space<vmem>>
        %dma_start3A_61 = arith.constant 0 : i32
        %dma_start3A_62 = arith.constant 0 : i32
        %dma_start3A_63 = tpu.memref_slice %arg11[%dma_start3A_61, %dma_start3A_62] : memref<5120x128xf32, #tpu.memory_space<vmem_shared>> -> memref<5120x128xf32, #tpu.memory_space<vmem_shared>>
        tpu.enqueue_indirect_dma source(%arg10 : memref<80x128xf32, #tpu.memory_space<vmem>>) target(%dma_start3A_63 : memref<5120x128xf32, #tpu.memory_space<vmem_shared>>) offsets(%dma_start3A_60 : memref<80xi32, #tpu.memory_space<vmem>>) semaphore(%run_scoped3A_57 : memref<!tpu.dma_semaphore, #tpu.memory_space<semaphore_mem>>) {add = true}
        %dma_wait3A_64 = arith.constant 0 : i32
        %dma_wait3A_65 = tpu.memref_slice %arg8[%add3A_56, %dma_wait3A_64] : memref<125x80xi32, #tpu.memory_space<vmem>> -> memref<1x80xi32, #tpu.memory_space<vmem>>
        %dma_wait3A_66 = tpu.memref_squeeze %dma_wait3A_65 : memref<1x80xi32, #tpu.memory_space<vmem>> -> memref<80xi32, #tpu.memory_space<vmem>>
        %dma_wait3A_67 = arith.constant 0 : i32
        %dma_wait3A_68 = arith.constant 0 : i32
        %dma_wait3A_69 = tpu.memref_slice %arg11[%dma_wait3A_67, %dma_wait3A_68] : memref<5120x128xf32, #tpu.memory_space<vmem_shared>> -> memref<5120x128xf32, #tpu.memory_space<vmem_shared>>
        tpu.wait_indirect_dma semaphore(%run_scoped3A_57 : memref<!tpu.dma_semaphore, #tpu.memory_space<semaphore_mem>>) src(%arg10 : memref<80x128xf32, #tpu.memory_space<vmem>>) dst(%dma_wait3A_69 : memref<5120x128xf32, #tpu.memory_space<vmem_shared>>)
        tpu.yield
      }) : () -> ()
    }
    %scan3A_12 = arith.constant 62 : i32
    %dma_wait3A = arith.constant 9920 : i32
    %dma_wait3A_13 = tpu.memref_slice %arg7[%dma_wait3A] : memref<10000xi32, #tpu.memory_space<vmem>> -> memref<80xi32, #tpu.memory_space<vmem>>
    %dma_wait3A_14 = arith.constant 0 : i32
    %dma_wait3A_15 = arith.constant 0 : i32
    %dma_wait3A_16 = tpu.memref_slice %arg2[%dma_wait3A_14, %dma_wait3A_15] : memref<20000x128xf32, #tpu.memory_space<hbm>> -> memref<20000x128xf32, #tpu.memory_space<hbm>>
    tpu.wait_indirect_dma semaphore(%arg12 : memref<!tpu.dma_semaphore, #tpu.memory_space<semaphore_mem>>) src(%dma_wait3A_16 : memref<20000x128xf32, #tpu.memory_space<hbm>>) dst(%arg9 : memref<80x128xf32, #tpu.memory_space<vmem>>)
    %run_scoped3A = arith.constant 124 : i32
    "tpu.region"() ({
      %run_scoped3A_22 = tpu.sem_alloc : memref<!tpu.dma_semaphore, #tpu.memory_space<semaphore_mem>>
      %dma_start3A_23 = arith.constant 0 : i32
      %dma_start3A_24 = tpu.memref_slice %arg8[%run_scoped3A, %dma_start3A_23] : memref<125x80xi32, #tpu.memory_space<vmem>> -> memref<1x80xi32, #tpu.memory_space<vmem>>
      %dma_start3A_25 = tpu.memref_squeeze %dma_start3A_24 : memref<1x80xi32, #tpu.memory_space<vmem>> -> memref<80xi32, #tpu.memory_space<vmem>>
      %dma_start3A_26 = arith.constant 0 : i32
      %dma_start3A_27 = arith.constant 0 : i32
      %dma_start3A_28 = tpu.memref_slice %arg11[%dma_start3A_26, %dma_start3A_27] : memref<5120x128xf32, #tpu.memory_space<vmem_shared>> -> memref<5120x128xf32, #tpu.memory_space<vmem_shared>>
      tpu.enqueue_indirect_dma source(%arg9 : memref<80x128xf32, #tpu.memory_space<vmem>>) target(%dma_start3A_28 : memref<5120x128xf32, #tpu.memory_space<vmem_shared>>) offsets(%dma_start3A_25 : memref<80xi32, #tpu.memory_space<vmem>>) semaphore(%run_scoped3A_22 : memref<!tpu.dma_semaphore, #tpu.memory_space<semaphore_mem>>) {add = true}
      %dma_wait3A_29 = arith.constant 0 : i32
      %dma_wait3A_30 = tpu.memref_slice %arg8[%run_scoped3A, %dma_wait3A_29] : memref<125x80xi32, #tpu.memory_space<vmem>> -> memref<1x80xi32, #tpu.memory_space<vmem>>
      %dma_wait3A_31 = tpu.memref_squeeze %dma_wait3A_30 : memref<1x80xi32, #tpu.memory_space<vmem>> -> memref<80xi32, #tpu.memory_space<vmem>>
      %dma_wait3A_32 = arith.constant 0 : i32
      %dma_wait3A_33 = arith.constant 0 : i32
      %dma_wait3A_34 = tpu.memref_slice %arg11[%dma_wait3A_32, %dma_wait3A_33] : memref<5120x128xf32, #tpu.memory_space<vmem_shared>> -> memref<5120x128xf32, #tpu.memory_space<vmem_shared>>
      tpu.wait_indirect_dma semaphore(%run_scoped3A_22 : memref<!tpu.dma_semaphore, #tpu.memory_space<semaphore_mem>>) src(%arg9 : memref<80x128xf32, #tpu.memory_space<vmem>>) dst(%dma_wait3A_34 : memref<5120x128xf32, #tpu.memory_space<vmem_shared>>)
      tpu.yield
    }) : () -> ()
    %barrier3A_17 = arith.constant 0 : index
    tpu.barrier barrier_id(%barrier3A_17)
    %mul3A_18 = arith.constant 320 : i32
    %mul3A_19 = arith.muli %arg1, %mul3A_18 : i32
    %mul3A_20 = arith.constant 320 : i32
    %mul3A_21 = arith.muli %arg1, %mul3A_20 : i32
    "tpu.region"() ({
      %run_scoped3A_22 = tpu.sem_alloc : memref<!tpu.dma_semaphore, #tpu.memory_space<semaphore_mem>>
      %dma_start3A_23 = arith.constant 0 : i32
      %dma_start3A_24 = arith.constant 0 : i32
      %dma_start3A_25 = tpu.memref_slice %arg6[%arg0, %dma_start3A_23, %dma_start3A_24] : memref<2x5120x128xf32, #tpu.memory_space<hbm>> -> memref<1x5120x128xf32, #tpu.memory_space<hbm>>
      %dma_start3A_26 = tpu.memref_squeeze %dma_start3A_25 : memref<1x5120x128xf32, #tpu.memory_space<hbm>> -> memref<5120x128xf32, #tpu.memory_space<hbm>>
      %dma_start3A_27 = arith.constant 0 : i32
      %dma_start3A_28 = tpu.memref_slice %dma_start3A_26[%mul3A_21, %dma_start3A_27] : memref<5120x128xf32, #tpu.memory_space<hbm>> -> memref<320x128xf32, #tpu.memory_space<hbm>>
      %dma_start3A_29 = arith.constant 0 : i32
      %dma_start3A_30 = tpu.memref_slice %arg11[%mul3A_19, %dma_start3A_29] : memref<5120x128xf32, #tpu.memory_space<vmem_shared>> -> memref<320x128xf32, #tpu.memory_space<vmem_shared>>
      tpu.enqueue_dma source(%dma_start3A_30 : memref<320x128xf32, #tpu.memory_space<vmem_shared>>) target(%dma_start3A_28 : memref<320x128xf32, #tpu.memory_space<hbm>>) target_semaphore(%run_scoped3A_22 : memref<!tpu.dma_semaphore, #tpu.memory_space<semaphore_mem>>)
      %dma_wait3A_31 = arith.constant 0 : i32
      %dma_wait3A_32 = arith.constant 0 : i32
      %dma_wait3A_33 = tpu.memref_slice %arg6[%arg0, %dma_wait3A_31, %dma_wait3A_32] : memref<2x5120x128xf32, #tpu.memory_space<hbm>> -> memref<1x5120x128xf32, #tpu.memory_space<hbm>>
      %dma_wait3A_34 = tpu.memref_squeeze %dma_wait3A_33 : memref<1x5120x128xf32, #tpu.memory_space<hbm>> -> memref<5120x128xf32, #tpu.memory_space<hbm>>
      %dma_wait3A_35 = arith.constant 0 : i32
      %dma_wait3A_36 = tpu.memref_slice %dma_wait3A_34[%mul3A_21, %dma_wait3A_35] : memref<5120x128xf32, #tpu.memory_space<hbm>> -> memref<320x128xf32, #tpu.memory_space<hbm>>
      %dma_wait3A_37 = arith.constant 0 : i32
      %dma_wait3A_38 = tpu.memref_slice %arg11[%mul3A_19, %dma_wait3A_37] : memref<5120x128xf32, #tpu.memory_space<vmem_shared>> -> memref<320x128xf32, #tpu.memory_space<vmem_shared>>
      tpu.wait_dma2 semaphore(%run_scoped3A_22 : memref<!tpu.dma_semaphore, #tpu.memory_space<semaphore_mem>>) src(%dma_wait3A_38 : memref<320x128xf32, #tpu.memory_space<vmem_shared>>) dst(%dma_wait3A_36 : memref<320x128xf32, #tpu.memory_space<hbm>>)
      tpu.yield
    }) : () -> ()
    return
  }
}

#map = affine_map<(d0, d1) -> (0, 0)>
#map1 = affine_map<(d0, d1) -> (0, 0, 0)>
module attributes {stable_mosaic.version = 14 : i64} {
  func.func @k(%arg0: i32, %arg1: i32, %arg2: memref<20000x128xf32, #tpu.memory_space<hbm>>, %arg3: memref<32x10000xi32, #tpu.memory_space<hbm>>, %arg4: memref<32x125x80xi32, #tpu.memory_space<hbm>>, %arg5: memref<5120x128xf32, #tpu.memory_space<hbm>>, %arg6: memref<2x5120x128xf32, #tpu.memory_space<hbm>>, %arg7: memref<10000xi32, #tpu.memory_space<vmem>>, %arg8: memref<125x80xi32, #tpu.memory_space<vmem>>, %arg9: memref<80x128xf32, #tpu.memory_space<vmem>>, %arg10: memref<80x128xf32, #tpu.memory_space<vmem>>, %arg11: memref<5120x128xf32, #tpu.memory_space<vmem_shared>>, %arg12: memref<!tpu.dma_semaphore, #tpu.memory_space<semaphore_mem>>, %arg13: memref<!tpu.dma_semaphore, #tpu.memory_space<semaphore_mem>>) attributes {dimension_semantics = [#tpu.dimension_semantics<core_parallel>, #tpu.dimension_semantics<subcore_parallel>], iteration_bounds = array<i64: 2, 16>, scalar_prefetch = 0 : i64, scratch_operands = 7 : i64, tpu.core_type = #tpu.core_type<sc_vector_subcore>, window_params = [{transform_indices = #map}, {transform_indices = #map}, {transform_indices = #map1}, {transform_indices = #map}, {transform_indices = #map1}]} {
    %mul3A = arith.constant 16 : i32
    %mul3A_0 = arith.muli %arg0, %mul3A : i32
    %add3A = arith.addi %mul3A_0, %arg1 : i32
    %mul3A_1 = arith.constant 320 : i32
    %mul3A_2 = arith.muli %arg1, %mul3A_1 : i32
    %mul3A_3 = arith.constant 320 : i32
    %mul3A_4 = arith.muli %arg1, %mul3A_3 : i32
    "tpu.region"() ({
      %run_scoped3A_22 = tpu.sem_alloc : memref<!tpu.dma_semaphore, #tpu.memory_space<semaphore_mem>>
      %dma_start3A_23 = arith.constant 0 : i32
      %dma_start3A_24 = tpu.memref_slice %arg11[%mul3A_4, %dma_start3A_23] : memref<5120x128xf32, #tpu.memory_space<vmem_shared>> -> memref<320x128xf32, #tpu.memory_space<vmem_shared>>
      %dma_start3A_25 = arith.constant 0 : i32
      %dma_start3A_26 = tpu.memref_slice %arg5[%mul3A_2, %dma_start3A_25] : memref<5120x128xf32, #tpu.memory_space<hbm>> -> memref<320x128xf32, #tpu.memory_space<hbm>>
      tpu.enqueue_dma source(%dma_start3A_26 : memref<320x128xf32, #tpu.memory_space<hbm>>) target(%dma_start3A_24 : memref<320x128xf32, #tpu.memory_space<vmem_shared>>) target_semaphore(%run_scoped3A_22 : memref<!tpu.dma_semaphore, #tpu.memory_space<semaphore_mem>>)
      %dma_wait3A_27 = arith.constant 0 : i32
      %dma_wait3A_28 = tpu.memref_slice %arg11[%mul3A_4, %dma_wait3A_27] : memref<5120x128xf32, #tpu.memory_space<vmem_shared>> -> memref<320x128xf32, #tpu.memory_space<vmem_shared>>
      %dma_wait3A_29 = arith.constant 0 : i32
      %dma_wait3A_30 = tpu.memref_slice %arg5[%mul3A_2, %dma_wait3A_29] : memref<5120x128xf32, #tpu.memory_space<hbm>> -> memref<320x128xf32, #tpu.memory_space<hbm>>
      tpu.wait_dma2 semaphore(%run_scoped3A_22 : memref<!tpu.dma_semaphore, #tpu.memory_space<semaphore_mem>>) src(%dma_wait3A_30 : memref<320x128xf32, #tpu.memory_space<hbm>>) dst(%dma_wait3A_28 : memref<320x128xf32, #tpu.memory_space<vmem_shared>>)
      tpu.yield
    }) : () -> ()
    "tpu.region"() ({
      %run_scoped3A_22 = tpu.sem_alloc : memref<!tpu.dma_semaphore, #tpu.memory_space<semaphore_mem>>
      %dma_start3A_23 = arith.constant 0 : i32
      %dma_start3A_24 = tpu.memref_slice %arg3[%add3A, %dma_start3A_23] : memref<32x10000xi32, #tpu.memory_space<hbm>> -> memref<1x10000xi32, #tpu.memory_space<hbm>>
      %dma_start3A_25 = tpu.memref_squeeze %dma_start3A_24 : memref<1x10000xi32, #tpu.memory_space<hbm>> -> memref<10000xi32, #tpu.memory_space<hbm>>
      %dma_start3A_26 = arith.constant 0 : i32
      %dma_start3A_27 = tpu.memref_slice %arg3[%add3A, %dma_start3A_26] : memref<32x10000xi32, #tpu.memory_space<hbm>> -> memref<1x10000xi32, #tpu.memory_space<hbm>>
      %dma_start3A_28 = tpu.memref_squeeze %dma_start3A_27 : memref<1x10000xi32, #tpu.memory_space<hbm>> -> memref<10000xi32, #tpu.memory_space<hbm>>
      tpu.enqueue_dma source(%dma_start3A_28 : memref<10000xi32, #tpu.memory_space<hbm>>) target(%arg7 : memref<10000xi32, #tpu.memory_space<vmem>>) target_semaphore(%run_scoped3A_22 : memref<!tpu.dma_semaphore, #tpu.memory_space<semaphore_mem>>)
      %dma_wait3A_29 = arith.constant 0 : i32
      %dma_wait3A_30 = tpu.memref_slice %arg3[%add3A, %dma_wait3A_29] : memref<32x10000xi32, #tpu.memory_space<hbm>> -> memref<1x10000xi32, #tpu.memory_space<hbm>>
      %dma_wait3A_31 = tpu.memref_squeeze %dma_wait3A_30 : memref<1x10000xi32, #tpu.memory_space<hbm>> -> memref<10000xi32, #tpu.memory_space<hbm>>
      %dma_wait3A_32 = arith.constant 0 : i32
      %dma_wait3A_33 = tpu.memref_slice %arg3[%add3A, %dma_wait3A_32] : memref<32x10000xi32, #tpu.memory_space<hbm>> -> memref<1x10000xi32, #tpu.memory_space<hbm>>
      %dma_wait3A_34 = tpu.memref_squeeze %dma_wait3A_33 : memref<1x10000xi32, #tpu.memory_space<hbm>> -> memref<10000xi32, #tpu.memory_space<hbm>>
      tpu.wait_dma2 semaphore(%run_scoped3A_22 : memref<!tpu.dma_semaphore, #tpu.memory_space<semaphore_mem>>) src(%dma_wait3A_34 : memref<10000xi32, #tpu.memory_space<hbm>>) dst(%arg7 : memref<10000xi32, #tpu.memory_space<vmem>>)
      tpu.yield
    }) : () -> ()
    "tpu.region"() ({
      %run_scoped3A_22 = tpu.sem_alloc : memref<!tpu.dma_semaphore, #tpu.memory_space<semaphore_mem>>
      %dma_start3A_23 = arith.constant 0 : i32
      %dma_start3A_24 = arith.constant 0 : i32
      %dma_start3A_25 = tpu.memref_slice %arg4[%add3A, %dma_start3A_23, %dma_start3A_24] : memref<32x125x80xi32, #tpu.memory_space<hbm>> -> memref<1x125x80xi32, #tpu.memory_space<hbm>>
      %dma_start3A_26 = tpu.memref_squeeze %dma_start3A_25 : memref<1x125x80xi32, #tpu.memory_space<hbm>> -> memref<125x80xi32, #tpu.memory_space<hbm>>
      %dma_start3A_27 = arith.constant 0 : i32
      %dma_start3A_28 = arith.constant 0 : i32
      %dma_start3A_29 = tpu.memref_slice %arg4[%add3A, %dma_start3A_27, %dma_start3A_28] : memref<32x125x80xi32, #tpu.memory_space<hbm>> -> memref<1x125x80xi32, #tpu.memory_space<hbm>>
      %dma_start3A_30 = tpu.memref_squeeze %dma_start3A_29 : memref<1x125x80xi32, #tpu.memory_space<hbm>> -> memref<125x80xi32, #tpu.memory_space<hbm>>
      tpu.enqueue_dma source(%dma_start3A_30 : memref<125x80xi32, #tpu.memory_space<hbm>>) target(%arg8 : memref<125x80xi32, #tpu.memory_space<vmem>>) target_semaphore(%run_scoped3A_22 : memref<!tpu.dma_semaphore, #tpu.memory_space<semaphore_mem>>)
      %dma_wait3A_31 = arith.constant 0 : i32
      %dma_wait3A_32 = arith.constant 0 : i32
      %dma_wait3A_33 = tpu.memref_slice %arg4[%add3A, %dma_wait3A_31, %dma_wait3A_32] : memref<32x125x80xi32, #tpu.memory_space<hbm>> -> memref<1x125x80xi32, #tpu.memory_space<hbm>>
      %dma_wait3A_34 = tpu.memref_squeeze %dma_wait3A_33 : memref<1x125x80xi32, #tpu.memory_space<hbm>> -> memref<125x80xi32, #tpu.memory_space<hbm>>
      %dma_wait3A_35 = arith.constant 0 : i32
      %dma_wait3A_36 = arith.constant 0 : i32
      %dma_wait3A_37 = tpu.memref_slice %arg4[%add3A, %dma_wait3A_35, %dma_wait3A_36] : memref<32x125x80xi32, #tpu.memory_space<hbm>> -> memref<1x125x80xi32, #tpu.memory_space<hbm>>
      %dma_wait3A_38 = tpu.memref_squeeze %dma_wait3A_37 : memref<1x125x80xi32, #tpu.memory_space<hbm>> -> memref<125x80xi32, #tpu.memory_space<hbm>>
      tpu.wait_dma2 semaphore(%run_scoped3A_22 : memref<!tpu.dma_semaphore, #tpu.memory_space<semaphore_mem>>) src(%dma_wait3A_38 : memref<125x80xi32, #tpu.memory_space<hbm>>) dst(%arg8 : memref<125x80xi32, #tpu.memory_space<vmem>>)
      tpu.yield
    }) : () -> ()
    %barrier3A = arith.constant 0 : index
    tpu.barrier barrier_id(%barrier3A)
    %dma_start3A = arith.constant 0 : i32
    %dma_start3A_5 = tpu.memref_slice %arg7[%dma_start3A] : memref<10000xi32, #tpu.memory_space<vmem>> -> memref<80xi32, #tpu.memory_space<vmem>>
    %dma_start3A_6 = arith.constant 0 : i32
    %dma_start3A_7 = arith.constant 0 : i32
    %dma_start3A_8 = tpu.memref_slice %arg2[%dma_start3A_6, %dma_start3A_7] : memref<20000x128xf32, #tpu.memory_space<hbm>> -> memref<20000x128xf32, #tpu.memory_space<hbm>>
    tpu.enqueue_indirect_dma source(%dma_start3A_8 : memref<20000x128xf32, #tpu.memory_space<hbm>>) target(%arg9 : memref<80x128xf32, #tpu.memory_space<vmem>>) offsets(%dma_start3A_5 : memref<80xi32, #tpu.memory_space<vmem>>) semaphore(%arg12 : memref<!tpu.dma_semaphore, #tpu.memory_space<semaphore_mem>>)
    %scan3A = arith.constant 0 : i32
    %scan3A_9 = arith.constant 62 : i32
    %scan3A_10 = arith.addi %scan3A, %scan3A_9 : i32
    %scan3A_11 = arith.constant 1 : i32
    scf.for %scan3A_22 = %scan3A to %scan3A_10 step %scan3A_11  : i32 {
      %mul3A_23 = arith.constant 1 : i32
      %mul3A_24 = arith.muli %scan3A_22, %mul3A_23 : i32
      %add3A_25 = arith.constant 0 : i32
      %add3A_26 = arith.addi %add3A_25, %mul3A_24 : i32
      %mul3A_27 = arith.constant 2 : i32
      %mul3A_28 = arith.muli %mul3A_27, %add3A_26 : i32
      %mul3A_29 = arith.constant 80 : i32
      %mul3A_30 = arith.muli %mul3A_28, %mul3A_29 : i32
      %dma_wait3A_31 = tpu.memref_slice %arg7[%mul3A_30] : memref<10000xi32, #tpu.memory_space<vmem>> -> memref<80xi32, #tpu.memory_space<vmem>>
      %dma_wait3A_32 = arith.constant 0 : i32
      %dma_wait3A_33 = arith.constant 0 : i32
      %dma_wait3A_34 = tpu.memref_slice %arg2[%dma_wait3A_32, %dma_wait3A_33] : memref<20000x128xf32, #tpu.memory_space<hbm>> -> memref<20000x128xf32, #tpu.memory_space<hbm>>
      tpu.wait_indirect_dma semaphore(%arg12 : memref<!tpu.dma_semaphore, #tpu.memory_space<semaphore_mem>>) src(%dma_wait3A_34 : memref<20000x128xf32, #tpu.memory_space<hbm>>) dst(%arg9 : memref<80x128xf32, #tpu.memory_space<vmem>>)
      %add3A_35 = arith.constant 1 : i32
      %add3A_36 = arith.addi %mul3A_28, %add3A_35 : i32
      %mul3A_37 = arith.constant 80 : i32
      %mul3A_38 = arith.muli %add3A_36, %mul3A_37 : i32
      %dma_start3A_39 = tpu.memref_slice %arg7[%mul3A_38] : memref<10000xi32, #tpu.memory_space<vmem>> -> memref<80xi32, #tpu.memory_space<vmem>>
      %dma_start3A_40 = arith.constant 0 : i32
      %dma_start3A_41 = arith.constant 0 : i32
      %dma_start3A_42 = tpu.memref_slice %arg2[%dma_start3A_40, %dma_start3A_41] : memref<20000x128xf32, #tpu.memory_space<hbm>> -> memref<20000x128xf32, #tpu.memory_space<hbm>>
      tpu.enqueue_indirect_dma source(%dma_start3A_42 : memref<20000x128xf32, #tpu.memory_space<hbm>>) target(%arg10 : memref<80x128xf32, #tpu.memory_space<vmem>>) offsets(%dma_start3A_39 : memref<80xi32, #tpu.memory_space<vmem>>) semaphore(%arg13 : memref<!tpu.dma_semaphore, #tpu.memory_space<semaphore_mem>>)
      "tpu.region"() ({
        %run_scoped3A_57 = tpu.sem_alloc : memref<!tpu.dma_semaphore, #tpu.memory_space<semaphore_mem>>
        %dma_start3A_58 = arith.constant 0 : i32
        %dma_start3A_59 = tpu.memref_slice %arg8[%mul3A_28, %dma_start3A_58] : memref<125x80xi32, #tpu.memory_space<vmem>> -> memref<1x80xi32, #tpu.memory_space<vmem>>
        %dma_start3A_60 = tpu.memref_squeeze %dma_start3A_59 : memref<1x80xi32, #tpu.memory_space<vmem>> -> memref<80xi32, #tpu.memory_space<vmem>>
        %dma_start3A_61 = arith.constant 0 : i32
        %dma_start3A_62 = arith.constant 0 : i32
        %dma_start3A_63 = tpu.memref_slice %arg11[%dma_start3A_61, %dma_start3A_62] : memref<5120x128xf32, #tpu.memory_space<vmem_shared>> -> memref<5120x128xf32, #tpu.memory_space<vmem_shared>>
        tpu.enqueue_indirect_dma source(%arg9 : memref<80x128xf32, #tpu.memory_space<vmem>>) target(%dma_start3A_63 : memref<5120x128xf32, #tpu.memory_space<vmem_shared>>) offsets(%dma_start3A_60 : memref<80xi32, #tpu.memory_space<vmem>>) semaphore(%run_scoped3A_57 : memref<!tpu.dma_semaphore, #tpu.memory_space<semaphore_mem>>) {add = true}
        %dma_wait3A_64 = arith.constant 0 : i32
        %dma_wait3A_65 = tpu.memref_slice %arg8[%mul3A_28, %dma_wait3A_64] : memref<125x80xi32, #tpu.memory_space<vmem>> -> memref<1x80xi32, #tpu.memory_space<vmem>>
        %dma_wait3A_66 = tpu.memref_squeeze %dma_wait3A_65 : memref<1x80xi32, #tpu.memory_space<vmem>> -> memref<80xi32, #tpu.memory_space<vmem>>
        %dma_wait3A_67 = arith.constant 0 : i32
        %dma_wait3A_68 = arith.constant 0 : i32
        %dma_wait3A_69 = tpu.memref_slice %arg11[%dma_wait3A_67, %dma_wait3A_68] : memref<5120x128xf32, #tpu.memory_space<vmem_shared>> -> memref<5120x128xf32, #tpu.memory_space<vmem_shared>>
        tpu.wait_indirect_dma semaphore(%run_scoped3A_57 : memref<!tpu.dma_semaphore, #tpu.memory_space<semaphore_mem>>) src(%arg9 : memref<80x128xf32, #tpu.memory_space<vmem>>) dst(%dma_wait3A_69 : memref<5120x128xf32, #tpu.memory_space<vmem_shared>>)
        tpu.yield
      }) : () -> ()
      %add3A_43 = arith.constant 2 : i32
      %add3A_44 = arith.addi %mul3A_28, %add3A_43 : i32
      %lt3A = arith.constant 125 : i32
      %lt3A_45 = arith.cmpi slt, %add3A_44, %lt3A : i32
      %convert_element_type3A = arith.extui %lt3A_45 : i1 to i32
      %cond3A = arith.constant 0 : i32
      %cond3A_46 = arith.cmpi ne, %convert_element_type3A, %cond3A : i32
      scf.if %cond3A_46 {
        %add3A_57 = arith.constant 2 : i32
        %add3A_58 = arith.addi %mul3A_28, %add3A_57 : i32
        %mul3A_59 = arith.constant 80 : i32
        %mul3A_60 = arith.muli %add3A_58, %mul3A_59 : i32
        %dma_start3A_61 = tpu.memref_slice %arg7[%mul3A_60] : memref<10000xi32, #tpu.memory_space<vmem>> -> memref<80xi32, #tpu.memory_space<vmem>>
        %dma_start3A_62 = arith.constant 0 : i32
        %dma_start3A_63 = arith.constant 0 : i32
        %dma_start3A_64 = tpu.memref_slice %arg2[%dma_start3A_62, %dma_start3A_63] : memref<20000x128xf32, #tpu.memory_space<hbm>> -> memref<20000x128xf32, #tpu.memory_space<hbm>>
        tpu.enqueue_indirect_dma source(%dma_start3A_64 : memref<20000x128xf32, #tpu.memory_space<hbm>>) target(%arg9 : memref<80x128xf32, #tpu.memory_space<vmem>>) offsets(%dma_start3A_61 : memref<80xi32, #tpu.memory_space<vmem>>) semaphore(%arg12 : memref<!tpu.dma_semaphore, #tpu.memory_space<semaphore_mem>>)
      } else {
      }
      %add3A_47 = arith.constant 1 : i32
      %add3A_48 = arith.addi %mul3A_28, %add3A_47 : i32
      %mul3A_49 = arith.constant 80 : i32
      %mul3A_50 = arith.muli %add3A_48, %mul3A_49 : i32
      %dma_wait3A_51 = tpu.memref_slice %arg7[%mul3A_50] : memref<10000xi32, #tpu.memory_space<vmem>> -> memref<80xi32, #tpu.memory_space<vmem>>
      %dma_wait3A_52 = arith.constant 0 : i32
      %dma_wait3A_53 = arith.constant 0 : i32
      %dma_wait3A_54 = tpu.memref_slice %arg2[%dma_wait3A_52, %dma_wait3A_53] : memref<20000x128xf32, #tpu.memory_space<hbm>> -> memref<20000x128xf32, #tpu.memory_space<hbm>>
      tpu.wait_indirect_dma semaphore(%arg13 : memref<!tpu.dma_semaphore, #tpu.memory_space<semaphore_mem>>) src(%dma_wait3A_54 : memref<20000x128xf32, #tpu.memory_space<hbm>>) dst(%arg10 : memref<80x128xf32, #tpu.memory_space<vmem>>)
      %add3A_55 = arith.constant 1 : i32
      %add3A_56 = arith.addi %mul3A_28, %add3A_55 : i32
      "tpu.region"() ({
        %run_scoped3A_57 = tpu.sem_alloc : memref<!tpu.dma_semaphore, #tpu.memory_space<semaphore_mem>>
        %dma_start3A_58 = arith.constant 0 : i32
        %dma_start3A_59 = tpu.memref_slice %arg8[%add3A_56, %dma_start3A_58] : memref<125x80xi32, #tpu.memory_space<vmem>> -> memref<1x80xi32, #tpu.memory_space<vmem>>
        %dma_start3A_60 = tpu.memref_squeeze %dma_start3A_59 : memref<1x80xi32, #tpu.memory_space<vmem>> -> memref<80xi32, #tpu.memory_space<vmem>>
        %dma_start3A_61 = arith.constant 0 : i32
        %dma_start3A_62 = arith.constant 0 : i32
        %dma_start3A_63 = tpu.memref_slice %arg11[%dma_start3A_61, %dma_start3A_62] : memref<5120x128xf32, #tpu.memory_space<vmem_shared>> -> memref<5120x128xf32, #tpu.memory_space<vmem_shared>>
        tpu.enqueue_indirect_dma source(%arg10 : memref<80x128xf32, #tpu.memory_space<vmem>>) target(%dma_start3A_63 : memref<5120x128xf32, #tpu.memory_space<vmem_shared>>) offsets(%dma_start3A_60 : memref<80xi32, #tpu.memory_space<vmem>>) semaphore(%run_scoped3A_57 : memref<!tpu.dma_semaphore, #tpu.memory_space<semaphore_mem>>) {add = true}
        %dma_wait3A_64 = arith.constant 0 : i32
        %dma_wait3A_65 = tpu.memref_slice %arg8[%add3A_56, %dma_wait3A_64] : memref<125x80xi32, #tpu.memory_space<vmem>> -> memref<1x80xi32, #tpu.memory_space<vmem>>
        %dma_wait3A_66 = tpu.memref_squeeze %dma_wait3A_65 : memref<1x80xi32, #tpu.memory_space<vmem>> -> memref<80xi32, #tpu.memory_space<vmem>>
        %dma_wait3A_67 = arith.constant 0 : i32
        %dma_wait3A_68 = arith.constant 0 : i32
        %dma_wait3A_69 = tpu.memref_slice %arg11[%dma_wait3A_67, %dma_wait3A_68] : memref<5120x128xf32, #tpu.memory_space<vmem_shared>> -> memref<5120x128xf32, #tpu.memory_space<vmem_shared>>
        tpu.wait_indirect_dma semaphore(%run_scoped3A_57 : memref<!tpu.dma_semaphore, #tpu.memory_space<semaphore_mem>>) src(%arg10 : memref<80x128xf32, #tpu.memory_space<vmem>>) dst(%dma_wait3A_69 : memref<5120x128xf32, #tpu.memory_space<vmem_shared>>)
        tpu.yield
      }) : () -> ()
    }
    %scan3A_12 = arith.constant 62 : i32
    %dma_wait3A = arith.constant 9920 : i32
    %dma_wait3A_13 = tpu.memref_slice %arg7[%dma_wait3A] : memref<10000xi32, #tpu.memory_space<vmem>> -> memref<80xi32, #tpu.memory_space<vmem>>
    %dma_wait3A_14 = arith.constant 0 : i32
    %dma_wait3A_15 = arith.constant 0 : i32
    %dma_wait3A_16 = tpu.memref_slice %arg2[%dma_wait3A_14, %dma_wait3A_15] : memref<20000x128xf32, #tpu.memory_space<hbm>> -> memref<20000x128xf32, #tpu.memory_space<hbm>>
    tpu.wait_indirect_dma semaphore(%arg12 : memref<!tpu.dma_semaphore, #tpu.memory_space<semaphore_mem>>) src(%dma_wait3A_16 : memref<20000x128xf32, #tpu.memory_space<hbm>>) dst(%arg9 : memref<80x128xf32, #tpu.memory_space<vmem>>)
    %run_scoped3A = arith.constant 124 : i32
    "tpu.region"() ({
      %run_scoped3A_22 = tpu.sem_alloc : memref<!tpu.dma_semaphore, #tpu.memory_space<semaphore_mem>>
      %dma_start3A_23 = arith.constant 0 : i32
      %dma_start3A_24 = tpu.memref_slice %arg8[%run_scoped3A, %dma_start3A_23] : memref<125x80xi32, #tpu.memory_space<vmem>> -> memref<1x80xi32, #tpu.memory_space<vmem>>
      %dma_start3A_25 = tpu.memref_squeeze %dma_start3A_24 : memref<1x80xi32, #tpu.memory_space<vmem>> -> memref<80xi32, #tpu.memory_space<vmem>>
      %dma_start3A_26 = arith.constant 0 : i32
      %dma_start3A_27 = arith.constant 0 : i32
      %dma_start3A_28 = tpu.memref_slice %arg11[%dma_start3A_26, %dma_start3A_27] : memref<5120x128xf32, #tpu.memory_space<vmem_shared>> -> memref<5120x128xf32, #tpu.memory_space<vmem_shared>>
      tpu.enqueue_indirect_dma source(%arg9 : memref<80x128xf32, #tpu.memory_space<vmem>>) target(%dma_start3A_28 : memref<5120x128xf32, #tpu.memory_space<vmem_shared>>) offsets(%dma_start3A_25 : memref<80xi32, #tpu.memory_space<vmem>>) semaphore(%run_scoped3A_22 : memref<!tpu.dma_semaphore, #tpu.memory_space<semaphore_mem>>) {add = true}
      %dma_wait3A_29 = arith.constant 0 : i32
      %dma_wait3A_30 = tpu.memref_slice %arg8[%run_scoped3A, %dma_wait3A_29] : memref<125x80xi32, #tpu.memory_space<vmem>> -> memref<1x80xi32, #tpu.memory_space<vmem>>
      %dma_wait3A_31 = tpu.memref_squeeze %dma_wait3A_30 : memref<1x80xi32, #tpu.memory_space<vmem>> -> memref<80xi32, #tpu.memory_space<vmem>>
      %dma_wait3A_32 = arith.constant 0 : i32
      %dma_wait3A_33 = arith.constant 0 : i32
      %dma_wait3A_34 = tpu.memref_slice %arg11[%dma_wait3A_32, %dma_wait3A_33] : memref<5120x128xf32, #tpu.memory_space<vmem_shared>> -> memref<5120x128xf32, #tpu.memory_space<vmem_shared>>
      tpu.wait_indirect_dma semaphore(%run_scoped3A_22 : memref<!tpu.dma_semaphore, #tpu.memory_space<semaphore_mem>>) src(%arg9 : memref<80x128xf32, #tpu.memory_space<vmem>>) dst(%dma_wait3A_34 : memref<5120x128xf32, #tpu.memory_space<vmem_shared>>)
      tpu.yield
    }) : () -> ()
    %barrier3A_17 = arith.constant 0 : index
    tpu.barrier barrier_id(%barrier3A_17)
    %mul3A_18 = arith.constant 320 : i32
    %mul3A_19 = arith.muli %arg1, %mul3A_18 : i32
    %mul3A_20 = arith.constant 320 : i32
    %mul3A_21 = arith.muli %arg1, %mul3A_20 : i32
    "tpu.region"() ({
      %run_scoped3A_22 = tpu.sem_alloc : memref<!tpu.dma_semaphore, #tpu.memory_space<semaphore_mem>>
      %dma_start3A_23 = arith.constant 0 : i32
      %dma_start3A_24 = arith.constant 0 : i32
      %dma_start3A_25 = tpu.memref_slice %arg6[%arg0, %dma_start3A_23, %dma_start3A_24] : memref<2x5120x128xf32, #tpu.memory_space<hbm>> -> memref<1x5120x128xf32, #tpu.memory_space<hbm>>
      %dma_start3A_26 = tpu.memref_squeeze %dma_start3A_25 : memref<1x5120x128xf32, #tpu.memory_space<hbm>> -> memref<5120x128xf32, #tpu.memory_space<hbm>>
      %dma_start3A_27 = arith.constant 0 : i32
      %dma_start3A_28 = tpu.memref_slice %dma_start3A_26[%mul3A_21, %dma_start3A_27] : memref<5120x128xf32, #tpu.memory_space<hbm>> -> memref<320x128xf32, #tpu.memory_space<hbm>>
      %dma_start3A_29 = arith.constant 0 : i32
      %dma_start3A_30 = tpu.memref_slice %arg11[%mul3A_19, %dma_start3A_29] : memref<5120x128xf32, #tpu.memory_space<vmem_shared>> -> memref<320x128xf32, #tpu.memory_space<vmem_shared>>
      tpu.enqueue_dma source(%dma_start3A_30 : memref<320x128xf32, #tpu.memory_space<vmem_shared>>) target(%dma_start3A_28 : memref<320x128xf32, #tpu.memory_space<hbm>>) target_semaphore(%run_scoped3A_22 : memref<!tpu.dma_semaphore, #tpu.memory_space<semaphore_mem>>)
      %dma_wait3A_31 = arith.constant 0 : i32
      %dma_wait3A_32 = arith.constant 0 : i32
      %dma_wait3A_33 = tpu.memref_slice %arg6[%arg0, %dma_wait3A_31, %dma_wait3A_32] : memref<2x5120x128xf32, #tpu.memory_space<hbm>> -> memref<1x5120x128xf32, #tpu.memory_space<hbm>>
      %dma_wait3A_34 = tpu.memref_squeeze %dma_wait3A_33 : memref<1x5120x128xf32, #tpu.memory_space<hbm>> -> memref<5120x128xf32, #tpu.memory_space<hbm>>
      %dma_wait3A_35 = arith.constant 0 : i32
      %dma_wait3A_36 = tpu.memref_slice %dma_wait3A_34[%mul3A_21, %dma_wait3A_35] : memref<5120x128xf32, #tpu.memory_space<hbm>> -> memref<320x128xf32, #tpu.memory_space<hbm>>
      %dma_wait3A_37 = arith.constant 0 : i32
      %dma_wait3A_38 = tpu.memref_slice %arg11[%mul3A_19, %dma_wait3A_37] : memref<5120x128xf32, #tpu.memory_space<vmem_shared>> -> memref<320x128xf32, #tpu.memory_space<vmem_shared>>
      tpu.wait_dma2 semaphore(%run_scoped3A_22 : memref<!tpu.dma_semaphore, #tpu.memory_space<semaphore_mem>>) src(%dma_wait3A_38 : memref<320x128xf32, #tpu.memory_space<vmem_shared>>) dst(%dma_wait3A_36 : memref<320x128xf32, #tpu.memory_space<hbm>>)
      tpu.yield
    }) : () -> ()
    return
  }
}

#map = affine_map<(d0, d1) -> (0, 0)>
#map1 = affine_map<(d0, d1) -> (0, 0, 0)>
module attributes {stable_mosaic.version = 14 : i64} {
  func.func @k(%arg0: i32, %arg1: i32, %arg2: memref<20000x128xf32, #tpu.memory_space<hbm>>, %arg3: memref<32x10000xi32, #tpu.memory_space<hbm>>, %arg4: memref<32x125x80xi32, #tpu.memory_space<hbm>>, %arg5: memref<5120x128xf32, #tpu.memory_space<hbm>>, %arg6: memref<2x5120x128xf32, #tpu.memory_space<hbm>>, %arg7: memref<10000xi32, #tpu.memory_space<vmem>>, %arg8: memref<125x80xi32, #tpu.memory_space<vmem>>, %arg9: memref<80x128xf32, #tpu.memory_space<vmem>>, %arg10: memref<80x128xf32, #tpu.memory_space<vmem>>, %arg11: memref<5120x128xf32, #tpu.memory_space<vmem_shared>>, %arg12: memref<!tpu.dma_semaphore, #tpu.memory_space<semaphore_mem>>, %arg13: memref<!tpu.dma_semaphore, #tpu.memory_space<semaphore_mem>>) attributes {dimension_semantics = [#tpu.dimension_semantics<core_parallel>, #tpu.dimension_semantics<subcore_parallel>], iteration_bounds = array<i64: 2, 16>, scalar_prefetch = 0 : i64, scratch_operands = 7 : i64, tpu.core_type = #tpu.core_type<sc_vector_subcore>, window_params = [{transform_indices = #map}, {transform_indices = #map}, {transform_indices = #map1}, {transform_indices = #map}, {transform_indices = #map1}]} {
    %mul3A = arith.constant 16 : i32
    %mul3A_0 = arith.muli %arg0, %mul3A : i32
    %add3A = arith.addi %mul3A_0, %arg1 : i32
    %mul3A_1 = arith.constant 320 : i32
    %mul3A_2 = arith.muli %arg1, %mul3A_1 : i32
    %mul3A_3 = arith.constant 320 : i32
    %mul3A_4 = arith.muli %arg1, %mul3A_3 : i32
    "tpu.region"() ({
      %run_scoped3A_22 = tpu.sem_alloc : memref<!tpu.dma_semaphore, #tpu.memory_space<semaphore_mem>>
      %dma_start3A_23 = arith.constant 0 : i32
      %dma_start3A_24 = tpu.memref_slice %arg11[%mul3A_4, %dma_start3A_23] : memref<5120x128xf32, #tpu.memory_space<vmem_shared>> -> memref<320x128xf32, #tpu.memory_space<vmem_shared>>
      %dma_start3A_25 = arith.constant 0 : i32
      %dma_start3A_26 = tpu.memref_slice %arg5[%mul3A_2, %dma_start3A_25] : memref<5120x128xf32, #tpu.memory_space<hbm>> -> memref<320x128xf32, #tpu.memory_space<hbm>>
      tpu.enqueue_dma source(%dma_start3A_26 : memref<320x128xf32, #tpu.memory_space<hbm>>) target(%dma_start3A_24 : memref<320x128xf32, #tpu.memory_space<vmem_shared>>) target_semaphore(%run_scoped3A_22 : memref<!tpu.dma_semaphore, #tpu.memory_space<semaphore_mem>>)
      %dma_wait3A_27 = arith.constant 0 : i32
      %dma_wait3A_28 = tpu.memref_slice %arg11[%mul3A_4, %dma_wait3A_27] : memref<5120x128xf32, #tpu.memory_space<vmem_shared>> -> memref<320x128xf32, #tpu.memory_space<vmem_shared>>
      %dma_wait3A_29 = arith.constant 0 : i32
      %dma_wait3A_30 = tpu.memref_slice %arg5[%mul3A_2, %dma_wait3A_29] : memref<5120x128xf32, #tpu.memory_space<hbm>> -> memref<320x128xf32, #tpu.memory_space<hbm>>
      tpu.wait_dma2 semaphore(%run_scoped3A_22 : memref<!tpu.dma_semaphore, #tpu.memory_space<semaphore_mem>>) src(%dma_wait3A_30 : memref<320x128xf32, #tpu.memory_space<hbm>>) dst(%dma_wait3A_28 : memref<320x128xf32, #tpu.memory_space<vmem_shared>>)
      tpu.yield
    }) : () -> ()
    "tpu.region"() ({
      %run_scoped3A_22 = tpu.sem_alloc : memref<!tpu.dma_semaphore, #tpu.memory_space<semaphore_mem>>
      %dma_start3A_23 = arith.constant 0 : i32
      %dma_start3A_24 = tpu.memref_slice %arg3[%add3A, %dma_start3A_23] : memref<32x10000xi32, #tpu.memory_space<hbm>> -> memref<1x10000xi32, #tpu.memory_space<hbm>>
      %dma_start3A_25 = tpu.memref_squeeze %dma_start3A_24 : memref<1x10000xi32, #tpu.memory_space<hbm>> -> memref<10000xi32, #tpu.memory_space<hbm>>
      %dma_start3A_26 = arith.constant 0 : i32
      %dma_start3A_27 = tpu.memref_slice %arg3[%add3A, %dma_start3A_26] : memref<32x10000xi32, #tpu.memory_space<hbm>> -> memref<1x10000xi32, #tpu.memory_space<hbm>>
      %dma_start3A_28 = tpu.memref_squeeze %dma_start3A_27 : memref<1x10000xi32, #tpu.memory_space<hbm>> -> memref<10000xi32, #tpu.memory_space<hbm>>
      tpu.enqueue_dma source(%dma_start3A_28 : memref<10000xi32, #tpu.memory_space<hbm>>) target(%arg7 : memref<10000xi32, #tpu.memory_space<vmem>>) target_semaphore(%run_scoped3A_22 : memref<!tpu.dma_semaphore, #tpu.memory_space<semaphore_mem>>)
      %dma_wait3A_29 = arith.constant 0 : i32
      %dma_wait3A_30 = tpu.memref_slice %arg3[%add3A, %dma_wait3A_29] : memref<32x10000xi32, #tpu.memory_space<hbm>> -> memref<1x10000xi32, #tpu.memory_space<hbm>>
      %dma_wait3A_31 = tpu.memref_squeeze %dma_wait3A_30 : memref<1x10000xi32, #tpu.memory_space<hbm>> -> memref<10000xi32, #tpu.memory_space<hbm>>
      %dma_wait3A_32 = arith.constant 0 : i32
      %dma_wait3A_33 = tpu.memref_slice %arg3[%add3A, %dma_wait3A_32] : memref<32x10000xi32, #tpu.memory_space<hbm>> -> memref<1x10000xi32, #tpu.memory_space<hbm>>
      %dma_wait3A_34 = tpu.memref_squeeze %dma_wait3A_33 : memref<1x10000xi32, #tpu.memory_space<hbm>> -> memref<10000xi32, #tpu.memory_space<hbm>>
      tpu.wait_dma2 semaphore(%run_scoped3A_22 : memref<!tpu.dma_semaphore, #tpu.memory_space<semaphore_mem>>) src(%dma_wait3A_34 : memref<10000xi32, #tpu.memory_space<hbm>>) dst(%arg7 : memref<10000xi32, #tpu.memory_space<vmem>>)
      tpu.yield
    }) : () -> ()
    "tpu.region"() ({
      %run_scoped3A_22 = tpu.sem_alloc : memref<!tpu.dma_semaphore, #tpu.memory_space<semaphore_mem>>
      %dma_start3A_23 = arith.constant 0 : i32
      %dma_start3A_24 = arith.constant 0 : i32
      %dma_start3A_25 = tpu.memref_slice %arg4[%add3A, %dma_start3A_23, %dma_start3A_24] : memref<32x125x80xi32, #tpu.memory_space<hbm>> -> memref<1x125x80xi32, #tpu.memory_space<hbm>>
      %dma_start3A_26 = tpu.memref_squeeze %dma_start3A_25 : memref<1x125x80xi32, #tpu.memory_space<hbm>> -> memref<125x80xi32, #tpu.memory_space<hbm>>
      %dma_start3A_27 = arith.constant 0 : i32
      %dma_start3A_28 = arith.constant 0 : i32
      %dma_start3A_29 = tpu.memref_slice %arg4[%add3A, %dma_start3A_27, %dma_start3A_28] : memref<32x125x80xi32, #tpu.memory_space<hbm>> -> memref<1x125x80xi32, #tpu.memory_space<hbm>>
      %dma_start3A_30 = tpu.memref_squeeze %dma_start3A_29 : memref<1x125x80xi32, #tpu.memory_space<hbm>> -> memref<125x80xi32, #tpu.memory_space<hbm>>
      tpu.enqueue_dma source(%dma_start3A_30 : memref<125x80xi32, #tpu.memory_space<hbm>>) target(%arg8 : memref<125x80xi32, #tpu.memory_space<vmem>>) target_semaphore(%run_scoped3A_22 : memref<!tpu.dma_semaphore, #tpu.memory_space<semaphore_mem>>)
      %dma_wait3A_31 = arith.constant 0 : i32
      %dma_wait3A_32 = arith.constant 0 : i32
      %dma_wait3A_33 = tpu.memref_slice %arg4[%add3A, %dma_wait3A_31, %dma_wait3A_32] : memref<32x125x80xi32, #tpu.memory_space<hbm>> -> memref<1x125x80xi32, #tpu.memory_space<hbm>>
      %dma_wait3A_34 = tpu.memref_squeeze %dma_wait3A_33 : memref<1x125x80xi32, #tpu.memory_space<hbm>> -> memref<125x80xi32, #tpu.memory_space<hbm>>
      %dma_wait3A_35 = arith.constant 0 : i32
      %dma_wait3A_36 = arith.constant 0 : i32
      %dma_wait3A_37 = tpu.memref_slice %arg4[%add3A, %dma_wait3A_35, %dma_wait3A_36] : memref<32x125x80xi32, #tpu.memory_space<hbm>> -> memref<1x125x80xi32, #tpu.memory_space<hbm>>
      %dma_wait3A_38 = tpu.memref_squeeze %dma_wait3A_37 : memref<1x125x80xi32, #tpu.memory_space<hbm>> -> memref<125x80xi32, #tpu.memory_space<hbm>>
      tpu.wait_dma2 semaphore(%run_scoped3A_22 : memref<!tpu.dma_semaphore, #tpu.memory_space<semaphore_mem>>) src(%dma_wait3A_38 : memref<125x80xi32, #tpu.memory_space<hbm>>) dst(%arg8 : memref<125x80xi32, #tpu.memory_space<vmem>>)
      tpu.yield
    }) : () -> ()
    %barrier3A = arith.constant 0 : index
    tpu.barrier barrier_id(%barrier3A)
    %dma_start3A = arith.constant 0 : i32
    %dma_start3A_5 = tpu.memref_slice %arg7[%dma_start3A] : memref<10000xi32, #tpu.memory_space<vmem>> -> memref<80xi32, #tpu.memory_space<vmem>>
    %dma_start3A_6 = arith.constant 0 : i32
    %dma_start3A_7 = arith.constant 0 : i32
    %dma_start3A_8 = tpu.memref_slice %arg2[%dma_start3A_6, %dma_start3A_7] : memref<20000x128xf32, #tpu.memory_space<hbm>> -> memref<20000x128xf32, #tpu.memory_space<hbm>>
    tpu.enqueue_indirect_dma source(%dma_start3A_8 : memref<20000x128xf32, #tpu.memory_space<hbm>>) target(%arg9 : memref<80x128xf32, #tpu.memory_space<vmem>>) offsets(%dma_start3A_5 : memref<80xi32, #tpu.memory_space<vmem>>) semaphore(%arg12 : memref<!tpu.dma_semaphore, #tpu.memory_space<semaphore_mem>>)
    %scan3A = arith.constant 0 : i32
    %scan3A_9 = arith.constant 62 : i32
    %scan3A_10 = arith.addi %scan3A, %scan3A_9 : i32
    %scan3A_11 = arith.constant 1 : i32
    scf.for %scan3A_22 = %scan3A to %scan3A_10 step %scan3A_11  : i32 {
      %mul3A_23 = arith.constant 1 : i32
      %mul3A_24 = arith.muli %scan3A_22, %mul3A_23 : i32
      %add3A_25 = arith.constant 0 : i32
      %add3A_26 = arith.addi %add3A_25, %mul3A_24 : i32
      %mul3A_27 = arith.constant 2 : i32
      %mul3A_28 = arith.muli %mul3A_27, %add3A_26 : i32
      %mul3A_29 = arith.constant 80 : i32
      %mul3A_30 = arith.muli %mul3A_28, %mul3A_29 : i32
      %dma_wait3A_31 = tpu.memref_slice %arg7[%mul3A_30] : memref<10000xi32, #tpu.memory_space<vmem>> -> memref<80xi32, #tpu.memory_space<vmem>>
      %dma_wait3A_32 = arith.constant 0 : i32
      %dma_wait3A_33 = arith.constant 0 : i32
      %dma_wait3A_34 = tpu.memref_slice %arg2[%dma_wait3A_32, %dma_wait3A_33] : memref<20000x128xf32, #tpu.memory_space<hbm>> -> memref<20000x128xf32, #tpu.memory_space<hbm>>
      tpu.wait_indirect_dma semaphore(%arg12 : memref<!tpu.dma_semaphore, #tpu.memory_space<semaphore_mem>>) src(%dma_wait3A_34 : memref<20000x128xf32, #tpu.memory_space<hbm>>) dst(%arg9 : memref<80x128xf32, #tpu.memory_space<vmem>>)
      %add3A_35 = arith.constant 1 : i32
      %add3A_36 = arith.addi %mul3A_28, %add3A_35 : i32
      %mul3A_37 = arith.constant 80 : i32
      %mul3A_38 = arith.muli %add3A_36, %mul3A_37 : i32
      %dma_start3A_39 = tpu.memref_slice %arg7[%mul3A_38] : memref<10000xi32, #tpu.memory_space<vmem>> -> memref<80xi32, #tpu.memory_space<vmem>>
      %dma_start3A_40 = arith.constant 0 : i32
      %dma_start3A_41 = arith.constant 0 : i32
      %dma_start3A_42 = tpu.memref_slice %arg2[%dma_start3A_40, %dma_start3A_41] : memref<20000x128xf32, #tpu.memory_space<hbm>> -> memref<20000x128xf32, #tpu.memory_space<hbm>>
      tpu.enqueue_indirect_dma source(%dma_start3A_42 : memref<20000x128xf32, #tpu.memory_space<hbm>>) target(%arg10 : memref<80x128xf32, #tpu.memory_space<vmem>>) offsets(%dma_start3A_39 : memref<80xi32, #tpu.memory_space<vmem>>) semaphore(%arg13 : memref<!tpu.dma_semaphore, #tpu.memory_space<semaphore_mem>>)
      "tpu.region"() ({
        %run_scoped3A_57 = tpu.sem_alloc : memref<!tpu.dma_semaphore, #tpu.memory_space<semaphore_mem>>
        %dma_start3A_58 = arith.constant 0 : i32
        %dma_start3A_59 = tpu.memref_slice %arg8[%mul3A_28, %dma_start3A_58] : memref<125x80xi32, #tpu.memory_space<vmem>> -> memref<1x80xi32, #tpu.memory_space<vmem>>
        %dma_start3A_60 = tpu.memref_squeeze %dma_start3A_59 : memref<1x80xi32, #tpu.memory_space<vmem>> -> memref<80xi32, #tpu.memory_space<vmem>>
        %dma_start3A_61 = arith.constant 0 : i32
        %dma_start3A_62 = arith.constant 0 : i32
        %dma_start3A_63 = tpu.memref_slice %arg11[%dma_start3A_61, %dma_start3A_62] : memref<5120x128xf32, #tpu.memory_space<vmem_shared>> -> memref<5120x128xf32, #tpu.memory_space<vmem_shared>>
        tpu.enqueue_indirect_dma source(%arg9 : memref<80x128xf32, #tpu.memory_space<vmem>>) target(%dma_start3A_63 : memref<5120x128xf32, #tpu.memory_space<vmem_shared>>) offsets(%dma_start3A_60 : memref<80xi32, #tpu.memory_space<vmem>>) semaphore(%run_scoped3A_57 : memref<!tpu.dma_semaphore, #tpu.memory_space<semaphore_mem>>) {add = true}
        %dma_wait3A_64 = arith.constant 0 : i32
        %dma_wait3A_65 = tpu.memref_slice %arg8[%mul3A_28, %dma_wait3A_64] : memref<125x80xi32, #tpu.memory_space<vmem>> -> memref<1x80xi32, #tpu.memory_space<vmem>>
        %dma_wait3A_66 = tpu.memref_squeeze %dma_wait3A_65 : memref<1x80xi32, #tpu.memory_space<vmem>> -> memref<80xi32, #tpu.memory_space<vmem>>
        %dma_wait3A_67 = arith.constant 0 : i32
        %dma_wait3A_68 = arith.constant 0 : i32
        %dma_wait3A_69 = tpu.memref_slice %arg11[%dma_wait3A_67, %dma_wait3A_68] : memref<5120x128xf32, #tpu.memory_space<vmem_shared>> -> memref<5120x128xf32, #tpu.memory_space<vmem_shared>>
        tpu.wait_indirect_dma semaphore(%run_scoped3A_57 : memref<!tpu.dma_semaphore, #tpu.memory_space<semaphore_mem>>) src(%arg9 : memref<80x128xf32, #tpu.memory_space<vmem>>) dst(%dma_wait3A_69 : memref<5120x128xf32, #tpu.memory_space<vmem_shared>>)
        tpu.yield
      }) : () -> ()
      %add3A_43 = arith.constant 2 : i32
      %add3A_44 = arith.addi %mul3A_28, %add3A_43 : i32
      %lt3A = arith.constant 125 : i32
      %lt3A_45 = arith.cmpi slt, %add3A_44, %lt3A : i32
      %convert_element_type3A = arith.extui %lt3A_45 : i1 to i32
      %cond3A = arith.constant 0 : i32
      %cond3A_46 = arith.cmpi ne, %convert_element_type3A, %cond3A : i32
      scf.if %cond3A_46 {
        %add3A_57 = arith.constant 2 : i32
        %add3A_58 = arith.addi %mul3A_28, %add3A_57 : i32
        %mul3A_59 = arith.constant 80 : i32
        %mul3A_60 = arith.muli %add3A_58, %mul3A_59 : i32
        %dma_start3A_61 = tpu.memref_slice %arg7[%mul3A_60] : memref<10000xi32, #tpu.memory_space<vmem>> -> memref<80xi32, #tpu.memory_space<vmem>>
        %dma_start3A_62 = arith.constant 0 : i32
        %dma_start3A_63 = arith.constant 0 : i32
        %dma_start3A_64 = tpu.memref_slice %arg2[%dma_start3A_62, %dma_start3A_63] : memref<20000x128xf32, #tpu.memory_space<hbm>> -> memref<20000x128xf32, #tpu.memory_space<hbm>>
        tpu.enqueue_indirect_dma source(%dma_start3A_64 : memref<20000x128xf32, #tpu.memory_space<hbm>>) target(%arg9 : memref<80x128xf32, #tpu.memory_space<vmem>>) offsets(%dma_start3A_61 : memref<80xi32, #tpu.memory_space<vmem>>) semaphore(%arg12 : memref<!tpu.dma_semaphore, #tpu.memory_space<semaphore_mem>>)
      } else {
      }
      %add3A_47 = arith.constant 1 : i32
      %add3A_48 = arith.addi %mul3A_28, %add3A_47 : i32
      %mul3A_49 = arith.constant 80 : i32
      %mul3A_50 = arith.muli %add3A_48, %mul3A_49 : i32
      %dma_wait3A_51 = tpu.memref_slice %arg7[%mul3A_50] : memref<10000xi32, #tpu.memory_space<vmem>> -> memref<80xi32, #tpu.memory_space<vmem>>
      %dma_wait3A_52 = arith.constant 0 : i32
      %dma_wait3A_53 = arith.constant 0 : i32
      %dma_wait3A_54 = tpu.memref_slice %arg2[%dma_wait3A_52, %dma_wait3A_53] : memref<20000x128xf32, #tpu.memory_space<hbm>> -> memref<20000x128xf32, #tpu.memory_space<hbm>>
      tpu.wait_indirect_dma semaphore(%arg13 : memref<!tpu.dma_semaphore, #tpu.memory_space<semaphore_mem>>) src(%dma_wait3A_54 : memref<20000x128xf32, #tpu.memory_space<hbm>>) dst(%arg10 : memref<80x128xf32, #tpu.memory_space<vmem>>)
      %add3A_55 = arith.constant 1 : i32
      %add3A_56 = arith.addi %mul3A_28, %add3A_55 : i32
      "tpu.region"() ({
        %run_scoped3A_57 = tpu.sem_alloc : memref<!tpu.dma_semaphore, #tpu.memory_space<semaphore_mem>>
        %dma_start3A_58 = arith.constant 0 : i32
        %dma_start3A_59 = tpu.memref_slice %arg8[%add3A_56, %dma_start3A_58] : memref<125x80xi32, #tpu.memory_space<vmem>> -> memref<1x80xi32, #tpu.memory_space<vmem>>
        %dma_start3A_60 = tpu.memref_squeeze %dma_start3A_59 : memref<1x80xi32, #tpu.memory_space<vmem>> -> memref<80xi32, #tpu.memory_space<vmem>>
        %dma_start3A_61 = arith.constant 0 : i32
        %dma_start3A_62 = arith.constant 0 : i32
        %dma_start3A_63 = tpu.memref_slice %arg11[%dma_start3A_61, %dma_start3A_62] : memref<5120x128xf32, #tpu.memory_space<vmem_shared>> -> memref<5120x128xf32, #tpu.memory_space<vmem_shared>>
        tpu.enqueue_indirect_dma source(%arg10 : memref<80x128xf32, #tpu.memory_space<vmem>>) target(%dma_start3A_63 : memref<5120x128xf32, #tpu.memory_space<vmem_shared>>) offsets(%dma_start3A_60 : memref<80xi32, #tpu.memory_space<vmem>>) semaphore(%run_scoped3A_57 : memref<!tpu.dma_semaphore, #tpu.memory_space<semaphore_mem>>) {add = true}
        %dma_wait3A_64 = arith.constant 0 : i32
        %dma_wait3A_65 = tpu.memref_slice %arg8[%add3A_56, %dma_wait3A_64] : memref<125x80xi32, #tpu.memory_space<vmem>> -> memref<1x80xi32, #tpu.memory_space<vmem>>
        %dma_wait3A_66 = tpu.memref_squeeze %dma_wait3A_65 : memref<1x80xi32, #tpu.memory_space<vmem>> -> memref<80xi32, #tpu.memory_space<vmem>>
        %dma_wait3A_67 = arith.constant 0 : i32
        %dma_wait3A_68 = arith.constant 0 : i32
        %dma_wait3A_69 = tpu.memref_slice %arg11[%dma_wait3A_67, %dma_wait3A_68] : memref<5120x128xf32, #tpu.memory_space<vmem_shared>> -> memref<5120x128xf32, #tpu.memory_space<vmem_shared>>
        tpu.wait_indirect_dma semaphore(%run_scoped3A_57 : memref<!tpu.dma_semaphore, #tpu.memory_space<semaphore_mem>>) src(%arg10 : memref<80x128xf32, #tpu.memory_space<vmem>>) dst(%dma_wait3A_69 : memref<5120x128xf32, #tpu.memory_space<vmem_shared>>)
        tpu.yield
      }) : () -> ()
    }
    %scan3A_12 = arith.constant 62 : i32
    %dma_wait3A = arith.constant 9920 : i32
    %dma_wait3A_13 = tpu.memref_slice %arg7[%dma_wait3A] : memref<10000xi32, #tpu.memory_space<vmem>> -> memref<80xi32, #tpu.memory_space<vmem>>
    %dma_wait3A_14 = arith.constant 0 : i32
    %dma_wait3A_15 = arith.constant 0 : i32
    %dma_wait3A_16 = tpu.memref_slice %arg2[%dma_wait3A_14, %dma_wait3A_15] : memref<20000x128xf32, #tpu.memory_space<hbm>> -> memref<20000x128xf32, #tpu.memory_space<hbm>>
    tpu.wait_indirect_dma semaphore(%arg12 : memref<!tpu.dma_semaphore, #tpu.memory_space<semaphore_mem>>) src(%dma_wait3A_16 : memref<20000x128xf32, #tpu.memory_space<hbm>>) dst(%arg9 : memref<80x128xf32, #tpu.memory_space<vmem>>)
    %run_scoped3A = arith.constant 124 : i32
    "tpu.region"() ({
      %run_scoped3A_22 = tpu.sem_alloc : memref<!tpu.dma_semaphore, #tpu.memory_space<semaphore_mem>>
      %dma_start3A_23 = arith.constant 0 : i32
      %dma_start3A_24 = tpu.memref_slice %arg8[%run_scoped3A, %dma_start3A_23] : memref<125x80xi32, #tpu.memory_space<vmem>> -> memref<1x80xi32, #tpu.memory_space<vmem>>
      %dma_start3A_25 = tpu.memref_squeeze %dma_start3A_24 : memref<1x80xi32, #tpu.memory_space<vmem>> -> memref<80xi32, #tpu.memory_space<vmem>>
      %dma_start3A_26 = arith.constant 0 : i32
      %dma_start3A_27 = arith.constant 0 : i32
      %dma_start3A_28 = tpu.memref_slice %arg11[%dma_start3A_26, %dma_start3A_27] : memref<5120x128xf32, #tpu.memory_space<vmem_shared>> -> memref<5120x128xf32, #tpu.memory_space<vmem_shared>>
      tpu.enqueue_indirect_dma source(%arg9 : memref<80x128xf32, #tpu.memory_space<vmem>>) target(%dma_start3A_28 : memref<5120x128xf32, #tpu.memory_space<vmem_shared>>) offsets(%dma_start3A_25 : memref<80xi32, #tpu.memory_space<vmem>>) semaphore(%run_scoped3A_22 : memref<!tpu.dma_semaphore, #tpu.memory_space<semaphore_mem>>) {add = true}
      %dma_wait3A_29 = arith.constant 0 : i32
      %dma_wait3A_30 = tpu.memref_slice %arg8[%run_scoped3A, %dma_wait3A_29] : memref<125x80xi32, #tpu.memory_space<vmem>> -> memref<1x80xi32, #tpu.memory_space<vmem>>
      %dma_wait3A_31 = tpu.memref_squeeze %dma_wait3A_30 : memref<1x80xi32, #tpu.memory_space<vmem>> -> memref<80xi32, #tpu.memory_space<vmem>>
      %dma_wait3A_32 = arith.constant 0 : i32
      %dma_wait3A_33 = arith.constant 0 : i32
      %dma_wait3A_34 = tpu.memref_slice %arg11[%dma_wait3A_32, %dma_wait3A_33] : memref<5120x128xf32, #tpu.memory_space<vmem_shared>> -> memref<5120x128xf32, #tpu.memory_space<vmem_shared>>
      tpu.wait_indirect_dma semaphore(%run_scoped3A_22 : memref<!tpu.dma_semaphore, #tpu.memory_space<semaphore_mem>>) src(%arg9 : memref<80x128xf32, #tpu.memory_space<vmem>>) dst(%dma_wait3A_34 : memref<5120x128xf32, #tpu.memory_space<vmem_shared>>)
      tpu.yield
    }) : () -> ()
    %barrier3A_17 = arith.constant 0 : index
    tpu.barrier barrier_id(%barrier3A_17)
    %mul3A_18 = arith.constant 320 : i32
    %mul3A_19 = arith.muli %arg1, %mul3A_18 : i32
    %mul3A_20 = arith.constant 320 : i32
    %mul3A_21 = arith.muli %arg1, %mul3A_20 : i32
    "tpu.region"() ({
      %run_scoped3A_22 = tpu.sem_alloc : memref<!tpu.dma_semaphore, #tpu.memory_space<semaphore_mem>>
      %dma_start3A_23 = arith.constant 0 : i32
      %dma_start3A_24 = arith.constant 0 : i32
      %dma_start3A_25 = tpu.memref_slice %arg6[%arg0, %dma_start3A_23, %dma_start3A_24] : memref<2x5120x128xf32, #tpu.memory_space<hbm>> -> memref<1x5120x128xf32, #tpu.memory_space<hbm>>
      %dma_start3A_26 = tpu.memref_squeeze %dma_start3A_25 : memref<1x5120x128xf32, #tpu.memory_space<hbm>> -> memref<5120x128xf32, #tpu.memory_space<hbm>>
      %dma_start3A_27 = arith.constant 0 : i32
      %dma_start3A_28 = tpu.memref_slice %dma_start3A_26[%mul3A_21, %dma_start3A_27] : memref<5120x128xf32, #tpu.memory_space<hbm>> -> memref<320x128xf32, #tpu.memory_space<hbm>>
      %dma_start3A_29 = arith.constant 0 : i32
      %dma_start3A_30 = tpu.memref_slice %arg11[%mul3A_19, %dma_start3A_29] : memref<5120x128xf32, #tpu.memory_space<vmem_shared>> -> memref<320x128xf32, #tpu.memory_space<vmem_shared>>
      tpu.enqueue_dma source(%dma_start3A_30 : memref<320x128xf32, #tpu.memory_space<vmem_shared>>) target(%dma_start3A_28 : memref<320x128xf32, #tpu.memory_space<hbm>>) target_semaphore(%run_scoped3A_22 : memref<!tpu.dma_semaphore, #tpu.memory_space<semaphore_mem>>)
      %dma_wait3A_31 = arith.constant 0 : i32
      %dma_wait3A_32 = arith.constant 0 : i32
      %dma_wait3A_33 = tpu.memref_slice %arg6[%arg0, %dma_wait3A_31, %dma_wait3A_32] : memref<2x5120x128xf32, #tpu.memory_space<hbm>> -> memref<1x5120x128xf32, #tpu.memory_space<hbm>>
      %dma_wait3A_34 = tpu.memref_squeeze %dma_wait3A_33 : memref<1x5120x128xf32, #tpu.memory_space<hbm>> -> memref<5120x128xf32, #tpu.memory_space<hbm>>
      %dma_wait3A_35 = arith.constant 0 : i32
      %dma_wait3A_36 = tpu.memref_slice %dma_wait3A_34[%mul3A_21, %dma_wait3A_35] : memref<5120x128xf32, #tpu.memory_space<hbm>> -> memref<320x128xf32, #tpu.memory_space<hbm>>
      %dma_wait3A_37 = arith.constant 0 : i32
      %dma_wait3A_38 = tpu.memref_slice %arg11[%mul3A_19, %dma_wait3A_37] : memref<5120x128xf32, #tpu.memory_space<vmem_shared>> -> memref<320x128xf32, #tpu.memory_space<vmem_shared>>
      tpu.wait_dma2 semaphore(%run_scoped3A_22 : memref<!tpu.dma_semaphore, #tpu.memory_space<semaphore_mem>>) src(%dma_wait3A_38 : memref<320x128xf32, #tpu.memory_space<vmem_shared>>) dst(%dma_wait3A_36 : memref<320x128xf32, #tpu.memory_space<hbm>>)
      tpu.yield
    }) : () -> ()
    return
  }
}

module attributes {stable_mosaic.version = 14 : i64} {
  func.func @body(%arg0: i32, %arg1: memref<1000x128xf32, #tpu.memory_space<vmem>>, %arg2: memref<128x64xf32, #tpu.memory_space<vmem>>, %arg3: memref<1000x64xf32, #tpu.memory_space<vmem>>) attributes {dimension_semantics = [#tpu.dimension_semantics<arbitrary>], iteration_bounds = array<i64: 10>, scalar_prefetch = 0 : i64, scratch_operands = 0 : i64, tpu.core_type = #tpu.core_type<tc>, window_params = [{transform_indices = @transform_0, window_bounds = array<i64: 1000, 128>}, {pipeline_mode = #tpu.pipeline_mode<synchronous>, transform_indices = @transform_1, window_bounds = array<i64: 128, 64>}, {transform_indices = @transform_2, window_bounds = array<i64: 1000, 64>}]} {
    %get3A = arith.constant 0 : index
    %get3A_0 = arith.constant 0 : index
    %get3A_1 = vector.load %arg1[%get3A, %get3A_0] : memref<1000x128xf32, #tpu.memory_space<vmem>>, vector<1000x128xf32>
    %get3A_2 = arith.constant 0 : index
    %get3A_3 = arith.constant 0 : index
    %get3A_4 = vector.load %arg2[%get3A_2, %get3A_3] : memref<128x64xf32, #tpu.memory_space<vmem>>, vector<128x64xf32>
    %dot_general3A = arith.constant dense<0.000000e+00> : vector<1000x64xf32>
    %dot_general3A_5 = tpu.matmul %get3A_1, %get3A_4, %dot_general3A {dimension_numbers = #tpu.dot_dimension_numbers<[1], [0], [0], [1], [0, 0, 1, 1], [], []>, precision = #tpu.contract_precision<fp32>, transpose_lhs_hint = false} : vector<1000x128xf32>, vector<128x64xf32>, vector<1000x64xf32> -> vector<1000x64xf32>
    %swap3A = arith.constant 0 : index
    %swap3A_6 = arith.constant 0 : index
    %swap3A_7 = vector.load %arg3[%swap3A, %swap3A_6] : memref<1000x64xf32, #tpu.memory_space<vmem>>, vector<1000x64xf32>
    tpu.vector_store %arg3[%swap3A, %swap3A_6], %dot_general3A_5 {strides = array<i32>} : memref<1000x64xf32, #tpu.memory_space<vmem>>, vector<1000x64xf32>,
    return
  }
  func.func @transform_0(%arg0: i32) -> (i32, i32) {
    %c0_i32 = arith.constant 0 : i32
    %c0_i32_0 = arith.constant 0 : i32
    return %arg0, %c0_i32 : i32, i32
  }
  func.func @transform_1(%arg0: i32) -> (i32, i32) {
    %c0_i32 = arith.constant 0 : i32
    %c0_i32_0 = arith.constant 0 : i32
    %c0_i32_1 = arith.constant 0 : i32
    return %c0_i32, %c0_i32_0 : i32, i32
  }
  func.func @transform_2(%arg0: i32) -> (i32, i32) {
    %c0_i32 = arith.constant 0 : i32
    %c0_i32_0 = arith.constant 0 : i32
    return %arg0, %c0_i32 : i32, i32
  }
}

module attributes {stable_mosaic.version = 14 : i64} {
  func.func @body(%arg0: i32, %arg1: memref<32x1x16x5000xf32, #tpu.memory_space<vmem>>, %arg2: memref<5000x8xf32, #tpu.memory_space<vmem>>) attributes {dimension_semantics = [#tpu.dimension_semantics<arbitrary>], iteration_bounds = array<i64: 2>, scalar_prefetch = 0 : i64, scratch_operands = 0 : i64, tpu.core_type = #tpu.core_type<tc>, window_params = [{transform_indices = @transform_0, window_bounds = array<i64: 32, 1, 16, 5000>}, {transform_indices = @transform_1, window_bounds = array<i64: 5000, 8>}]} {
    %get3A = arith.constant 0 : index
    %get3A_0 = arith.constant 0 : index
    %get3A_1 = arith.constant 0 : index
    %get3A_2 = arith.constant 0 : index
    %get3A_3 = vector.load %arg1[%get3A, %get3A_0, %get3A_1, %get3A_2] : memref<32x1x16x5000xf32, #tpu.memory_space<vmem>>, vector<32x1x16x5000xf32>
    %reduce_sum3A = arith.constant dense<0.000000e+00> : vector<5000xf32>
    %reduce_sum3A_4 = vector.multi_reduction <add>, %get3A_3, %reduce_sum3A [0, 1, 2] : vector<32x1x16x5000xf32> to vector<5000xf32>
    %add3A = arith.constant 1.000000e+00 : f32
    %add3A_5 = vector.broadcast %add3A : f32 to vector<5000xf32>
    %add3A_6 = arith.addf %reduce_sum3A_4, %add3A_5 : vector<5000xf32>
    %rsqrt3A = math.rsqrt %add3A_6 : vector<5000xf32>
    %broadcast_in_dim3A = vector.shape_cast %rsqrt3A : vector<5000xf32> to vector<5000x1xf32>
    %broadcast_in_dim3A_7 = vector.shape_cast %broadcast_in_dim3A : vector<5000x1xf32> to vector<5000x1xf32>
    %broadcast_in_dim3A_8 = vector.broadcast %broadcast_in_dim3A_7 : vector<5000x1xf32> to vector<5000x8xf32>
    %swap3A = arith.constant 0 : index
    %swap3A_9 = arith.constant 0 : index
    %swap3A_10 = vector.load %arg2[%swap3A, %swap3A_9] : memref<5000x8xf32, #tpu.memory_space<vmem>>, vector<5000x8xf32>
    tpu.vector_store %arg2[%swap3A, %swap3A_9], %broadcast_in_dim3A_8 {strides = array<i32>} : memref<5000x8xf32, #tpu.memory_space<vmem>>, vector<5000x8xf32>,
    return
  }
  func.func @transform_0(%arg0: i32) -> (i32, i32, i32, i32) {
    %c0_i32 = arith.constant 0 : i32
    %c0_i32_0 = arith.constant 0 : i32
    %c0_i32_1 = arith.constant 0 : i32
    %c0_i32_2 = arith.constant 0 : i32
    return %c0_i32, %arg0, %c0_i32_0, %c0_i32_1 : i32, i32, i32, i32
  }
  func.func @transform_1(%arg0: i32) -> (i32, i32) {
    %c0_i32 = arith.constant 0 : i32
    %c0_i32_0 = arith.constant 0 : i32
    return %arg0, %c0_i32 : i32, i32
  }
}

module attributes {stable_mosaic.version = 14 : i64} {
  func.func @body(%arg0: i32, %arg1: i32, %arg2: memref<1000x64xf32, #tpu.memory_space<vmem>>, %arg3: memref<1000x8xf32, #tpu.memory_space<vmem>>, %arg4: memref<1x1000x128xf32, #tpu.memory_space<vmem>>) attributes {dimension_semantics = [#tpu.dimension_semantics<arbitrary>, #tpu.dimension_semantics<arbitrary>], iteration_bounds = array<i64: 10, 2>, scalar_prefetch = 0 : i64, scratch_operands = 0 : i64, tpu.core_type = #tpu.core_type<tc>, window_params = [{transform_indices = @transform_0, window_bounds = array<i64: 1000, 64>}, {transform_indices = @transform_1, window_bounds = array<i64: 1000, 8>}, {transform_indices = @transform_2, window_bounds = array<i64: 1, 1000, 128>}]} {
    %get3A = arith.constant 0 : index
    %get3A_0 = arith.constant 0 : index
    %get3A_1 = vector.load %arg2[%get3A, %get3A_0] : memref<1000x64xf32, #tpu.memory_space<vmem>>, vector<1000x64xf32>
    %get3A_2 = arith.constant 0 : index
    %get3A_3 = arith.constant 0 : index
    %get3A_4 = vector.load %arg3[%get3A_2, %get3A_3] : memref<1000x8xf32, #tpu.memory_space<vmem>>, vector<1000x1xf32>
    %mul3A = vector.broadcast %get3A_4 : vector<1000x1xf32> to vector<1000x64xf32>
    %mul3A_5 = arith.mulf %get3A_1, %mul3A : vector<1000x64xf32>
    %broadcast_in_dim3A = arith.constant 0.000000e+00 : f32
    %broadcast_in_dim3A_6 = vector.broadcast %broadcast_in_dim3A : f32 to vector<1000x64xf32>
    %eq3A = arith.constant 0 : i32
    %eq3A_7 = arith.cmpi eq, %arg1, %eq3A : i32
    %concatenate3A = tpu.concatenate %mul3A_5, %broadcast_in_dim3A_6 in 1 : vector<1000x64xf32>, vector<1000x64xf32> -> vector<1000x128xf32>
    %concatenate3A_8 = tpu.concatenate %broadcast_in_dim3A_6, %mul3A_5 in 1 : vector<1000x64xf32>, vector<1000x64xf32> -> vector<1000x128xf32>
    %select_n3A = arith.select %eq3A_7, %concatenate3A, %concatenate3A_8 : vector<1000x128xf32>
    %swap3A = arith.constant 0 : index
    %swap3A_9 = arith.constant 0 : index
    %swap3A_10 = arith.constant 0 : index
    %swap3A_11 = vector.load %arg4[%swap3A, %swap3A_9, %swap3A_10] : memref<1x1000x128xf32, #tpu.memory_space<vmem>>, vector<1x1000x128xf32>
    %swap3A_12 = vector.shape_cast %swap3A_11 : vector<1x1000x128xf32> to vector<1000x128xf32>
    %swap3A_13 = vector.shape_cast %select_n3A : vector<1000x128xf32> to vector<1x1000x128xf32>
    tpu.vector_store %arg4[%swap3A, %swap3A_9, %swap3A_10], %swap3A_13 {strides = array<i32>} : memref<1x1000x128xf32, #tpu.memory_space<vmem>>, vector<1x1000x128xf32>,
    return
  }
  func.func @transform_0(%arg0: i32, %arg1: i32) -> (i32, i32) {
    %c0_i32 = arith.constant 0 : i32
    %c0_i32_0 = arith.constant 0 : i32
    return %arg0, %c0_i32 : i32, i32
  }
  func.func @transform_1(%arg0: i32, %arg1: i32) -> (i32, i32) {
    %c0_i32 = arith.constant 0 : i32
    %c0_i32_0 = arith.constant 0 : i32
    return %arg0, %c0_i32 : i32, i32
  }
  func.func @transform_2(%arg0: i32, %arg1: i32) -> (i32, i32, i32) {
    %c0_i32 = arith.constant 0 : i32
    %c0_i32_0 = arith.constant 0 : i32
    return %arg1, %arg0, %c0_i32 : i32, i32, i32
  }
}

module attributes {stable_mosaic.version = 14 : i64} {
  func.func @body(%arg0: i32, %arg1: i32, %arg2: memref<2x1000x64xf32, #tpu.memory_space<vmem>>, %arg3: memref<1x1000x128xf32, #tpu.memory_space<vmem>>, %arg4: memref<1000x8xf32, #tpu.memory_space<vmem>>, %arg5: memref<1x64xf32, #tpu.memory_space<vmem>>, %arg6: memref<64x64xf32, #tpu.memory_space<vmem>>, %arg7: memref<1x1000x128xf32, #tpu.memory_space<vmem>>) attributes {dimension_semantics = [#tpu.dimension_semantics<arbitrary>, #tpu.dimension_semantics<arbitrary>], iteration_bounds = array<i64: 10, 2>, scalar_prefetch = 0 : i64, scratch_operands = 0 : i64, tpu.core_type = #tpu.core_type<tc>, window_params = [{transform_indices = @transform_0, window_bounds = array<i64: 2, 1000, 64>}, {transform_indices = @transform_1, window_bounds = array<i64: 1, 1000, 128>}, {transform_indices = @transform_2, window_bounds = array<i64: 1000, 8>}, {pipeline_mode = #tpu.pipeline_mode<synchronous>, transform_indices = @transform_3, window_bounds = array<i64: 1, 64>}, {pipeline_mode = #tpu.pipeline_mode<synchronous>, transform_indices = @transform_4, window_bounds = array<i64: 64, 64>}, {transform_indices = @transform_5, window_bounds = array<i64: 1, 1000, 128>}]} {
    %get3A = arith.constant 0 : index
    %get3A_0 = arith.constant 0 : index
    %get3A_1 = vector.load %arg4[%get3A, %get3A_0] : memref<1000x8xf32, #tpu.memory_space<vmem>>, vector<1000x1xf32>
    %get3A_2 = arith.constant 0 : index
    %get3A_3 = arith.constant 0 : index
    %get3A_4 = arith.constant 0 : index
    %get3A_5 = vector.load %arg2[%get3A_2, %get3A_3, %get3A_4] : memref<2x1000x64xf32, #tpu.memory_space<vmem>>, vector<1x1000x64xf32>
    %get3A_6 = vector.shape_cast %get3A_5 : vector<1x1000x64xf32> to vector<1000x64xf32>
    %get3A_7 = arith.constant 1 : index
    %get3A_8 = arith.constant 0 : index
    %get3A_9 = arith.constant 0 : index
    %get3A_10 = vector.load %arg2[%get3A_7, %get3A_8, %get3A_9] : memref<2x1000x64xf32, #tpu.memory_space<vmem>>, vector<1x1000x64xf32>
    %get3A_11 = vector.shape_cast %get3A_10 : vector<1x1000x64xf32> to vector<1000x64xf32>
    %add3A = arith.addf %get3A_6, %get3A_11 : vector<1000x64xf32>
    %get3A_12 = arith.constant 0 : index
    %get3A_13 = arith.constant 0 : index
    %get3A_14 = arith.constant 0 : index
    %get3A_15 = vector.load %arg3[%get3A_12, %get3A_13, %get3A_14] : memref<1x1000x128xf32, #tpu.memory_space<vmem>>, vector<1x1000x128xf32>
    %get3A_16 = vector.shape_cast %get3A_15 : vector<1x1000x128xf32> to vector<1000x128xf32>
    %slice3A = vector.extract_strided_slice %get3A_16 {offsets = [0, 0], sizes = [1000, 64], strides = [1, 1]} : vector<1000x128xf32> to vector<1000x64xf32>
    %add3A_17 = arith.addf %add3A, %slice3A : vector<1000x64xf32>
    %mul3A = vector.broadcast %get3A_1 : vector<1000x1xf32> to vector<1000x64xf32>
    %mul3A_18 = arith.mulf %mul3A, %add3A_17 : vector<1000x64xf32>
    %get3A_19 = arith.constant 0 : index
    %get3A_20 = arith.constant 0 : index
    %get3A_21 = vector.load %arg5[%get3A_19, %get3A_20] : memref<1x64xf32, #tpu.memory_space<vmem>>, vector<1x64xf32>
    %add3A_22 = vector.broadcast %get3A_21 : vector<1x64xf32> to vector<1000x64xf32>
    %add3A_23 = arith.addf %mul3A_18, %add3A_22 : vector<1000x64xf32>
    %max3A = arith.constant 0.000000e+00 : f32
    %max3A_24 = vector.broadcast %max3A : f32 to vector<1000x64xf32>
    %max3A_25 = arith.maximumf %add3A_23, %max3A_24 : vector<1000x64xf32>
    %get3A_26 = arith.constant 0 : index
    %get3A_27 = arith.constant 0 : index
    %get3A_28 = vector.load %arg6[%get3A_26, %get3A_27] : memref<64x64xf32, #tpu.memory_space<vmem>>, vector<64x64xf32>
    %dot_general3A = arith.constant dense<0.000000e+00> : vector<1000x64xf32>
    %dot_general3A_29 = tpu.matmul %max3A_25, %get3A_28, %dot_general3A {dimension_numbers = #tpu.dot_dimension_numbers<[1], [0], [0], [1], [0, 0, 1, 1], [], []>, precision = #tpu.contract_precision<fp32>, transpose_lhs_hint = false} : vector<1000x64xf32>, vector<64x64xf32>, vector<1000x64xf32> -> vector<1000x64xf32>
    %mul3A_30 = vector.broadcast %get3A_1 : vector<1000x1xf32> to vector<1000x64xf32>
    %mul3A_31 = arith.mulf %dot_general3A_29, %mul3A_30 : vector<1000x64xf32>
    %broadcast_in_dim3A = arith.constant 0.000000e+00 : f32
    %broadcast_in_dim3A_32 = vector.broadcast %broadcast_in_dim3A : f32 to vector<1000x64xf32>
    %eq3A = arith.constant 0 : i32
    %eq3A_33 = arith.cmpi eq, %arg1, %eq3A : i32
    %concatenate3A = tpu.concatenate %mul3A_31, %broadcast_in_dim3A_32 in 1 : vector<1000x64xf32>, vector<1000x64xf32> -> vector<1000x128xf32>
    %concatenate3A_34 = tpu.concatenate %broadcast_in_dim3A_32, %mul3A_31 in 1 : vector<1000x64xf32>, vector<1000x64xf32> -> vector<1000x128xf32>
    %select_n3A = arith.select %eq3A_33, %concatenate3A, %concatenate3A_34 : vector<1000x128xf32>
    %swap3A = arith.constant 0 : index
    %swap3A_35 = arith.constant 0 : index
    %swap3A_36 = arith.constant 0 : index
    %swap3A_37 = vector.load %arg7[%swap3A, %swap3A_35, %swap3A_36] : memref<1x1000x128xf32, #tpu.memory_space<vmem>>, vector<1x1000x128xf32>
    %swap3A_38 = vector.shape_cast %swap3A_37 : vector<1x1000x128xf32> to vector<1000x128xf32>
    %swap3A_39 = vector.shape_cast %select_n3A : vector<1000x128xf32> to vector<1x1000x128xf32>
    tpu.vector_store %arg7[%swap3A, %swap3A_35, %swap3A_36], %swap3A_39 {strides = array<i32>} : memref<1x1000x128xf32, #tpu.memory_space<vmem>>, vector<1x1000x128xf32>,
    return
  }
  func.func @transform_0(%arg0: i32, %arg1: i32) -> (i32, i32, i32) {
    %c0_i32 = arith.constant 0 : i32
    %c0_i32_0 = arith.constant 0 : i32
    %c0_i32_1 = arith.constant 0 : i32
    return %c0_i32, %arg0, %c0_i32_0 : i32, i32, i32
  }
  func.func @transform_1(%arg0: i32, %arg1: i32) -> (i32, i32, i32) {
    %c0_i32 = arith.constant 0 : i32
    %c0_i32_0 = arith.constant 0 : i32
    %c0_i32_1 = arith.constant 0 : i32
    return %c0_i32, %arg0, %c0_i32_0 : i32, i32, i32
  }
  func.func @transform_2(%arg0: i32, %arg1: i32) -> (i32, i32) {
    %c0_i32 = arith.constant 0 : i32
    %c0_i32_0 = arith.constant 0 : i32
    return %arg0, %c0_i32 : i32, i32
  }
  func.func @transform_3(%arg0: i32, %arg1: i32) -> (i32, i32) {
    %c0_i32 = arith.constant 0 : i32
    %c0_i32_0 = arith.constant 0 : i32
    %c0_i32_1 = arith.constant 0 : i32
    return %c0_i32, %c0_i32_0 : i32, i32
  }
  func.func @transform_4(%arg0: i32, %arg1: i32) -> (i32, i32) {
    %c0_i32 = arith.constant 0 : i32
    %c0_i32_0 = arith.constant 0 : i32
    %c0_i32_1 = arith.constant 0 : i32
    return %c0_i32, %c0_i32_0 : i32, i32
  }
  func.func @transform_5(%arg0: i32, %arg1: i32) -> (i32, i32, i32) {
    %c0_i32 = arith.constant 0 : i32
    %c0_i32_0 = arith.constant 0 : i32
    return %arg1, %arg0, %c0_i32 : i32, i32, i32
  }
}

module attributes {stable_mosaic.version = 14 : i64} {
  func.func @body(%arg0: i32, %arg1: memref<2x1000x64xf32, #tpu.memory_space<vmem>>, %arg2: memref<1x1000x128xf32, #tpu.memory_space<vmem>>, %arg3: memref<1000x8xf32, #tpu.memory_space<vmem>>, %arg4: memref<1x64xf32, #tpu.memory_space<vmem>>, %arg5: memref<1x1x1000xi32, #tpu.memory_space<vmem>>, %arg6: memref<64x2xf32, #tpu.memory_space<vmem>>, %arg7: memref<1x2xf32, #tpu.memory_space<vmem>>, %arg8: memref<64x2xf32, #tpu.memory_space<vmem>>, %arg9: memref<64x128xf32, #tpu.memory_space<vmem>>) attributes {dimension_semantics = [#tpu.dimension_semantics<arbitrary>], iteration_bounds = array<i64: 10>, scalar_prefetch = 0 : i64, scratch_operands = 1 : i64, tpu.core_type = #tpu.core_type<tc>, window_params = [{transform_indices = @transform_0, window_bounds = array<i64: 2, 1000, 64>}, {transform_indices = @transform_1, window_bounds = array<i64: 1, 1000, 128>}, {transform_indices = @transform_2, window_bounds = array<i64: 1000, 8>}, {pipeline_mode = #tpu.pipeline_mode<synchronous>, transform_indices = @transform_3, window_bounds = array<i64: 1, 64>}, {transform_indices = @transform_4, window_bounds = array<i64: 1, 1, 1000>}, {pipeline_mode = #tpu.pipeline_mode<synchronous>, transform_indices = @transform_5, window_bounds = array<i64: 64, 2>}, {pipeline_mode = #tpu.pipeline_mode<synchronous>, transform_indices = @transform_6, window_bounds = array<i64: 1, 2>}, {pipeline_mode = #tpu.pipeline_mode<synchronous>, transform_indices = @transform_7, window_bounds = array<i64: 64, 2>}]} {
    %eq3A = arith.constant 0 : i32
    %eq3A_0 = arith.cmpi eq, %arg0, %eq3A : i32
    %convert_element_type3A = arith.extui %eq3A_0 : i1 to i32
    %cond3A = arith.constant 0 : i32
    %cond3A_1 = arith.cmpi ne, %convert_element_type3A, %cond3A : i32
    scf.if %cond3A_1 {
      %broadcast_in_dim3A_48 = arith.constant 0.000000e+00 : f32
      %broadcast_in_dim3A_49 = vector.broadcast %broadcast_in_dim3A_48 : f32 to vector<64x128xf32>
      %swap3A_50 = arith.constant 0 : index
      %swap3A_51 = arith.constant 0 : index
      %swap3A_52 = vector.load %arg9[%swap3A_50, %swap3A_51] : memref<64x128xf32, #tpu.memory_space<vmem>>, vector<64x128xf32>
      tpu.vector_store %arg9[%swap3A_50, %swap3A_51], %broadcast_in_dim3A_49 {strides = array<i32>} : memref<64x128xf32, #tpu.memory_space<vmem>>, vector<64x128xf32>,
    } else {
    }
    %get3A = arith.constant 0 : index
    %get3A_2 = arith.constant 0 : index
    %get3A_3 = vector.load %arg3[%get3A, %get3A_2] : memref<1000x8xf32, #tpu.memory_space<vmem>>, vector<1000x1xf32>
    %get3A_4 = arith.constant 0 : index
    %get3A_5 = arith.constant 0 : index
    %get3A_6 = arith.constant 0 : index
    %get3A_7 = vector.load %arg1[%get3A_4, %get3A_5, %get3A_6] : memref<2x1000x64xf32, #tpu.memory_space<vmem>>, vector<1x1000x64xf32>
    %get3A_8 = vector.shape_cast %get3A_7 : vector<1x1000x64xf32> to vector<1000x64xf32>
    %get3A_9 = arith.constant 1 : index
    %get3A_10 = arith.constant 0 : index
    %get3A_11 = arith.constant 0 : index
    %get3A_12 = vector.load %arg1[%get3A_9, %get3A_10, %get3A_11] : memref<2x1000x64xf32, #tpu.memory_space<vmem>>, vector<1x1000x64xf32>
    %get3A_13 = vector.shape_cast %get3A_12 : vector<1x1000x64xf32> to vector<1000x64xf32>
    %add3A = arith.addf %get3A_8, %get3A_13 : vector<1000x64xf32>
    %get3A_14 = arith.constant 0 : index
    %get3A_15 = arith.constant 0 : index
    %get3A_16 = arith.constant 0 : index
    %get3A_17 = vector.load %arg2[%get3A_14, %get3A_15, %get3A_16] : memref<1x1000x128xf32, #tpu.memory_space<vmem>>, vector<1x1000x128xf32>
    %get3A_18 = vector.shape_cast %get3A_17 : vector<1x1000x128xf32> to vector<1000x128xf32>
    %slice3A = vector.extract_strided_slice %get3A_18 {offsets = [0, 0], sizes = [1000, 64], strides = [1, 1]} : vector<1000x128xf32> to vector<1000x64xf32>
    %add3A_19 = arith.addf %add3A, %slice3A : vector<1000x64xf32>
    %mul3A = vector.broadcast %get3A_3 : vector<1000x1xf32> to vector<1000x64xf32>
    %mul3A_20 = arith.mulf %mul3A, %add3A_19 : vector<1000x64xf32>
    %get3A_21 = arith.constant 0 : index
    %get3A_22 = arith.constant 0 : index
    %get3A_23 = vector.load %arg4[%get3A_21, %get3A_22] : memref<1x64xf32, #tpu.memory_space<vmem>>, vector<1x64xf32>
    %add3A_24 = vector.broadcast %get3A_23 : vector<1x64xf32> to vector<1000x64xf32>
    %add3A_25 = arith.addf %mul3A_20, %add3A_24 : vector<1000x64xf32>
    %get3A_26 = arith.constant 0 : index
    %get3A_27 = arith.constant 0 : index
    %get3A_28 = arith.constant 0 : index
    %get3A_29 = vector.load %arg5[%get3A_26, %get3A_27, %get3A_28] : memref<1x1x1000xi32, #tpu.memory_space<vmem>>, vector<1x1x1000xi32>
    %get3A_30 = vector.shape_cast %get3A_29 : vector<1x1x1000xi32> to vector<1x1000xi32>
    %iota3A = tpu.iota {dimensions = array<i32: 0>} : vector<64x1000xi32>
    %eq3A_31 = vector.broadcast %get3A_30 : vector<1x1000xi32> to vector<64x1000xi32>
    %eq3A_32 = arith.cmpi eq, %iota3A, %eq3A_31 : vector<64x1000xi32>
    %convert_element_type3A_33 = arith.extui %eq3A_32 : vector<64x1000xi1> to vector<64x1000xi32>
    %convert_element_type3A_34 = arith.sitofp %convert_element_type3A_33 : vector<64x1000xi32> to vector<64x1000xf32>
    %broadcast_in_dim3A = arith.constant 1.000000e+00 : f32
    %broadcast_in_dim3A_35 = vector.broadcast %broadcast_in_dim3A : f32 to vector<1000x64xf32>
    %concatenate3A = tpu.concatenate %add3A_25, %broadcast_in_dim3A_35 in 1 : vector<1000x64xf32>, vector<1000x64xf32> -> vector<1000x128xf32>
    %get3A_36 = arith.constant 0 : index
    %get3A_37 = arith.constant 0 : index
    %get3A_38 = vector.load %arg9[%get3A_36, %get3A_37] : memref<64x128xf32, #tpu.memory_space<vmem>>, vector<64x128xf32>
    %dot_general3A = arith.constant dense<0.000000e+00> : vector<64x128xf32>
    %dot_general3A_39 = tpu.matmul %convert_element_type3A_34, %concatenate3A, %dot_general3A {dimension_numbers = #tpu.dot_dimension_numbers<[1], [0], [0], [1], [0, 0, 1, 1], [], []>, precision = #tpu.contract_precision<fp32>, transpose_lhs_hint = false} : vector<64x1000xf32>, vector<1000x128xf32>, vector<64x128xf32> -> vector<64x128xf32>
    %add3A_40 = arith.addf %get3A_38, %dot_general3A_39 : vector<64x128xf32>
    %swap3A = arith.constant 0 : index
    %swap3A_41 = arith.constant 0 : index
    %swap3A_42 = vector.load %arg9[%swap3A, %swap3A_41] : memref<64x128xf32, #tpu.memory_space<vmem>>, vector<64x128xf32>
    tpu.vector_store %arg9[%swap3A, %swap3A_41], %add3A_40 {strides = array<i32>} : memref<64x128xf32, #tpu.memory_space<vmem>>, vector<64x128xf32>,
    %eq3A_43 = arith.constant 9 : i32
    %eq3A_44 = arith.cmpi eq, %arg0, %eq3A_43 : i32
    %convert_element_type3A_45 = arith.extui %eq3A_44 : i1 to i32
    %cond3A_46 = arith.constant 0 : i32
    %cond3A_47 = arith.cmpi ne, %convert_element_type3A_45, %cond3A_46 : i32
    scf.if %cond3A_47 {
      %get3A_48 = arith.constant 0 : index
      %get3A_49 = arith.constant 0 : index
      %get3A_50 = vector.load %arg9[%get3A_48, %get3A_49] : memref<64x128xf32, #tpu.memory_space<vmem>>, vector<64x64xf32>
      %get3A_51 = arith.constant 0 : index
      %get3A_52 = arith.constant 64 : index
      %get3A_53 = vector.load %arg9[%get3A_51, %get3A_52] : memref<64x128xf32, #tpu.memory_space<vmem>>, vector<64x64xf32>
      %max3A = arith.constant 1.000000e+00 : f32
      %max3A_54 = vector.broadcast %max3A : f32 to vector<64x64xf32>
      %max3A_55 = arith.maximumf %get3A_53, %max3A_54 : vector<64x64xf32>
      %div3A = arith.divf %get3A_50, %max3A_55 : vector<64x64xf32>
      %get3A_56 = arith.constant 0 : index
      %get3A_57 = arith.constant 0 : index
      %get3A_58 = vector.load %arg6[%get3A_56, %get3A_57] : memref<64x2xf32, #tpu.memory_space<vmem>>, vector<64x2xf32>
      %dot_general3A_59 = arith.constant dense<0.000000e+00> : vector<64x2xf32>
      %dot_general3A_60 = tpu.matmul %div3A, %get3A_58, %dot_general3A_59 {dimension_numbers = #tpu.dot_dimension_numbers<[1], [0], [0], [1], [0, 0, 1, 1], [], []>, precision = #tpu.contract_precision<fp32>, transpose_lhs_hint = false} : vector<64x64xf32>, vector<64x2xf32>, vector<64x2xf32> -> vector<64x2xf32>
      %get3A_61 = arith.constant 0 : index
      %get3A_62 = arith.constant 0 : index
      %get3A_63 = vector.load %arg7[%get3A_61, %get3A_62] : memref<1x2xf32, #tpu.memory_space<vmem>>, vector<1x2xf32>
      %add3A_64 = vector.broadcast %get3A_63 : vector<1x2xf32> to vector<64x2xf32>
      %add3A_65 = arith.addf %dot_general3A_60, %add3A_64 : vector<64x2xf32>
      %swap3A_66 = arith.constant 0 : index
      %swap3A_67 = arith.constant 0 : index
      %swap3A_68 = vector.load %arg8[%swap3A_66, %swap3A_67] : memref<64x2xf32, #tpu.memory_space<vmem>>, vector<64x2xf32>
      tpu.vector_store %arg8[%swap3A_66, %swap3A_67], %add3A_65 {strides = array<i32>} : memref<64x2xf32, #tpu.memory_space<vmem>>, vector<64x2xf32>,
    } else {
    }
    return
  }
  func.func @transform_0(%arg0: i32) -> (i32, i32, i32) {
    %c0_i32 = arith.constant 0 : i32
    %c0_i32_0 = arith.constant 0 : i32
    %c0_i32_1 = arith.constant 0 : i32
    return %c0_i32, %arg0, %c0_i32_0 : i32, i32, i32
  }
  func.func @transform_1(%arg0: i32) -> (i32, i32, i32) {
    %c0_i32 = arith.constant 0 : i32
    %c0_i32_0 = arith.constant 0 : i32
    %c0_i32_1 = arith.constant 0 : i32
    return %c0_i32, %arg0, %c0_i32_0 : i32, i32, i32
  }
  func.func @transform_2(%arg0: i32) -> (i32, i32) {
    %c0_i32 = arith.constant 0 : i32
    %c0_i32_0 = arith.constant 0 : i32
    return %arg0, %c0_i32 : i32, i32
  }
  func.func @transform_3(%arg0: i32) -> (i32, i32) {
    %c0_i32 = arith.constant 0 : i32
    %c0_i32_0 = arith.constant 0 : i32
    %c0_i32_1 = arith.constant 0 : i32
    return %c0_i32, %c0_i32_0 : i32, i32
  }
  func.func @transform_4(%arg0: i32) -> (i32, i32, i32) {
    %c0_i32 = arith.constant 0 : i32
    %c0_i32_0 = arith.constant 0 : i32
    %c0_i32_1 = arith.constant 0 : i32
    return %arg0, %c0_i32, %c0_i32_0 : i32, i32, i32
  }
  func.func @transform_5(%arg0: i32) -> (i32, i32) {
    %c0_i32 = arith.constant 0 : i32
    %c0_i32_0 = arith.constant 0 : i32
    %c0_i32_1 = arith.constant 0 : i32
    return %c0_i32, %c0_i32_0 : i32, i32
  }
  func.func @transform_6(%arg0: i32) -> (i32, i32) {
    %c0_i32 = arith.constant 0 : i32
    %c0_i32_0 = arith.constant 0 : i32
    %c0_i32_1 = arith.constant 0 : i32
    return %c0_i32, %c0_i32_0 : i32, i32
  }
  func.func @transform_7(%arg0: i32) -> (i32, i32) {
    %c0_i32 = arith.constant 0 : i32
    %c0_i32_0 = arith.constant 0 : i32
    %c0_i32_1 = arith.constant 0 : i32
    return %c0_i32, %c0_i32_0 : i32, i32
  }
}

</mosaic_0001>

<sc_bundles>
// kernel: kernel.12.cloned.1.call-start
scs
__scs_entry_jumppad:
0x0: {  	(pc) =	sbr.rel $0x88, $3  }
0x1: {  	(tag) =	ssettag $0x0;
	lr =	simm.s32 $0x1  }
0x2: {  	[smem:$0x3F96] =	sst lr;
	_ =	strace $0xD0000000  }
0x3: {  	_ = 	snop  }
0x4: {  	_ = 	snop  }
0x5: {  	_ = 	snop  }
0x6: {  	_ = 	snop  }
0x7: {  	_ = 	snop  }
__scs_overlays_trampoline_lowered:
0x8: {  	[smem:$0x3FA5] =	sst s0  }
0x9: {  	[smem:$0x3FA6] =	sst s1  }
0xa: {  	[smem:$0x3FA7] =	sst s2  }
0xb: {  	[smem:$0x3FA8] =	sst s3  }
0xc: {  	[smem:$0x3FA9] =	sst s4  }
0xd: {  	[smem:$0x3FAA] =	sst s5  }
0xe: {  	[smem:$0x3FAB] =	sst s6  }
0xf: {  	[smem:$0x3FAC] =	sst s7  }
0x10: {  	[smem:$0x3FAD] =	sst s8  }
0x11: {  	[smem:$0x3FAE] =	sst s9;
	s0 =	simm.s32 @!p0 $0x0  }
0x12: {  	s1 =	sld [smem:$0x3F94];
	s0 =	simm.s32 @p0 $0x1  }
0x13: {  	[smem:$0x3FAF] =	sst s0;
	s0 =	simm.s32 @!p1 $0x0  }
0x14: {  	s2 =	sld [smem:$0x3F93];
	s0 =	simm.s32 @p1 $0x1  }
0x15: {  	[smem:$0x3FB0] =	sst s0;
	s0 =	simm.s32 @!p2 $0x0  }
0x16: {  	s3 =	sld [smem:$0x3FDB];
	s0 =	simm.s32 @p2 $0x1  }
0x17: {  	s4 =	simm.s32 $0x1BF5;
	[smem:$0x3FB2] =	sst s0  }
0x18: {  	s0 =	sld [smem:$0x3F95];
	_ =	swait.ge [sflag:s4], $0x0  }
0x19: {  	s7 =	sld [smem:$0x3F96]  }
0x1a: {  	s8 =	sadd.s32 $0xFFFFE003, lr  }
0x1b: {  	s9 =	sadd.s32 $0xFFFFFEF7, lr;
	s5 =	simm.s32 $0xFFFFFFFF;
	p2 =	slt.u32 s8, $0xFFFFF086  }
0x1c: {  	p1 =	slt.u32 s9, $0xF7A;
	s5 =	simm.s32 @!p2 $0x0  }
0x1d: {  	s5 =	simm.s32 @p1 $0x1;
	p0 =	seq.s32 s7, s2  }
0x1e: {  	s7 =	smul.u32 @!p0 $0xF7A, s2;
	p2 =	seq.s32 @!p0 s5, $0x0  }
0x1f: {  	s9 =	smul.u32 $0xF7A, s1;
	s8 =	simm.s32 @!p0 $0x1BF5;
	p2 =	por !p2, p0  }
0x20: {  	[sflag:s8] =	ssyncset.s32 @!p0 $0xFFFFF086;
	s6 =	sadd.s32 @!p0 s3, s7;
	s7 =	simm.s32 @!p0 $0x108  }
0x21: {  	s3 =	sadd.s32 s3, s9;
	s6 =	sadd.s32 @!p0 $0x88, s6;
	s7 =	simm.s32 @p2 $0x1082  }
0x22: {  	[simem:s7], [sflag:s8] =	dma.local @!p0 [hbm:s6], $0xF7A  }
0x23: {  	s9 =	sor.u32 $0xD0000000, s2;
	s6 =	simm.s32 $0x108;
	_ =	swait.ge @!p0 [sflag:s8], $0x0  }
0x24: {  	s3 =	sadd.s32 $0x88, s3;
	s6 =	simm.s32 @!p1 $0x1082;
	[sflag:s4] =	ssyncset.s32 $0xFFFFF086  }
0x25: {  	[simem:s6], [sflag:s4] =	dma.local [hbm:s3], $0xF7A  }
0x26: {  	[smem:$0x3F96] =	sst s1;
	(tag) =	ssettag s2;
	_ =	strace s9  }
0x27: {  	s1 =	sld [smem:$0x3FA6]  }
0x28: {  	s2 =	sld [smem:$0x3FA7]  }
0x29: {  	s4 =	sld [smem:$0x3FA9]  }
0x2a: {  	p0 =	seq.s32 s5, $0x0;
	s5 =	sld [smem:$0x3FAA]  }
0x2b: {  	s6 =	sld [smem:$0x3FAB]  }
0x2c: {  	s7 =	sld [smem:$0x3FAC]  }
0x2d: {  	s3 =	simm.s32 $0x108;
	s8 =	sld [smem:$0x3FAD]  }
0x2e: {  	s3 =	simm.s32 @!p0 $0x1082;
	s9 =	sld [smem:$0x3FAE]  }
0x2f: {  	lr =	sadd.s32 s0, s3;
	s0 =	sld [smem:$0x3FA5]  }
0x30: {  	s3 =	sld [smem:$0x3FA8]  }
0x31: {  	[smem:$0x3FB1] =	sst s10  }
0x32: {  	s10 =	sld [smem:$0x3FAF];
	_ =	sdelay $0x3  }
0x33: {  	p0 =	seq.s32 s10, $0x1;
	s10 =	sld [smem:$0x3FB1];
	_ =	sdelay $0x3  }
0x34: {  	[smem:$0x3FB1] =	sst s10  }
0x35: {  	s10 =	sld [smem:$0x3FB0];
	_ =	sdelay $0x3  }
0x36: {  	p1 =	seq.s32 s10, $0x1;
	s10 =	sld [smem:$0x3FB1];
	_ =	sdelay $0x3  }
0x37: {  	[smem:$0x3FB1] =	sst s10  }
0x38: {  	s10 =	sld [smem:$0x3FB2]  }
0x39: {  	_ = 	snop;
	(pc) =	sbr.ind lr, $3  }
0x3a: {  	_ = 	snop  }
0x3b: {  	_ = 	snop  }
0x3c: {  	p2 =	seq.s32 s10, $0x1;
	s10 =	sld [smem:$0x3FB1]  }
0x3d: {  	_ =	shalt  }
0x3e: {  	_ =	shalt  }
0x3f: {  	_ =	shalt  }
0x40: {  	_ =	shalt  }
0x41: {  	_ =	shalt  }
0x42: {  	_ =	shalt  }
0x43: {  	_ =	shalt  }
0x44: {  	_ =	shalt  }
0x45: {  	_ =	shalt  }
0x46: {  	_ =	shalt  }
0x47: {  	_ =	shalt  }
0x48: {  	_ =	shalt  }
0x49: {  	_ =	shalt  }
0x4a: {  	_ =	shalt  }
0x4b: {  	_ =	shalt  }
0x4c: {  	_ =	shalt  }
0x4d: {  	_ =	shalt  }
0x4e: {  	_ =	shalt  }
0x4f: {  	_ =	shalt  }
0x50: {  	_ =	shalt  }
0x51: {  	_ =	shalt  }
0x52: {  	_ =	shalt  }
0x53: {  	_ =	shalt  }
0x54: {  	_ =	shalt  }
0x55: {  	_ =	shalt  }
0x56: {  	_ =	shalt  }
0x57: {  	_ =	shalt  }
0x58: {  	_ =	shalt  }
0x59: {  	_ =	shalt  }
0x5a: {  	_ =	shalt  }
0x5b: {  	_ =	shalt  }
0x5c: {  	_ =	shalt  }
0x5d: {  	_ =	shalt  }
0x5e: {  	_ =	shalt  }
0x5f: {  	_ =	shalt  }
0x60: {  	_ =	shalt  }
0x61: {  	_ =	shalt  }
0x62: {  	_ =	shalt  }
0x63: {  	_ =	shalt  }
0x64: {  	_ =	shalt  }
0x65: {  	_ =	shalt  }
0x66: {  	_ =	shalt  }
0x67: {  	_ =	shalt  }
0x68: {  	_ =	shalt  }
0x69: {  	_ =	shalt  }
0x6a: {  	_ =	shalt  }
0x6b: {  	_ =	shalt  }
0x6c: {  	_ =	shalt  }
0x6d: {  	_ =	shalt  }
0x6e: {  	_ =	shalt  }
0x6f: {  	_ =	shalt  }
0x70: {  	_ =	shalt  }
0x71: {  	_ =	shalt  }
0x72: {  	_ =	shalt  }
0x73: {  	_ =	shalt  }
0x74: {  	_ =	shalt  }
0x75: {  	_ =	shalt  }
0x76: {  	_ =	shalt  }
0x77: {  	_ =	shalt  }
0x78: {  	_ =	shalt  }
0x79: {  	_ =	shalt  }
0x7a: {  	_ =	shalt  }
0x7b: {  	_ =	shalt  }
0x7c: {  	_ =	shalt  }
0x7d: {  	_ =	shalt  }
0x7e: {  	_ =	shalt  }
0x7f: {  	_ =	shalt  }
0x80: {  	_ =	shalt  }
0x81: {  	_ =	shalt  }
0x82: {  	_ =	shalt  }
0x83: {  	_ =	shalt  }
0x84: {  	_ =	shalt  }
0x85: {  	_ =	shalt  }
0x86: {  	_ =	shalt  }
0x87: {  	_ =	shalt  }
.Lfunc_end0:
.L_simem_size_0:
called_computation_lowered:
.L_overlay_start_0:
0x88: {  	s2 =	sld [smem:$0x3FD9]  }
0x89: {  	s3 =	sld [smem:$0x3FFE];
	_ =	sdelay $0x1  }
0x8a: {  	s1 =	srdreg.scid  }
0x8b: {  	s0 =	sand.u32 $0x1, s1  }
0x8c: {  	s16 =	sshll.u32 s0, $0xA;
	s2 =	sadd.s32 s3, s2  }
0x8d: {  	s2 =	sadd.s32 s2, s16  }
0x8e: {  	[smem:$0x3FBD] =	sst s2  }
0x8f: {  	_ = 	snop  }
0x90: {  	(tm) =	ssettm $0x1  }
0x91: {  	s17 =	sld [smem:$0x3FFB];
	_ =	sdelay $0x3  }
0x92: {  	_ =	strace s17  }
0x93: {  	s2 =	sld [smem:$0x3FFC];
	_ =	sdelay $0x3  }
0x94: {  	_ =	strace s2  }
0x95: {  	s2 =	sld [smem:$0x3FFD];
	_ =	sdelay $0x3  }
0x96: {  	_ =	strace s2  }
0x97: {  	_ =	strace $0x8FFFFFFF  }
0x98: {  	s18 =	sld [smem:$0x3FDB];
	_ =	sdelay $0x1  }
0x99: {  	s19 =	simm.s32 $_scs_section_size  }
0x9a: {  	s4 =	simm.s32 $_size__tile_overlayer_lowered;
	s5 =	simm.s32 $_tile_overlayer_lowered  }
0x9b: {  	s22 =	simm.s32 $0x1BFF;
	s21 =	sshll.u32 s5, $0x1;
	s2 =	sadd.s32 s19, s18  }
0x9c: {  	s6 =	simm.s32 $0x0;
	s20 =	sshll.u32 s4, $0x1;
	s4 =	sadd.s32 s21, s2  }
0x9d: {  	[timem:s6], [sflag:s22] =	dma.local [hbm:s4], s20  }
0x9e: {  	_ =	swait.ge [sflag:s22], s20  }
0x9f: {  	s3 =	ssub.s32 $0x0, s20;
	[sflag:s22] =	ssyncset.done $0x0  }
0xa0: {  	[sflag:s22] =	ssyncadd.s32 s3;
	_ =	sdelay $0x1  }
0xa1: {  	s23 =	simm.s32 $0x1B8B  }
0xa2: {  	_ =	swait.ge [sflag:s23], $0x1  }
0xa3: {  	[sflag:s23] =	ssyncset.done $0x0  }
0xa4: {  	s25 =	simm.s32 $0x1B8E;
	s24 =	sld [smem:$0x3FFE];
	[sflag:s23] =	ssyncadd.s32 $0xFFFFFFFF  }
0xa5: {  	s26 =	simm.s32 $execute0_lowered;
	[smem:$0x3FD2] =	sst s25  }
0xa6: {  	s4 =	sshll.u32 s26, $0x1;
	_ =	strace $0x80000046;
	[dreg:$0x1] =	wrdreg $0xFFFFFFFF  }
0xa7: {  	s28 =	simm.s32 $_size_execute0_lowered;
	s2 =	sadd.s32 s2, s4;
	[dreg:$0x0] =	wrdreg $0x0  }
0xa8: {  	s4 =	sshll.u32 s28, $0x1;
	[dreg:$0x2] =	wrdreg s2  }
0xa9: {  	[dreg:$0x3] =	wrdreg s4  }
0xaa: {  	[dreg:$0x4] =	wrdreg $0xC0  }
0xab: {  	_ =	task [dreg:s6], $0x5FFFF  }
0xac: {  	[dreg:$0x1] =	wrdreg $0xFFFFFFFF  }
0xad: {  	[dreg:$0x0] =	wrdreg $0x60  }
0xae: {  	[dreg:$0x2] =	wrdreg s24  }
0xaf: {  	[dreg:$0x3] =	wrdreg $0x9  }
0xb0: {  	_ =	task.clear_ibuf [dreg:s6], $0x4FFFF;
	_ =	strace $0x90000046  }
0xb1: {  	s29 =	simm.s32 $0x9;
	_ =	strace $0x80000048  }
0xb2: {  	_ =	swait.ge [sflag:s29], $0x1  }
0xb3: {  	[sflag:s29] =	ssyncadd.s32 $0xFFFFFFFF  }
0xb4: {  	_ =	strace $0x90000048  }
0xb5: {  	_ =	sfence  }
0xb6: {  	s30 =	sld [smem:$0x0];
	_ =	sdelay $0x2  }
0xb7: {  	s31 =	sshll.u32 s1, $0xD;
	s1 =	sshrl.u32 s1, $0x2  }
0xb8: {  	s3 =	sand.u32 $0x4000, s31;
	s1 =	sadd.s32 s1, s30  }
0xb9: {  	s0 =	sor.u32 s3, s0;
	s1 =	sshll.u32 s1, $0x11  }
0xba: {  	s0 =	sor.u32 s1, s0  }
0xbb: {  	s0 =	sadd.s32 $0x8F2B, s0  }
0xbc: {  	[sflag:s0] =	ssyncadd.remote.s32 $0x1  }
0xbd: {  	_ =	sfence.sel $0xFFFF  }
0xbe: {  	[dreg:$0x0] =	wrdreg $0xFFFFFFFF;
	(pc) =	sbr.abs _section_cstart, $3  }
0xbf: {  	[dreg:$0x1] =	wrdreg $0xFFFFFFFF  }
0xc0: {  	_ =	task.clear_ibuf [dreg:s6], $0x2FFFF;
	_ =	strace $0x9FFFFFFF  }
0xc1: {  	(tm) =	ssettm $0x7FFFFFFF  }
tec
execute0_lowered:
.L_overlay_start_1:
0x0: {  	(tag) =	ssettag $0x1  }
0x1: {  	v0 =	vimm.s32 $0xA380;
	vm0 =	vcmask $0x300  }
0x2: {  	vm14 =	vcmask $0x704;
	v0 =	vsel vm0, $0x0, v0  }
0x3: {  	vm15 =	vcmask $0xB08;
	s5 =	rddreg [dreg:$0x0];
	v0 =	vsel vm14, $0x80, v0  }
0x4: {  	s0 =	srdreg.scid;
	vm4 =	vcmask $0xF0C;
	s1 =	rddreg [dreg:$0x1];
	v0 =	vsel vm15, $0x100, v0  }
0x5: {  	vm5 =	vcmask $0x1310;
	s12 =	simm.s32 $0x400;
	s13 =	simm.s32 $0x1;
	s14 =	simm.s32 $0x2780;
	v0 =	vsel vm4, $0x180, v0  }
0x6: {  	vm6 =	vcmask $0x1714;
	s15 =	simm.s32 $0x6780;
	s4 =	sand.u32 $0x1, s0;
	s0 =	stileid.u32;
	v0 =	vsel vm5, $0x200, v0  }
0x7: {  	vm7 =	vcmask $0x1B18;
	s16 =	simm.s32 $0x0;
	s2 =	sshll.u32 s4, $0x4;
	s30 =	sshll.u32 s0, $0x7;
	v0 =	vsel vm6, $0x280, v0  }
0x8: {  	vm8 =	vcmask $0x1F1C;
	s4 =	ssub.s32 $0x2, s4;
	s6 =	sor.u32 s0, s2;
	s2 =	simm.s32 $0x0;
	v0 =	vsel vm7, $0x300, v0  }
0x9: {  	vm9 =	vcmask $0x2320;
	s9 =	sand.u32 $0x380, s30;
	s31 =	sshrl.u32 s4, $0x1;
	s7 =	smul.u32 $0x28000, s6;
	v0 =	vsel vm8, $0x380, v0  }
0xa: {  	vm10 =	vcmask $0x2724;
	s3 =	sshrl.u32 s6, $0x3;
	[smem:$0x7FF] =	sst s2;
	s6 =	sshll.u32 s6, $0xB;
	v0 =	vsel vm9, $0xA000, v0  }
0xb: {  	vm11 =	vcmask $0x2B28;
	s11 =	ssub.s32 s4, s31;
	s8 =	smul.u32 $0x13C00, s3;
	_ =	strace $0x80000047;
	v0 =	vsel vm10, $0xA080, v0  }
0xc: {  	vm12 =	vcmask $0x2F2C;
	s3 =	sadd.s32 $0x1D600, s5;
	s10 =	sadd.s32 s6, s5;
	s7 =	sshrl.u32 s7, $0x3;
	v0 =	vsel vm11, $0xA100, v0  }
0xd: {  	vm13 =	vcmask $0x3330;
	s8 =	sor.u32 s9, s8;
	s7 =	sadd.s32 s7, s5;
	s9 =	sadd.s32 $0xC9C00, s10;
	v0 =	vsel vm12, $0xA180, v0  }
0xe: {  	vm14 =	vcmask $0x3734;
	s8 =	sshrl.u32 s8, $0x3;
	s6 =	sadd.s32 $0x1FE00, s7;
	s7 =	sadd.s32 $0x22600, s7;
	v0 =	vsel vm13, $0xA200, v0  }
0xf: {  	vm15 =	vcmask $0x3B38;
	s8 =	sadd.s32 s8, s5;
	s5 =	sadd.s32 $0x3800, s10;
	s10 =	smax.u32 s11, $0x1;
	v0 =	vsel vm14, $0xA280, v0  }
0x10: {  	v1 =	vimm.f32 $1.000000000e+00;
	v2 =	vimm.s32 $0x0;
	s11 =	simm.s32 $0x80;
	s4 =	sadd.s32 $0x13800, s8;
	s8 =	sadd.s32 $0xBFE00, s8;
	v0 =	vsel vm15, $0xA300, v0  }
.LBB2_1:
0x11: {  	[tilespmem:s2], [sflag:$0x1] =	stream.strided.gather [hbm4b:s4+s11], $0x2780, s12, s11, $0x38;
	[tilespmem:$0x1A780] =	vst v63  }
0x12: {  	_ =	swait.ge [sflag:s13], $0x2780  }
0x13: {  	[sflag:s13] =	ssyncset.done $0x0  }
0x14: {  	[sflag:s13] =	ssyncadd.s32 $0xFFFFD880  }
0x15: {  	[tilespmem:s14], [sflag:$0x1] =	stream.linear.gather [hbm4b:s5+s2], $0x3E80, $0x38;
	[tilespmem:$0x1A780] =	vst v63  }
0x16: {  	_ =	swait.ge [sflag:s13], $0x3E80  }
0x17: {  	[sflag:s13] =	ssyncset.done $0x0  }
0x18: {  	[sflag:s13] =	ssyncadd.s32 $0xFFFFC180  }
0x19: {  	[tilespmem:s15], [sflag:$0x1] =	stream.linear.gather [hbm4b:s3+s2], $0x14000, $0x38;
	[tilespmem:$0x1A780] =	vst v63  }
0x1a: {  	_ =	swait.ge [sflag:s13], $0x14000  }
0x1b: {  	[sflag:s13] =	ssyncset.done $0x0  }
0x1c: {  	s17 =	simm.s32 $0x0;
	[sflag:s13] =	ssyncadd.s32 $0xFFFEC000  }
.LBB2_2:
0x1d: {  	s18 =	sshra.s32 s17, $0x2  }
0x1e: {  	v3 =	vld [tilespmem:s18+$0x2780];
	_ =	sdelay $0x4  }
0x1f: {  	v4 =	vshll.u32 v3, $0x3  }
0x20: {  	v5 =	vand.u32 $0x7F, v3;
	v4 =	vand.u32 $0xFFFFFC00, v4  }
0x21: {  	vm0 =	vlt.u32 v3, $0x1388;
	v3 =	vor.u32 v5, v4  }
0x22: {  	v3 =	vadd.s32 v0, v3;
	_ =	sdelay $0x4  }
0x23: {  	[tilespmem:v3+s15+$0x0] =	vst.idx.add.f32.msk vm0, v1  }
0x24: {  	v3 =	vld [tilespmem:s18+$0x2790];
	_ =	sdelay $0x4  }
0x25: {  	v56 =	vshll.u32 v3, $0x3  }
0x26: {  	v57 =	vand.u32 $0x7F, v3;
	v4 =	vand.u32 $0xFFFFFC00, v56  }
0x27: {  	vm12 =	vlt.u32 v3, $0x1388;
	v3 =	vor.u32 v57, v4  }
0x28: {  	v3 =	vadd.s32 v0, v3;
	_ =	sdelay $0x4  }
0x29: {  	[tilespmem:v3+s15+$0x0] =	vst.idx.add.f32.msk vm12, v1  }
0x2a: {  	v3 =	vld [tilespmem:s18+$0x27A0];
	_ =	sdelay $0x4  }
0x2b: {  	v58 =	vshll.u32 v3, $0x3  }
0x2c: {  	v59 =	vand.u32 $0x7F, v3;
	v4 =	vand.u32 $0xFFFFFC00, v58  }
0x2d: {  	vm13 =	vlt.u32 v3, $0x1388;
	v3 =	vor.u32 v59, v4  }
0x2e: {  	v3 =	vadd.s32 v0, v3;
	_ =	sdelay $0x4  }
0x2f: {  	[tilespmem:v3+s15+$0x0] =	vst.idx.add.f32.msk vm13, v1  }
0x30: {  	v3 =	vld [tilespmem:s18+$0x27B0];
	_ =	sdelay $0x4  }
0x31: {  	v60 =	vshll.u32 v3, $0x3  }
0x32: {  	v61 =	vand.u32 $0x7F, v3;
	v4 =	vand.u32 $0xFFFFFC00, v60  }
0x33: {  	vm14 =	vlt.u32 v3, $0x1388;
	v3 =	vor.u32 v61, v4  }
0x34: {  	v3 =	vadd.s32 v0, v3;
	_ =	sdelay $0x4  }
0x35: {  	[tilespmem:v3+s15+$0x0] =	vst.idx.add.f32.msk vm14, v1  }
0x36: {  	v3 =	vld [tilespmem:s18+$0x27C0];
	_ =	sdelay $0x4  }
0x37: {  	v62 =	vshll.u32 v3, $0x3  }
0x38: {  	v63 =	vand.u32 $0x7F, v3;
	v4 =	vand.u32 $0xFFFFFC00, v62  }
0x39: {  	vm15 =	vlt.u32 v3, $0x1388;
	v3 =	vor.u32 v63, v4  }
0x3a: {  	p0 =	sne.s32 s17, $0xF800;
	v3 =	vadd.s32 v0, v3  }
.Ltmp0:
0x3b: {  	_ = 	snop;
	(pc) =	sbr.rel @p0 .LBB2_2-.Ltmp0, $2  }
0x3c: {  	_ =	sdelay $0x2  }
0x3d: {  	s17 =	sadd.s32 $0x200, s17;
	[tilespmem:v3+s15+$0x0] =	vst.idx.add.f32.msk vm15, v1  }
0x3e: {  	s17 =	simm.s32 $0x0  }
0x3f: {  	[hbm4b:s6+s17] =	stream.linear.scatter [tilespmem:s15], [sflag:$0x1], $0x14000, $0x38;
	[tilespmem:$0x1A780] =	vst v63  }
0x40: {  	_ =	swait.ge [sflag:s13], $0x14000  }
0x41: {  	[sflag:s13] =	ssyncset.done $0x0  }
0x42: {  	[sflag:s13] =	ssyncadd.s32 $0xFFFEC000  }
0x43: {  	[tilespmem:s15], [sflag:$0x1] =	stream.linear.gather [hbm4b:s3+s17], $0x14000, $0x38;
	[tilespmem:$0x1A780] =	vst v63  }
0x44: {  	_ =	swait.ge [sflag:s13], $0x14000  }
0x45: {  	[sflag:s13] =	ssyncset.done $0x0  }
0x46: {  	[sflag:s13] =	ssyncadd.s32 $0xFFFEC000  }
.LBB2_4:
0x47: {  	s18 =	sshra.s32 s17, $0x2  }
0x48: {  	v3 =	vld [tilespmem:s18+$0x2780];
	_ =	sdelay $0x4  }
0x49: {  	v3 =	vadd.s32 $0xFFFFEC78, v3  }
0x4a: {  	v4 =	vshll.u32 v3, $0x3  }
0x4b: {  	v5 =	vand.u32 $0x7F, v3;
	v4 =	vand.u32 $0xFFFFFC00, v4  }
0x4c: {  	vm0 =	vlt.u32 v3, $0x1388;
	v3 =	vor.u32 v5, v4  }
0x4d: {  	v3 =	vadd.s32 v0, v3;
	_ =	sdelay $0x4  }
0x4e: {  	[tilespmem:v3+s15+$0x0] =	vst.idx.add.f32.msk vm0, v1  }
0x4f: {  	v3 =	vld [tilespmem:s18+$0x2790];
	_ =	sdelay $0x4  }
0x50: {  	v3 =	vadd.s32 $0xFFFFEC78, v3  }
0x51: {  	v56 =	vshll.u32 v3, $0x3  }
0x52: {  	v57 =	vand.u32 $0x7F, v3;
	v4 =	vand.u32 $0xFFFFFC00, v56  }
0x53: {  	vm12 =	vlt.u32 v3, $0x1388;
	v3 =	vor.u32 v57, v4  }
0x54: {  	v3 =	vadd.s32 v0, v3;
	_ =	sdelay $0x4  }
0x55: {  	[tilespmem:v3+s15+$0x0] =	vst.idx.add.f32.msk vm12, v1  }
0x56: {  	v3 =	vld [tilespmem:s18+$0x27A0];
	_ =	sdelay $0x4  }
0x57: {  	v3 =	vadd.s32 $0xFFFFEC78, v3  }
0x58: {  	v58 =	vshll.u32 v3, $0x3  }
0x59: {  	v59 =	vand.u32 $0x7F, v3;
	v4 =	vand.u32 $0xFFFFFC00, v58  }
0x5a: {  	vm13 =	vlt.u32 v3, $0x1388;
	v3 =	vor.u32 v59, v4  }
0x5b: {  	v3 =	vadd.s32 v0, v3;
	_ =	sdelay $0x4  }
0x5c: {  	[tilespmem:v3+s15+$0x0] =	vst.idx.add.f32.msk vm13, v1  }
0x5d: {  	v3 =	vld [tilespmem:s18+$0x27B0];
	_ =	sdelay $0x4  }
0x5e: {  	v3 =	vadd.s32 $0xFFFFEC78, v3  }
0x5f: {  	v60 =	vshll.u32 v3, $0x3  }
0x60: {  	v61 =	vand.u32 $0x7F, v3;
	v4 =	vand.u32 $0xFFFFFC00, v60  }
0x61: {  	vm14 =	vlt.u32 v3, $0x1388;
	v3 =	vor.u32 v61, v4  }
0x62: {  	v3 =	vadd.s32 v0, v3;
	_ =	sdelay $0x4  }
0x63: {  	[tilespmem:v3+s15+$0x0] =	vst.idx.add.f32.msk vm14, v1  }
0x64: {  	v3 =	vld [tilespmem:s18+$0x27C0];
	_ =	sdelay $0x4  }
0x65: {  	v3 =	vadd.s32 $0xFFFFEC78, v3  }
0x66: {  	v62 =	vshll.u32 v3, $0x3  }
0x67: {  	v63 =	vand.u32 $0x7F, v3;
	v4 =	vand.u32 $0xFFFFFC00, v62  }
0x68: {  	vm15 =	vlt.u32 v3, $0x1388;
	v3 =	vor.u32 v63, v4  }
0x69: {  	p0 =	sne.s32 s17, $0xF800;
	v3 =	vadd.s32 v0, v3  }
.Ltmp1:
0x6a: {  	_ = 	snop;
	(pc) =	sbr.rel @p0 .LBB2_4-.Ltmp1, $2  }
0x6b: {  	_ =	sdelay $0x2  }
0x6c: {  	s17 =	sadd.s32 $0x200, s17;
	[tilespmem:v3+s15+$0x0] =	vst.idx.add.f32.msk vm15, v1  }
0x6d: {  	s17 =	simm.s32 $0x0  }
0x6e: {  	[hbm4b:s7+s17] =	stream.linear.scatter [tilespmem:s15], [sflag:$0x1], $0x14000, $0x38;
	[tilespmem:$0x1A780] =	vst v63  }
0x6f: {  	_ =	swait.ge [sflag:s13], $0x14000  }
0x70: {  	[sflag:s13] =	ssyncset.done $0x0  }
0x71: {  	s18 =	simm.s32 $0x27A0;
	[sflag:s13] =	ssyncadd.s32 $0xFFFEC000  }
0x72: {  	v3 =	vld [tilespmem:s18+$0xFFFFFFE0];
	_ =	sdelay $0x1  }
0x73: {  	s31 =	simm.s32 $0x0  }
0x74: {  	v4 =	vld [tilespmem:s31+$0x0];
	_ =	sdelay $0x1  }
0x75: {  	v5 =	vand.u32 $0x1, v3  }
0x76: {  	vm0 =	veq.s32 v5, $0x1  }
0x77: {  	v5 =	vsel vm0, $0x2710, v2  }
0x78: {  	v4 =	vadd.s32 v4, v5  }
0x79: {  	[tilespmem:s31+$0x0] =	vst v4  }
0x7a: {  	v4 =	vld [tilespmem:s18+$0xFFFFFFF0]  }
0x7b: {  	v3 =	vshrl.u32 v3, $0x1  }
0x7c: {  	[tilespmem:s18+$0xFFFFFFE0] =	vst v3  }
0x7d: {  	v3 =	vld [tilespmem:s31+$0x10];
	_ =	sdelay $0x1  }
0x7e: {  	v5 =	vand.u32 $0x1, v4  }
0x7f: {  	vm12 =	veq.s32 v5, $0x1  }
0x80: {  	v5 =	vsel vm12, $0x2710, v2  }
0x81: {  	v3 =	vadd.s32 v3, v5  }
0x82: {  	[tilespmem:s31+$0x10] =	vst v3;
	v3 =	vshrl.u32 v4, $0x1  }
0x83: {  	[tilespmem:s18+$0xFFFFFFF0] =	vst v3;
	v3 =	vld [tilespmem:s18+$0x0];
	_ =	sdelay $0x2  }
0x84: {  	v4 =	vld [tilespmem:s31+$0x20];
	_ =	sdelay $0x1  }
0x85: {  	v5 =	vand.u32 $0x1, v3  }
0x86: {  	vm13 =	veq.s32 v5, $0x1  }
0x87: {  	v5 =	vsel vm13, $0x2710, v2  }
0x88: {  	v4 =	vadd.s32 v4, v5  }
0x89: {  	v3 =	vshrl.u32 v3, $0x1;
	[tilespmem:s31+$0x20] =	vst v4  }
0x8a: {  	[tilespmem:s18+$0x0] =	vst v3;
	v3 =	vld [tilespmem:s18+$0x10];
	_ =	sdelay $0x2  }
0x8b: {  	v4 =	vld [tilespmem:s31+$0x30];
	_ =	sdelay $0x1  }
0x8c: {  	v5 =	vand.u32 $0x1, v3  }
0x8d: {  	vm14 =	veq.s32 v5, $0x1  }
0x8e: {  	v5 =	vsel vm14, $0x2710, v2  }
0x8f: {  	v4 =	vadd.s32 v4, v5  }
0x90: {  	v3 =	vshrl.u32 v3, $0x1;
	[tilespmem:s31+$0x30] =	vst v4  }
0x91: {  	[tilespmem:s18+$0x10] =	vst v3;
	v3 =	vld [tilespmem:s18+$0x20];
	_ =	sdelay $0x2  }
0x92: {  	v4 =	vld [tilespmem:s31+$0x40];
	_ =	sdelay $0x1  }
0x93: {  	v5 =	vand.u32 $0x1, v3  }
0x94: {  	vm15 =	veq.s32 v5, $0x1  }
0x95: {  	v5 =	vsel vm15, $0x2710, v2  }
0x96: {  	v4 =	vadd.s32 v4, v5  }
0x97: {  	s19 =	simm.s32 $0x140;
	s20 =	simm.s32 $0x280;
	s17 =	simm.s32 $0x2820;
	v3 =	vshrl.u32 v3, $0x1;
	[tilespmem:s31+$0x40] =	vst v4  }
.LBB2_6:
0x98: {  	p0 =	sne.s32 s20, $0x9B00;
	v4 =	vld [tilespmem:s17+$0xFFFFFFE0];
	[tilespmem:s18+$0x20] =	vst v3;
	s22 =	smov.u32 s20;
	s20 =	sadd.s32 $0x140, s20  }
0x99: {  	s18 =	smov.u32 s17  }
0x9a: {  	s21 =	sshra.s32 s19, $0x2;
	s19 =	smov.u32 s22  }
0x9b: {  	v3 =	vld [tilespmem:s21+$0x0];
	_ =	sdelay $0x1  }
0x9c: {  	v5 =	vand.u32 $0x1, v4  }
0x9d: {  	vm0 =	veq.s32 v5, $0x1  }
0x9e: {  	v5 =	vsel vm0, $0x2710, v2  }
0x9f: {  	v3 =	vadd.s32 v3, v5  }
0xa0: {  	[tilespmem:s21+$0x0] =	vst v3  }
0xa1: {  	v3 =	vld [tilespmem:s17+$0xFFFFFFF0]  }
0xa2: {  	v4 =	vshrl.u32 v4, $0x1  }
0xa3: {  	[tilespmem:s17+$0xFFFFFFE0] =	vst v4  }
0xa4: {  	v4 =	vld [tilespmem:s21+$0x10];
	_ =	sdelay $0x1  }
0xa5: {  	v5 =	vand.u32 $0x1, v3  }
0xa6: {  	vm0 =	veq.s32 v5, $0x1  }
0xa7: {  	v5 =	vsel vm0, $0x2710, v2  }
0xa8: {  	v4 =	vadd.s32 v4, v5  }
0xa9: {  	v3 =	vshrl.u32 v3, $0x1;
	[tilespmem:s21+$0x10] =	vst v4  }
0xaa: {  	[tilespmem:s17+$0xFFFFFFF0] =	vst v3;
	v3 =	vld [tilespmem:s17+$0x0];
	_ =	sdelay $0x2  }
0xab: {  	v4 =	vld [tilespmem:s21+$0x20];
	_ =	sdelay $0x1  }
0xac: {  	v5 =	vand.u32 $0x1, v3  }
0xad: {  	vm0 =	veq.s32 v5, $0x1  }
0xae: {  	v5 =	vsel vm0, $0x2710, v2  }
0xaf: {  	v4 =	vadd.s32 v4, v5  }
0xb0: {  	v3 =	vshrl.u32 v3, $0x1;
	[tilespmem:s21+$0x20] =	vst v4  }
0xb1: {  	[tilespmem:s17+$0x0] =	vst v3;
	v3 =	vld [tilespmem:s17+$0x10];
	_ =	sdelay $0x2  }
0xb2: {  	v4 =	vld [tilespmem:s21+$0x30];
	_ =	sdelay $0x1  }
0xb3: {  	v5 =	vand.u32 $0x1, v3  }
0xb4: {  	vm0 =	veq.s32 v5, $0x1  }
0xb5: {  	v5 =	vsel vm0, $0x2710, v2  }
0xb6: {  	v4 =	vadd.s32 v4, v5  }
0xb7: {  	v3 =	vshrl.u32 v3, $0x1;
	[tilespmem:s21+$0x30] =	vst v4  }
0xb8: {  	[tilespmem:s17+$0x10] =	vst v3;
	v3 =	vld [tilespmem:s17+$0x20]  }
0xb9: {  	v4 =	vld [tilespmem:s21+$0x40];
	_ =	sdelay $0x3  }
.Ltmp2:
0xba: {  	v5 =	vand.u32 $0x1, v3;
	(pc) =	sbr.rel @p0 .LBB2_6-.Ltmp2, $4  }
0xbb: {  	vm0 =	veq.s32 v5, $0x1  }
0xbc: {  	v5 =	vsel vm0, $0x2710, v2  }
0xbd: {  	v4 =	vadd.s32 v4, v5  }
0xbe: {  	s17 =	sadd.s32 $0x80, s17;
	v3 =	vshrl.u32 v3, $0x1;
	[tilespmem:s21+$0x40] =	vst v4  }
0xbf: {  	v4 =	vld [tilespmem:s17+$0xFFFFFFE0];
	_ =	sdelay $0x1  }
0xc0: {  	[tilespmem:s18+$0x20] =	vst v3;
	s31 =	sshra.s32 s19, $0x2  }
0xc1: {  	v3 =	vld [tilespmem:s31+$0x0];
	_ =	sdelay $0x1  }
0xc2: {  	v5 =	vand.u32 $0x1, v4  }
0xc3: {  	vm0 =	veq.s32 v5, $0x1  }
0xc4: {  	v5 =	vsel vm0, $0x2710, v2  }
0xc5: {  	v3 =	vadd.s32 v3, v5  }
0xc6: {  	[tilespmem:s31+$0x0] =	vst v3  }
0xc7: {  	v3 =	vld [tilespmem:s17+$0xFFFFFFF0]  }
0xc8: {  	v4 =	vshrl.u32 v4, $0x1  }
0xc9: {  	[tilespmem:s17+$0xFFFFFFE0] =	vst v4  }
0xca: {  	v4 =	vld [tilespmem:s31+$0x10];
	_ =	sdelay $0x1  }
0xcb: {  	v57 =	vand.u32 $0x1, v3  }
0xcc: {  	vm12 =	veq.s32 v57, $0x1  }
0xcd: {  	v5 =	vsel vm12, $0x2710, v2  }
0xce: {  	v4 =	vadd.s32 v4, v5  }
0xcf: {  	v3 =	vshrl.u32 v3, $0x1;
	[tilespmem:s31+$0x10] =	vst v4  }
0xd0: {  	[tilespmem:s17+$0xFFFFFFF0] =	vst v3;
	v3 =	vld [tilespmem:s17+$0x0];
	_ =	sdelay $0x2  }
0xd1: {  	v58 =	vld [tilespmem:s31+$0x20];
	_ =	sdelay $0x1  }
0xd2: {  	v59 =	vand.u32 $0x1, v3  }
0xd3: {  	vm13 =	veq.s32 v59, $0x1  }
0xd4: {  	v5 =	vsel vm13, $0x2710, v2  }
0xd5: {  	v4 =	vadd.s32 v58, v5  }
0xd6: {  	v3 =	vshrl.u32 v3, $0x1;
	[tilespmem:s31+$0x20] =	vst v4  }
0xd7: {  	[tilespmem:s17+$0x0] =	vst v3;
	v3 =	vld [tilespmem:s17+$0x10];
	_ =	sdelay $0x2  }
0xd8: {  	v60 =	vld [tilespmem:s31+$0x30];
	_ =	sdelay $0x1  }
0xd9: {  	v61 =	vand.u32 $0x1, v3  }
0xda: {  	vm14 =	veq.s32 v61, $0x1  }
0xdb: {  	v5 =	vsel vm14, $0x2710, v2  }
0xdc: {  	v4 =	vadd.s32 v60, v5  }
0xdd: {  	v3 =	vshrl.u32 v3, $0x1;
	[tilespmem:s31+$0x30] =	vst v4  }
0xde: {  	[tilespmem:s17+$0x10] =	vst v3;
	v3 =	vld [tilespmem:s17+$0x20];
	_ =	sdelay $0x2  }
0xdf: {  	v62 =	vld [tilespmem:s31+$0x40];
	_ =	sdelay $0x1  }
0xe0: {  	v63 =	vand.u32 $0x1, v3  }
0xe1: {  	vm15 =	veq.s32 v63, $0x1  }
0xe2: {  	v5 =	vsel vm15, $0x2710, v2  }
0xe3: {  	v4 =	vadd.s32 v62, v5  }
0xe4: {  	v3 =	vshrl.u32 v3, $0x1;
	[tilespmem:s31+$0x40] =	vst v4  }
0xe5: {  	[tilespmem:s17+$0x20] =	vst v3  }
0xe6: {  	[hbm4b:s8+s11] =	stream.strided.scatter [tilespmem:s2], [sflag:$0x1], $0x2780, s12, s11, $0x38;
	[tilespmem:$0x1A780] =	vst v63  }
0xe7: {  	s16 =	sadd.s32 $0x1, s16;
	_ =	swait.ge [sflag:s13], $0x2780  }
0xe8: {  	p0 =	sne.s32 s16, s10;
	[sflag:s13] =	ssyncset.done $0x0  }
.Ltmp3:
0xe9: {  	[sflag:s13] =	ssyncadd.s32 $0xFFFFD880;
	(pc) =	sbr.rel @p0 .LBB2_1-.Ltmp3, $4  }
0xea: {  	[hbm4b:s9+s2] =	stream.linear.scatter [tilespmem:s14], [sflag:$0x1], $0x3E80, $0x38;
	[tilespmem:$0x1A780] =	vst v63  }
0xeb: {  	_ =	swait.ge [sflag:s13], $0x3E80  }
0xec: {  	[sflag:s13] =	ssyncset.done $0x0  }
0xed: {  	[sflag:s13] =	ssyncadd.s32 $0xFFFFC180  }
0xee: {  	_ =	sfence.sel $0x180000  }
0xef: {  	[bflag:$0x0] =	sbarrier.arrive $0xFFFF  }
0xf0: {  	p0 =	sne.s32 s0, $0x0;
	_ =	strace $0x90000047  }
0xf1: {  	s0 =	sadd.s32 @!p0 $0x100000, s1;
	[bflag:$0x2] =	sbarrier.arrive $0xFFFF  }
0xf2: {  	[sflag:s0] =	ssyncadd.tile.s32 @!p0 $0x1;
	_ =	shalt  }
.Lfunc_end2:
_tile_overlayer_lowered:
.L_overlay_start_2:
0xf3: {  	(tag) =	ssettag $0x2  }
0xf4: {  	s0 =	rddreg [dreg:$0x0];
	s2 =	stileid.u32  }
0xf5: {  	s1 =	rddreg [dreg:$0x1];
	p0 =	sne.s32 s2, $0x0  }
0xf6: {  	s3 =	rddreg [dreg:$0x2];
	[bflag:$0x3] =	sbarrier.arrive $0xFFFF;
	s2 =	simm.s32 @!p0 $0x1C01  }
0xf7: {  	[timem:s3], [sflag:s2] =	dma.local @!p0 [hbm:s0], s1  }
0xf8: {  	s0 =	simm.s32 @!p0 $0x1  }
0xf9: {  	_ =	swait.ge @!p0 [sflag:s0], s1  }
0xfa: {  	s1 =	ssub.s32 @!p0 $0x0, s1;
	[sflag:s0] =	ssyncset.done @!p0 $0x0  }
0xfb: {  	[sflag:s0] =	ssyncadd.s32 @!p0 s1  }
0xfc: {  	[bflag:$0x3] =	sbarrier.arrive $0xFFFF  }
0xfd: {  	_ =	shalt  }

// kernel: kernel.15.cloned.1.call-start
scs
__scs_entry_jumppad:
0x0: {  	(pc) =	sbr.rel $0x88, $3  }
0x1: {  	(tag) =	ssettag $0x0;
	lr =	simm.s32 $0x1  }
0x2: {  	[smem:$0x3F96] =	sst lr;
	_ =	strace $0xD0000000  }
0x3: {  	_ = 	snop  }
0x4: {  	_ = 	snop  }
0x5: {  	_ = 	snop  }
0x6: {  	_ = 	snop  }
0x7: {  	_ = 	snop  }
__scs_overlays_trampoline_lowered:
0x8: {  	[smem:$0x3FA5] =	sst s0  }
0x9: {  	[smem:$0x3FA6] =	sst s1  }
0xa: {  	[smem:$0x3FA7] =	sst s2  }
0xb: {  	[smem:$0x3FA8] =	sst s3  }
0xc: {  	[smem:$0x3FA9] =	sst s4  }
0xd: {  	[smem:$0x3FAA] =	sst s5  }
0xe: {  	[smem:$0x3FAB] =	sst s6  }
0xf: {  	[smem:$0x3FAC] =	sst s7  }
0x10: {  	[smem:$0x3FAD] =	sst s8  }
0x11: {  	[smem:$0x3FAE] =	sst s9;
	s0 =	simm.s32 @!p0 $0x0  }
0x12: {  	s1 =	sld [smem:$0x3F94];
	s0 =	simm.s32 @p0 $0x1  }
0x13: {  	[smem:$0x3FAF] =	sst s0;
	s0 =	simm.s32 @!p1 $0x0  }
0x14: {  	s2 =	sld [smem:$0x3F93];
	s0 =	simm.s32 @p1 $0x1  }
0x15: {  	[smem:$0x3FB0] =	sst s0;
	s0 =	simm.s32 @!p2 $0x0  }
0x16: {  	s3 =	sld [smem:$0x3FDB];
	s0 =	simm.s32 @p2 $0x1  }
0x17: {  	s4 =	simm.s32 $0x1BF5;
	[smem:$0x3FB2] =	sst s0  }
0x18: {  	s0 =	sld [smem:$0x3F95];
	_ =	swait.ge [sflag:s4], $0x0  }
0x19: {  	s7 =	sld [smem:$0x3F96]  }
0x1a: {  	s8 =	sadd.s32 $0xFFFFE003, lr  }
0x1b: {  	s9 =	sadd.s32 $0xFFFFFEF7, lr;
	s5 =	simm.s32 $0xFFFFFFFF;
	p2 =	slt.u32 s8, $0xFFFFF086  }
0x1c: {  	p1 =	slt.u32 s9, $0xF7A;
	s5 =	simm.s32 @!p2 $0x0  }
0x1d: {  	s5 =	simm.s32 @p1 $0x1;
	p0 =	seq.s32 s7, s2  }
0x1e: {  	s7 =	smul.u32 @!p0 $0xF7A, s2;
	p2 =	seq.s32 @!p0 s5, $0x0  }
0x1f: {  	s9 =	smul.u32 $0xF7A, s1;
	s8 =	simm.s32 @!p0 $0x1BF5;
	p2 =	por !p2, p0  }
0x20: {  	[sflag:s8] =	ssyncset.s32 @!p0 $0xFFFFF086;
	s6 =	sadd.s32 @!p0 s3, s7;
	s7 =	simm.s32 @!p0 $0x108  }
0x21: {  	s3 =	sadd.s32 s3, s9;
	s6 =	sadd.s32 @!p0 $0x88, s6;
	s7 =	simm.s32 @p2 $0x1082  }
0x22: {  	[simem:s7], [sflag:s8] =	dma.local @!p0 [hbm:s6], $0xF7A  }
0x23: {  	s9 =	sor.u32 $0xD0000000, s2;
	s6 =	simm.s32 $0x108;
	_ =	swait.ge @!p0 [sflag:s8], $0x0  }
0x24: {  	s3 =	sadd.s32 $0x88, s3;
	s6 =	simm.s32 @!p1 $0x1082;
	[sflag:s4] =	ssyncset.s32 $0xFFFFF086  }
0x25: {  	[simem:s6], [sflag:s4] =	dma.local [hbm:s3], $0xF7A  }
0x26: {  	[smem:$0x3F96] =	sst s1;
	(tag) =	ssettag s2;
	_ =	strace s9  }
0x27: {  	s1 =	sld [smem:$0x3FA6]  }
0x28: {  	s2 =	sld [smem:$0x3FA7]  }
0x29: {  	s4 =	sld [smem:$0x3FA9]  }
0x2a: {  	p0 =	seq.s32 s5, $0x0;
	s5 =	sld [smem:$0x3FAA]  }
0x2b: {  	s6 =	sld [smem:$0x3FAB]  }
0x2c: {  	s7 =	sld [smem:$0x3FAC]  }
0x2d: {  	s3 =	simm.s32 $0x108;
	s8 =	sld [smem:$0x3FAD]  }
0x2e: {  	s3 =	simm.s32 @!p0 $0x1082;
	s9 =	sld [smem:$0x3FAE]  }
0x2f: {  	lr =	sadd.s32 s0, s3;
	s0 =	sld [smem:$0x3FA5]  }
0x30: {  	s3 =	sld [smem:$0x3FA8]  }
0x31: {  	[smem:$0x3FB1] =	sst s10  }
0x32: {  	s10 =	sld [smem:$0x3FAF];
	_ =	sdelay $0x3  }
0x33: {  	p0 =	seq.s32 s10, $0x1;
	s10 =	sld [smem:$0x3FB1];
	_ =	sdelay $0x3  }
0x34: {  	[smem:$0x3FB1] =	sst s10  }
0x35: {  	s10 =	sld [smem:$0x3FB0];
	_ =	sdelay $0x3  }
0x36: {  	p1 =	seq.s32 s10, $0x1;
	s10 =	sld [smem:$0x3FB1];
	_ =	sdelay $0x3  }
0x37: {  	[smem:$0x3FB1] =	sst s10  }
0x38: {  	s10 =	sld [smem:$0x3FB2]  }
0x39: {  	_ = 	snop;
	(pc) =	sbr.ind lr, $3  }
0x3a: {  	_ = 	snop  }
0x3b: {  	_ = 	snop  }
0x3c: {  	p2 =	seq.s32 s10, $0x1;
	s10 =	sld [smem:$0x3FB1]  }
0x3d: {  	_ =	shalt  }
0x3e: {  	_ =	shalt  }
0x3f: {  	_ =	shalt  }
0x40: {  	_ =	shalt  }
0x41: {  	_ =	shalt  }
0x42: {  	_ =	shalt  }
0x43: {  	_ =	shalt  }
0x44: {  	_ =	shalt  }
0x45: {  	_ =	shalt  }
0x46: {  	_ =	shalt  }
0x47: {  	_ =	shalt  }
0x48: {  	_ =	shalt  }
0x49: {  	_ =	shalt  }
0x4a: {  	_ =	shalt  }
0x4b: {  	_ =	shalt  }
0x4c: {  	_ =	shalt  }
0x4d: {  	_ =	shalt  }
0x4e: {  	_ =	shalt  }
0x4f: {  	_ =	shalt  }
0x50: {  	_ =	shalt  }
0x51: {  	_ =	shalt  }
0x52: {  	_ =	shalt  }
0x53: {  	_ =	shalt  }
0x54: {  	_ =	shalt  }
0x55: {  	_ =	shalt  }
0x56: {  	_ =	shalt  }
0x57: {  	_ =	shalt  }
0x58: {  	_ =	shalt  }
0x59: {  	_ =	shalt  }
0x5a: {  	_ =	shalt  }
0x5b: {  	_ =	shalt  }
0x5c: {  	_ =	shalt  }
0x5d: {  	_ =	shalt  }
0x5e: {  	_ =	shalt  }
0x5f: {  	_ =	shalt  }
0x60: {  	_ =	shalt  }
0x61: {  	_ =	shalt  }
0x62: {  	_ =	shalt  }
0x63: {  	_ =	shalt  }
0x64: {  	_ =	shalt  }
0x65: {  	_ =	shalt  }
0x66: {  	_ =	shalt  }
0x67: {  	_ =	shalt  }
0x68: {  	_ =	shalt  }
0x69: {  	_ =	shalt  }
0x6a: {  	_ =	shalt  }
0x6b: {  	_ =	shalt  }
0x6c: {  	_ =	shalt  }
0x6d: {  	_ =	shalt  }
0x6e: {  	_ =	shalt  }
0x6f: {  	_ =	shalt  }
0x70: {  	_ =	shalt  }
0x71: {  	_ =	shalt  }
0x72: {  	_ =	shalt  }
0x73: {  	_ =	shalt  }
0x74: {  	_ =	shalt  }
0x75: {  	_ =	shalt  }
0x76: {  	_ =	shalt  }
0x77: {  	_ =	shalt  }
0x78: {  	_ =	shalt  }
0x79: {  	_ =	shalt  }
0x7a: {  	_ =	shalt  }
0x7b: {  	_ =	shalt  }
0x7c: {  	_ =	shalt  }
0x7d: {  	_ =	shalt  }
0x7e: {  	_ =	shalt  }
0x7f: {  	_ =	shalt  }
0x80: {  	_ =	shalt  }
0x81: {  	_ =	shalt  }
0x82: {  	_ =	shalt  }
0x83: {  	_ =	shalt  }
0x84: {  	_ =	shalt  }
0x85: {  	_ =	shalt  }
0x86: {  	_ =	shalt  }
0x87: {  	_ =	shalt  }
.Lfunc_end0:
.L_simem_size_0:
called_computation.1_lowered:
.L_overlay_start_0:
0x88: {  	s2 =	sld [smem:$0x3FD9]  }
0x89: {  	s3 =	sld [smem:$0x3FFE];
	_ =	sdelay $0x1  }
0x8a: {  	s1 =	srdreg.scid  }
0x8b: {  	s0 =	sand.u32 $0x1, s1  }
0x8c: {  	s16 =	sshll.u32 s0, $0xA;
	s2 =	sadd.s32 s3, s2  }
0x8d: {  	s2 =	sadd.s32 s2, s16  }
0x8e: {  	[smem:$0x3FBD] =	sst s2  }
0x8f: {  	_ = 	snop  }
0x90: {  	(tm) =	ssettm $0x1  }
0x91: {  	s17 =	sld [smem:$0x3FFB];
	_ =	sdelay $0x3  }
0x92: {  	_ =	strace s17  }
0x93: {  	s2 =	sld [smem:$0x3FFC];
	_ =	sdelay $0x3  }
0x94: {  	_ =	strace s2  }
0x95: {  	s2 =	sld [smem:$0x3FFD];
	_ =	sdelay $0x3  }
0x96: {  	_ =	strace s2  }
0x97: {  	_ =	strace $0x8FFFFFFF  }
0x98: {  	s18 =	sld [smem:$0x3FDB];
	_ =	sdelay $0x1  }
0x99: {  	s19 =	simm.s32 $_scs_section_size  }
0x9a: {  	s4 =	simm.s32 $_size__tile_overlayer_lowered;
	s5 =	simm.s32 $_tile_overlayer_lowered  }
0x9b: {  	s22 =	simm.s32 $0x1BFF;
	s21 =	sshll.u32 s5, $0x1;
	s2 =	sadd.s32 s19, s18  }
0x9c: {  	s6 =	simm.s32 $0x0;
	s20 =	sshll.u32 s4, $0x1;
	s4 =	sadd.s32 s21, s2  }
0x9d: {  	[timem:s6], [sflag:s22] =	dma.local [hbm:s4], s20  }
0x9e: {  	_ =	swait.ge [sflag:s22], s20  }
0x9f: {  	s3 =	ssub.s32 $0x0, s20;
	[sflag:s22] =	ssyncset.done $0x0  }
0xa0: {  	[sflag:s22] =	ssyncadd.s32 s3;
	_ =	sdelay $0x1  }
0xa1: {  	s23 =	simm.s32 $0x1B8B  }
0xa2: {  	_ =	swait.ge [sflag:s23], $0x1  }
0xa3: {  	[sflag:s23] =	ssyncset.done $0x0  }
0xa4: {  	s25 =	simm.s32 $0x1B8E;
	s24 =	sld [smem:$0x3FFE];
	[sflag:s23] =	ssyncadd.s32 $0xFFFFFFFF  }
0xa5: {  	s26 =	simm.s32 $execute0_lowered;
	[smem:$0x3FD2] =	sst s25  }
0xa6: {  	s4 =	sshll.u32 s26, $0x1;
	_ =	strace $0x80000049;
	[dreg:$0x1] =	wrdreg $0xFFFFFFFF  }
0xa7: {  	s28 =	simm.s32 $_size_execute0_lowered;
	s2 =	sadd.s32 s2, s4;
	[dreg:$0x0] =	wrdreg $0x0  }
0xa8: {  	s4 =	sshll.u32 s28, $0x1;
	[dreg:$0x2] =	wrdreg s2  }
0xa9: {  	[dreg:$0x3] =	wrdreg s4  }
0xaa: {  	[dreg:$0x4] =	wrdreg $0xC0  }
0xab: {  	_ =	task [dreg:s6], $0x5FFFF  }
0xac: {  	[dreg:$0x1] =	wrdreg $0xFFFFFFFF  }
0xad: {  	[dreg:$0x0] =	wrdreg $0x60  }
0xae: {  	[dreg:$0x2] =	wrdreg s24  }
0xaf: {  	[dreg:$0x3] =	wrdreg $0xB7800  }
0xb0: {  	[dreg:$0x4] =	wrdreg $0x9  }
0xb1: {  	_ =	task.clear_ibuf [dreg:s6], $0x5FFFF;
	_ =	strace $0x90000049  }
0xb2: {  	s29 =	simm.s32 $0x9;
	_ =	strace $0x8000004B  }
0xb3: {  	_ =	swait.ge [sflag:s29], $0x1  }
0xb4: {  	[sflag:s29] =	ssyncadd.s32 $0xFFFFFFFF  }
0xb5: {  	_ =	strace $0x9000004B  }
0xb6: {  	_ =	sfence  }
0xb7: {  	s30 =	sld [smem:$0x0];
	_ =	sdelay $0x2  }
0xb8: {  	s31 =	sshll.u32 s1, $0xD;
	s1 =	sshrl.u32 s1, $0x2  }
0xb9: {  	s3 =	sand.u32 $0x4000, s31;
	s1 =	sadd.s32 s1, s30  }
0xba: {  	s0 =	sor.u32 s3, s0;
	s1 =	sshll.u32 s1, $0x11  }
0xbb: {  	s0 =	sor.u32 s1, s0  }
0xbc: {  	s0 =	sadd.s32 $0x8F2B, s0  }
0xbd: {  	[sflag:s0] =	ssyncadd.remote.s32 $0x1  }
0xbe: {  	_ =	sfence.sel $0xFFFF  }
0xbf: {  	[dreg:$0x0] =	wrdreg $0xFFFFFFFF;
	(pc) =	sbr.abs _section_cstart, $3  }
0xc0: {  	[dreg:$0x1] =	wrdreg $0xFFFFFFFF  }
0xc1: {  	_ =	task.clear_ibuf [dreg:s6], $0x2FFFF;
	_ =	strace $0x9FFFFFFF  }
0xc2: {  	(tm) =	ssettm $0x7FFFFFFF  }
0xc3: {  	_ =	shalt  }
tec
execute0_lowered:
.L_overlay_start_1:
0x0: {  	(tag) =	ssettag $0x1  }
0x1: {  	s7 =	rddreg [dreg:$0x0]  }
0x2: {  	s0 =	srdreg.scid;
	s2 =	rddreg [dreg:$0x1]  }
0x3: {  	s3 =	simm.s32 $0x0;
	s13 =	simm.s32 $0x400;
	s14 =	simm.s32 $0x2780  }
0x4: {  	s15 =	simm.s32 $0x6780;
	s16 =	simm.s32 $0x1;
	s17 =	simm.s32 $0x50  }
0x5: {  	s18 =	simm.s32 $0x8F80;
	s5 =	sand.u32 $0x1, s0;
	s0 =	stileid.u32  }
0x6: {  	s19 =	simm.s32 $0x2;
	s20 =	simm.s32 $0x6580;
	s21 =	smul.u32 $0x1400, s0  }
0x7: {  	[smem:$0x7FF] =	sst s3;
	s1 =	sshll.u32 s5, $0x4;
	s9 =	smul.u32 $0x14000, s5  }
0x8: {  	s8 =	sshll.u32 s0, $0x7;
	s5 =	ssub.s32 $0x2, s5;
	s10 =	smul.u32 $0x28000, s0  }
0x9: {  	s31 =	sshll.u32 s0, $0x6;
	s6 =	sor.u32 s0, s1;
	s8 =	sand.u32 $0x380, s8  }
0xa: {  	s12 =	sshrl.u32 s5, $0x1;
	s1 =	sshrl.u32 s6, $0x3;
	s6 =	sshll.u32 s6, $0xB  }
0xb: {  	s29 =	sadd.s32 s21, s7;
	s9 =	sadd.s32 s9, s7;
	s12 =	ssub.s32 s5, s12  }
0xc: {  	s30 =	sshrl.u32 s10, $0x2;
	s4 =	smul.u32 $0x13C00, s1;
	s1 =	rddreg [dreg:$0x2]  }
0xd: {  	_ =	strace $0x8000004A;
	s11 =	sadd.s32 s6, s7;
	s10 =	sadd.s32 s30, s2  }
0xe: {  	s5 =	sadd.s32 $0x51A00, s29;
	s6 =	sor.u32 $0x1C03, s31;
	s22 =	sadd.s32 $0x65A00, s9  }
0xf: {  	s9 =	smax.u32 s12, $0x1;
	s12 =	simm.s32 $0x80;
	s4 =	sor.u32 s8, s4  }
0x10: {  	s10 =	sshrl.u32 s10, $0x3;
	s21 =	sadd.s32 s21, s22;
	s8 =	sshrl.u32 s4, $0x3  }
0x11: {  	s22 =	simm.s32 $0x0;
	s4 =	sadd.s32 $0x3800, s7;
	s8 =	sadd.s32 s8, s7  }
0x12: {  	s7 =	sadd.s32 $0xBFE00, s8;
	s8 =	sadd.s32 $0xC9C00, s11;
	s11 =	simm.s32 $0x3  }
.LBB2_1:
0x13: {  	[spmem:s10], [sflag:s6] =	dma.local [hbm:s5], $0x1400  }
0x14: {  	_ =	swait.ge [sflag:s11], $0x1400  }
0x15: {  	[sflag:s11] =	ssyncset.done $0x0  }
0x16: {  	[sflag:s11] =	ssyncadd.s32 $0xFFFFEC00  }
0x17: {  	[tilespmem:s3], [sflag:$0x3] =	stream.strided.gather [hbm4b:s7+s12], $0x2780, s13, s12, $0x38;
	[tilespmem:$0x15780] =	vst v63  }
0x18: {  	_ =	swait.ge [sflag:s11], $0x2780  }
0x19: {  	[sflag:s11] =	ssyncset.done $0x0  }
0x1a: {  	[sflag:s11] =	ssyncadd.s32 $0xFFFFD880  }
0x1b: {  	[tilespmem:s14], [sflag:$0x3] =	stream.linear.gather [hbm4b:s8+s3], $0x3E80, $0x38;
	[tilespmem:$0x15780] =	vst v63  }
0x1c: {  	_ =	swait.ge [sflag:s11], $0x3E80  }
0x1d: {  	[sflag:s11] =	ssyncset.done $0x0  }
0x1e: {  	[sflag:s11] =	ssyncadd.s32 $0xFFFFC180  }
0x1f: {  	[bflag:$0x0] =	sbarrier.arrive $0xFFFF  }
0x20: {  	[tilespmem:s15], [sflag:$0x1] =	stream.indirect.gather [hbm4b:s4+s17], $0x80, s3, s17, $0xb8;
	[tilespmem:$0x15780] =	vst v63  }
0x21: {  	_ =	swait.ge [sflag:s16], $0x2800  }
0x22: {  	[sflag:s16] =	ssyncset.done $0x0  }
0x23: {  	[sflag:s16] =	ssyncadd.s32 $0xFFFFD800  }
0x24: {  	[tilespmem:s18], [sflag:$0x2] =	stream.indirect.gather [hbm4b:s4+s17], $0x80, s17, s17, $0xb8;
	[tilespmem:$0x15780] =	vst v63  }
0x25: {  	s23 =	simm.s32 $0x2780  }
0x26: {  	[spmem:s2] =	stream.indirect.scatter.add.f32 [tilespmem:s15], [sflag:$0x3], $0x80, s23, s17, $0xb8;
	[tilespmem:$0x15780] =	vst v63  }
0x27: {  	_ =	swait.ge [sflag:s11], $0x2800  }
0x28: {  	[sflag:s11] =	ssyncset.done $0x0  }
0x29: {  	s30 =	simm.s32 $0xA0;
	[sflag:s11] =	ssyncadd.s32 $0xFFFFD800  }
0x2a: {  	[tilespmem:s15], [sflag:$0x1] =	stream.indirect.gather [hbm4b:s4+s17], $0x80, s30, s17, $0xb8;
	[tilespmem:$0x15780] =	vst v63  }
0x2b: {  	_ =	swait.ge [sflag:s19], $0x2800  }
0x2c: {  	[sflag:s19] =	ssyncset.done $0x0  }
0x2d: {  	s31 =	simm.s32 $0x2800;
	[sflag:s19] =	ssyncadd.s32 $0xFFFFD800  }
0x2e: {  	[spmem:s2] =	stream.indirect.scatter.add.f32 [tilespmem:s18], [sflag:$0x3], $0x80, s31, s17, $0xb8;
	[tilespmem:$0x15780] =	vst v63  }
0x2f: {  	_ =	swait.ge [sflag:s11], $0x2800  }
0x30: {  	s24 =	simm.s32 $0x50;
	s23 =	simm.s32 $0x400;
	[sflag:s11] =	ssyncset.done $0x0  }
.LBB2_2:
0x31: {  	p0 =	sne.s32 s23, $0xF400;
	[sflag:s11] =	ssyncadd.s32 $0xFFFFD800;
	s24 =	sadd.s32 $0xA0, s24  }
0x32: {  	s25 =	smov.u32 s23;
	s23 =	sadd.s32 $0x400, s23;
	_ =	swait.ge [sflag:s16], $0x2800  }
0x33: {  	[sflag:s16] =	ssyncset.done $0x0  }
0x34: {  	s25 =	sshra.s32 s25, $0x2;
	[sflag:s16] =	ssyncadd.s32 $0xFFFFD800  }
0x35: {  	[tilespmem:s18], [sflag:$0x2] =	stream.indirect.gather [hbm4b:s4+s17], $0x80, s24, s17, $0xb8;
	[tilespmem:$0x15780] =	vst v63  }
0x36: {  	s26 =	sadd.s32 $0x2780, s25  }
0x37: {  	[spmem:s2] =	stream.indirect.scatter.add.f32 [tilespmem:s15], [sflag:$0x3], $0x80, s26, s17, $0xb8;
	[tilespmem:$0x15780] =	vst v63  }
0x38: {  	_ =	swait.ge [sflag:s11], $0x2800  }
0x39: {  	[sflag:s11] =	ssyncset.done $0x0  }
0x3a: {  	s26 =	sadd.s32 $0x50, s24;
	[sflag:s11] =	ssyncadd.s32 $0xFFFFD800  }
0x3b: {  	[tilespmem:s15], [sflag:$0x1] =	stream.indirect.gather [hbm4b:s4+s17], $0x80, s26, s17, $0xb8;
	[tilespmem:$0x15780] =	vst v63  }
0x3c: {  	_ =	swait.ge [sflag:s19], $0x2800  }
.Ltmp0:
0x3d: {  	[sflag:s19] =	ssyncset.done $0x0;
	(pc) =	sbr.rel @p0 .LBB2_2-.Ltmp0, $4  }
0x3e: {  	s25 =	sadd.s32 $0x2800, s25;
	[sflag:s19] =	ssyncadd.s32 $0xFFFFD800  }
0x3f: {  	[spmem:s2] =	stream.indirect.scatter.add.f32 [tilespmem:s18], [sflag:$0x3], $0x80, s25, s17, $0xb8;
	[tilespmem:$0x15780] =	vst v63  }
0x40: {  	_ =	swait.ge [sflag:s11], $0x2800  }
0x41: {  	[sflag:s11] =	ssyncset.done $0x0  }
0x42: {  	[sflag:s11] =	ssyncadd.s32 $0xFFFFD800  }
0x43: {  	_ =	swait.ge [sflag:s16], $0x2800  }
0x44: {  	[sflag:s16] =	ssyncset.done $0x0  }
0x45: {  	[sflag:s16] =	ssyncadd.s32 $0xFFFFD800  }
0x46: {  	[spmem:s2] =	stream.indirect.scatter.add.f32 [tilespmem:s15], [sflag:$0x3], $0x80, s20, s17, $0xb8;
	[tilespmem:$0x15780] =	vst v63  }
0x47: {  	_ =	swait.ge [sflag:s11], $0x2800  }
0x48: {  	s22 =	sadd.s32 $0x1, s22;
	[sflag:s11] =	ssyncset.done $0x0  }
0x49: {  	p0 =	sne.s32 s22, s9;
	[sflag:s11] =	ssyncadd.s32 $0xFFFFD800  }
.Ltmp1:
0x4a: {  	[bflag:$0x0] =	sbarrier.arrive $0xFFFF;
	(pc) =	sbr.rel @p0 .LBB2_1-.Ltmp1, $4  }
0x4b: {  	[hbm:s21], [sflag:s6] =	dma.local [spmem:s10], $0x1400  }
0x4c: {  	_ =	swait.ge [sflag:s11], $0x1400  }
0x4d: {  	[sflag:s11] =	ssyncset.done $0x0  }
0x4e: {  	[sflag:s11] =	ssyncadd.s32 $0xFFFFEC00  }
0x4f: {  	_ =	sfence.sel $0x180000  }
0x50: {  	[bflag:$0x0] =	sbarrier.arrive $0xFFFF  }
0x51: {  	p0 =	sne.s32 s0, $0x0;
	_ =	strace $0x9000004A  }
0x52: {  	s0 =	sadd.s32 @!p0 $0x100000, s1;
	[bflag:$0x2] =	sbarrier.arrive $0xFFFF  }
0x53: {  	[sflag:s0] =	ssyncadd.tile.s32 @!p0 $0x1;
	_ =	shalt  }
.Lfunc_end2:
_tile_overlayer_lowered:
.L_overlay_start_2:
0x54: {  	(tag) =	ssettag $0x2  }
0x55: {  	s0 =	rddreg [dreg:$0x0];
	s2 =	stileid.u32  }
0x56: {  	s1 =	rddreg [dreg:$0x1];
	p0 =	sne.s32 s2, $0x0  }
0x57: {  	s3 =	rddreg [dreg:$0x2];
	[bflag:$0x3] =	sbarrier.arrive $0xFFFF;
	s2 =	simm.s32 @!p0 $0x1C03  }
0x58: {  	[timem:s3], [sflag:s2] =	dma.local @!p0 [hbm:s0], s1  }
0x59: {  	s0 =	simm.s32 @!p0 $0x3  }
0x5a: {  	_ =	swait.ge @!p0 [sflag:s0], s1  }
0x5b: {  	s1 =	ssub.s32 @!p0 $0x0, s1;
	[sflag:s0] =	ssyncset.done @!p0 $0x0  }
0x5c: {  	[sflag:s0] =	ssyncadd.s32 @!p0 s1  }
0x5d: {  	[bflag:$0x3] =	sbarrier.arrive $0xFFFF  }
0x5e: {  	_ =	shalt  }

// kernel: kernel.18.cloned.1.call-start
scs
__scs_entry_jumppad:
0x0: {  	(pc) =	sbr.rel $0x88, $3  }
0x1: {  	(tag) =	ssettag $0x0;
	lr =	simm.s32 $0x1  }
0x2: {  	[smem:$0x3F96] =	sst lr;
	_ =	strace $0xD0000000  }
0x3: {  	_ = 	snop  }
0x4: {  	_ = 	snop  }
0x5: {  	_ = 	snop  }
0x6: {  	_ = 	snop  }
0x7: {  	_ = 	snop  }
__scs_overlays_trampoline_lowered:
0x8: {  	[smem:$0x3FA5] =	sst s0  }
0x9: {  	[smem:$0x3FA6] =	sst s1  }
0xa: {  	[smem:$0x3FA7] =	sst s2  }
0xb: {  	[smem:$0x3FA8] =	sst s3  }
0xc: {  	[smem:$0x3FA9] =	sst s4  }
0xd: {  	[smem:$0x3FAA] =	sst s5  }
0xe: {  	[smem:$0x3FAB] =	sst s6  }
0xf: {  	[smem:$0x3FAC] =	sst s7  }
0x10: {  	[smem:$0x3FAD] =	sst s8  }
0x11: {  	[smem:$0x3FAE] =	sst s9;
	s0 =	simm.s32 @!p0 $0x0  }
0x12: {  	s1 =	sld [smem:$0x3F94];
	s0 =	simm.s32 @p0 $0x1  }
0x13: {  	[smem:$0x3FAF] =	sst s0;
	s0 =	simm.s32 @!p1 $0x0  }
0x14: {  	s2 =	sld [smem:$0x3F93];
	s0 =	simm.s32 @p1 $0x1  }
0x15: {  	[smem:$0x3FB0] =	sst s0;
	s0 =	simm.s32 @!p2 $0x0  }
0x16: {  	s3 =	sld [smem:$0x3FDB];
	s0 =	simm.s32 @p2 $0x1  }
0x17: {  	s4 =	simm.s32 $0x1BF5;
	[smem:$0x3FB2] =	sst s0  }
0x18: {  	s0 =	sld [smem:$0x3F95];
	_ =	swait.ge [sflag:s4], $0x0  }
0x19: {  	s7 =	sld [smem:$0x3F96]  }
0x1a: {  	s8 =	sadd.s32 $0xFFFFE003, lr  }
0x1b: {  	s9 =	sadd.s32 $0xFFFFFEF7, lr;
	s5 =	simm.s32 $0xFFFFFFFF;
	p2 =	slt.u32 s8, $0xFFFFF086  }
0x1c: {  	p1 =	slt.u32 s9, $0xF7A;
	s5 =	simm.s32 @!p2 $0x0  }
0x1d: {  	s5 =	simm.s32 @p1 $0x1;
	p0 =	seq.s32 s7, s2  }
0x1e: {  	s7 =	smul.u32 @!p0 $0xF7A, s2;
	p2 =	seq.s32 @!p0 s5, $0x0  }
0x1f: {  	s9 =	smul.u32 $0xF7A, s1;
	s8 =	simm.s32 @!p0 $0x1BF5;
	p2 =	por !p2, p0  }
0x20: {  	[sflag:s8] =	ssyncset.s32 @!p0 $0xFFFFF086;
	s6 =	sadd.s32 @!p0 s3, s7;
	s7 =	simm.s32 @!p0 $0x108  }
0x21: {  	s3 =	sadd.s32 s3, s9;
	s6 =	sadd.s32 @!p0 $0x88, s6;
	s7 =	simm.s32 @p2 $0x1082  }
0x22: {  	[simem:s7], [sflag:s8] =	dma.local @!p0 [hbm:s6], $0xF7A  }
0x23: {  	s9 =	sor.u32 $0xD0000000, s2;
	s6 =	simm.s32 $0x108;
	_ =	swait.ge @!p0 [sflag:s8], $0x0  }
0x24: {  	s3 =	sadd.s32 $0x88, s3;
	s6 =	simm.s32 @!p1 $0x1082;
	[sflag:s4] =	ssyncset.s32 $0xFFFFF086  }
0x25: {  	[simem:s6], [sflag:s4] =	dma.local [hbm:s3], $0xF7A  }
0x26: {  	[smem:$0x3F96] =	sst s1;
	(tag) =	ssettag s2;
	_ =	strace s9  }
0x27: {  	s1 =	sld [smem:$0x3FA6]  }
0x28: {  	s2 =	sld [smem:$0x3FA7]  }
0x29: {  	s4 =	sld [smem:$0x3FA9]  }
0x2a: {  	p0 =	seq.s32 s5, $0x0;
	s5 =	sld [smem:$0x3FAA]  }
0x2b: {  	s6 =	sld [smem:$0x3FAB]  }
0x2c: {  	s7 =	sld [smem:$0x3FAC]  }
0x2d: {  	s3 =	simm.s32 $0x108;
	s8 =	sld [smem:$0x3FAD]  }
0x2e: {  	s3 =	simm.s32 @!p0 $0x1082;
	s9 =	sld [smem:$0x3FAE]  }
0x2f: {  	lr =	sadd.s32 s0, s3;
	s0 =	sld [smem:$0x3FA5]  }
0x30: {  	s3 =	sld [smem:$0x3FA8]  }
0x31: {  	[smem:$0x3FB1] =	sst s10  }
0x32: {  	s10 =	sld [smem:$0x3FAF];
	_ =	sdelay $0x3  }
0x33: {  	p0 =	seq.s32 s10, $0x1;
	s10 =	sld [smem:$0x3FB1];
	_ =	sdelay $0x3  }
0x34: {  	[smem:$0x3FB1] =	sst s10  }
0x35: {  	s10 =	sld [smem:$0x3FB0];
	_ =	sdelay $0x3  }
0x36: {  	p1 =	seq.s32 s10, $0x1;
	s10 =	sld [smem:$0x3FB1];
	_ =	sdelay $0x3  }
0x37: {  	[smem:$0x3FB1] =	sst s10  }
0x38: {  	s10 =	sld [smem:$0x3FB2]  }
0x39: {  	_ = 	snop;
	(pc) =	sbr.ind lr, $3  }
0x3a: {  	_ = 	snop  }
0x3b: {  	_ = 	snop  }
0x3c: {  	p2 =	seq.s32 s10, $0x1;
	s10 =	sld [smem:$0x3FB1]  }
0x3d: {  	_ =	shalt  }
0x3e: {  	_ =	shalt  }
0x3f: {  	_ =	shalt  }
0x40: {  	_ =	shalt  }
0x41: {  	_ =	shalt  }
0x42: {  	_ =	shalt  }
0x43: {  	_ =	shalt  }
0x44: {  	_ =	shalt  }
0x45: {  	_ =	shalt  }
0x46: {  	_ =	shalt  }
0x47: {  	_ =	shalt  }
0x48: {  	_ =	shalt  }
0x49: {  	_ =	shalt  }
0x4a: {  	_ =	shalt  }
0x4b: {  	_ =	shalt  }
0x4c: {  	_ =	shalt  }
0x4d: {  	_ =	shalt  }
0x4e: {  	_ =	shalt  }
0x4f: {  	_ =	shalt  }
0x50: {  	_ =	shalt  }
0x51: {  	_ =	shalt  }
0x52: {  	_ =	shalt  }
0x53: {  	_ =	shalt  }
0x54: {  	_ =	shalt  }
0x55: {  	_ =	shalt  }
0x56: {  	_ =	shalt  }
0x57: {  	_ =	shalt  }
0x58: {  	_ =	shalt  }
0x59: {  	_ =	shalt  }
0x5a: {  	_ =	shalt  }
0x5b: {  	_ =	shalt  }
0x5c: {  	_ =	shalt  }
0x5d: {  	_ =	shalt  }
0x5e: {  	_ =	shalt  }
0x5f: {  	_ =	shalt  }
0x60: {  	_ =	shalt  }
0x61: {  	_ =	shalt  }
0x62: {  	_ =	shalt  }
0x63: {  	_ =	shalt  }
0x64: {  	_ =	shalt  }
0x65: {  	_ =	shalt  }
0x66: {  	_ =	shalt  }
0x67: {  	_ =	shalt  }
0x68: {  	_ =	shalt  }
0x69: {  	_ =	shalt  }
0x6a: {  	_ =	shalt  }
0x6b: {  	_ =	shalt  }
0x6c: {  	_ =	shalt  }
0x6d: {  	_ =	shalt  }
0x6e: {  	_ =	shalt  }
0x6f: {  	_ =	shalt  }
0x70: {  	_ =	shalt  }
0x71: {  	_ =	shalt  }
0x72: {  	_ =	shalt  }
0x73: {  	_ =	shalt  }
0x74: {  	_ =	shalt  }
0x75: {  	_ =	shalt  }
0x76: {  	_ =	shalt  }
0x77: {  	_ =	shalt  }
0x78: {  	_ =	shalt  }
0x79: {  	_ =	shalt  }
0x7a: {  	_ =	shalt  }
0x7b: {  	_ =	shalt  }
0x7c: {  	_ =	shalt  }
0x7d: {  	_ =	shalt  }
0x7e: {  	_ =	shalt  }
0x7f: {  	_ =	shalt  }
0x80: {  	_ =	shalt  }
0x81: {  	_ =	shalt  }
0x82: {  	_ =	shalt  }
0x83: {  	_ =	shalt  }
0x84: {  	_ =	shalt  }
0x85: {  	_ =	shalt  }
0x86: {  	_ =	shalt  }
0x87: {  	_ =	shalt  }
.Lfunc_end0:
.L_simem_size_0:
called_computation.2_lowered:
.L_overlay_start_0:
0x88: {  	s2 =	sld [smem:$0x3FD9]  }
0x89: {  	s3 =	sld [smem:$0x3FFE];
	_ =	sdelay $0x1  }
0x8a: {  	s1 =	srdreg.scid  }
0x8b: {  	s0 =	sand.u32 $0x1, s1  }
0x8c: {  	s16 =	sshll.u32 s0, $0xA;
	s2 =	sadd.s32 s3, s2  }
0x8d: {  	s2 =	sadd.s32 s2, s16  }
0x8e: {  	[smem:$0x3FBD] =	sst s2  }
0x8f: {  	_ = 	snop  }
0x90: {  	(tm) =	ssettm $0x1  }
0x91: {  	s17 =	sld [smem:$0x3FFB];
	_ =	sdelay $0x3  }
0x92: {  	_ =	strace s17  }
0x93: {  	s2 =	sld [smem:$0x3FFC];
	_ =	sdelay $0x3  }
0x94: {  	_ =	strace s2  }
0x95: {  	s2 =	sld [smem:$0x3FFD];
	_ =	sdelay $0x3  }
0x96: {  	_ =	strace s2  }
0x97: {  	_ =	strace $0x8FFFFFFF  }
0x98: {  	s18 =	sld [smem:$0x3FDB];
	_ =	sdelay $0x1  }
0x99: {  	s19 =	simm.s32 $_scs_section_size  }
0x9a: {  	s4 =	simm.s32 $_size__tile_overlayer_lowered;
	s5 =	simm.s32 $_tile_overlayer_lowered  }
0x9b: {  	s22 =	simm.s32 $0x1BFF;
	s21 =	sshll.u32 s5, $0x1;
	s2 =	sadd.s32 s19, s18  }
0x9c: {  	s6 =	simm.s32 $0x0;
	s20 =	sshll.u32 s4, $0x1;
	s4 =	sadd.s32 s21, s2  }
0x9d: {  	[timem:s6], [sflag:s22] =	dma.local [hbm:s4], s20  }
0x9e: {  	_ =	swait.ge [sflag:s22], s20  }
0x9f: {  	s3 =	ssub.s32 $0x0, s20;
	[sflag:s22] =	ssyncset.done $0x0  }
0xa0: {  	[sflag:s22] =	ssyncadd.s32 s3;
	_ =	sdelay $0x1  }
0xa1: {  	s23 =	simm.s32 $0x1B8B  }
0xa2: {  	_ =	swait.ge [sflag:s23], $0x1  }
0xa3: {  	[sflag:s23] =	ssyncset.done $0x0  }
0xa4: {  	s25 =	simm.s32 $0x1B8E;
	s24 =	sld [smem:$0x3FFE];
	[sflag:s23] =	ssyncadd.s32 $0xFFFFFFFF  }
0xa5: {  	s26 =	simm.s32 $execute0_lowered;
	[smem:$0x3FD2] =	sst s25  }
0xa6: {  	s4 =	sshll.u32 s26, $0x1;
	_ =	strace $0x8000004C;
	[dreg:$0x1] =	wrdreg $0xFFFFFFFF  }
0xa7: {  	s28 =	simm.s32 $_size_execute0_lowered;
	s2 =	sadd.s32 s2, s4;
	[dreg:$0x0] =	wrdreg $0x0  }
0xa8: {  	s4 =	sshll.u32 s28, $0x1;
	[dreg:$0x2] =	wrdreg s2  }
0xa9: {  	[dreg:$0x3] =	wrdreg s4  }
0xaa: {  	[dreg:$0x4] =	wrdreg $0xC0  }
0xab: {  	_ =	task [dreg:s6], $0x5FFFF  }
0xac: {  	[dreg:$0x1] =	wrdreg $0xFFFFFFFF  }
0xad: {  	[dreg:$0x0] =	wrdreg $0x60  }
0xae: {  	[dreg:$0x2] =	wrdreg s24  }
0xaf: {  	[dreg:$0x3] =	wrdreg $0xB7800  }
0xb0: {  	[dreg:$0x4] =	wrdreg $0x9  }
0xb1: {  	_ =	task.clear_ibuf [dreg:s6], $0x5FFFF;
	_ =	strace $0x9000004C  }
0xb2: {  	s29 =	simm.s32 $0x9;
	_ =	strace $0x8000004E  }
0xb3: {  	_ =	swait.ge [sflag:s29], $0x1  }
0xb4: {  	[sflag:s29] =	ssyncadd.s32 $0xFFFFFFFF  }
0xb5: {  	_ =	strace $0x9000004E  }
0xb6: {  	_ =	sfence  }
0xb7: {  	s30 =	sld [smem:$0x0];
	_ =	sdelay $0x2  }
0xb8: {  	s31 =	sshll.u32 s1, $0xD;
	s1 =	sshrl.u32 s1, $0x2  }
0xb9: {  	s3 =	sand.u32 $0x4000, s31;
	s1 =	sadd.s32 s1, s30  }
0xba: {  	s0 =	sor.u32 s3, s0;
	s1 =	sshll.u32 s1, $0x11  }
0xbb: {  	s0 =	sor.u32 s1, s0  }
0xbc: {  	s0 =	sadd.s32 $0x8F2B, s0  }
0xbd: {  	[sflag:s0] =	ssyncadd.remote.s32 $0x1  }
0xbe: {  	_ =	sfence.sel $0xFFFF  }
0xbf: {  	[dreg:$0x0] =	wrdreg $0xFFFFFFFF;
	(pc) =	sbr.abs _section_cstart, $3  }
0xc0: {  	[dreg:$0x1] =	wrdreg $0xFFFFFFFF  }
0xc1: {  	_ =	task.clear_ibuf [dreg:s6], $0x2FFFF;
	_ =	strace $0x9FFFFFFF  }
0xc2: {  	(tm) =	ssettm $0x7FFFFFFF  }
0xc3: {  	_ =	shalt  }
tec
execute0_lowered:
.L_overlay_start_1:
0x0: {  	(tag) =	ssettag $0x1  }
0x1: {  	s7 =	rddreg [dreg:$0x0]  }
0x2: {  	s0 =	srdreg.scid;
	s2 =	rddreg [dreg:$0x1]  }
0x3: {  	s3 =	simm.s32 $0x0;
	s13 =	simm.s32 $0x400;
	s14 =	simm.s32 $0x2780  }
0x4: {  	s15 =	simm.s32 $0x6780;
	s16 =	simm.s32 $0x1;
	s17 =	simm.s32 $0x50  }
0x5: {  	s18 =	simm.s32 $0x8F80;
	s5 =	sand.u32 $0x1, s0;
	s0 =	stileid.u32  }
0x6: {  	s19 =	simm.s32 $0x2;
	s20 =	simm.s32 $0x6580;
	s21 =	smul.u32 $0x1400, s0  }
0x7: {  	[smem:$0x7FF] =	sst s3;
	s1 =	sshll.u32 s5, $0x4;
	s9 =	smul.u32 $0x14000, s5  }
0x8: {  	s8 =	sshll.u32 s0, $0x7;
	s5 =	ssub.s32 $0x2, s5;
	s10 =	smul.u32 $0x28000, s0  }
0x9: {  	s31 =	sshll.u32 s0, $0x6;
	s6 =	sor.u32 s0, s1;
	s8 =	sand.u32 $0x380, s8  }
0xa: {  	s12 =	sshrl.u32 s5, $0x1;
	s1 =	sshrl.u32 s6, $0x3;
	s6 =	sshll.u32 s6, $0xB  }
0xb: {  	s29 =	sadd.s32 s21, s7;
	s9 =	sadd.s32 s9, s7;
	s12 =	ssub.s32 s5, s12  }
0xc: {  	s30 =	sshrl.u32 s10, $0x2;
	s4 =	smul.u32 $0x13C00, s1;
	s1 =	rddreg [dreg:$0x2]  }
0xd: {  	_ =	strace $0x8000004D;
	s11 =	sadd.s32 s6, s7;
	s10 =	sadd.s32 s30, s2  }
0xe: {  	s5 =	sadd.s32 $0x51A00, s29;
	s6 =	sor.u32 $0x1C03, s31;
	s22 =	sadd.s32 $0x65A00, s9  }
0xf: {  	s9 =	smax.u32 s12, $0x1;
	s12 =	simm.s32 $0x80;
	s4 =	sor.u32 s8, s4  }
0x10: {  	s10 =	sshrl.u32 s10, $0x3;
	s21 =	sadd.s32 s21, s22;
	s8 =	sshrl.u32 s4, $0x3  }
0x11: {  	s22 =	simm.s32 $0x0;
	s4 =	sadd.s32 $0x3800, s7;
	s8 =	sadd.s32 s8, s7  }
0x12: {  	s7 =	sadd.s32 $0xBFE00, s8;
	s8 =	sadd.s32 $0xC9C00, s11;
	s11 =	simm.s32 $0x3  }
.LBB2_1:
0x13: {  	[spmem:s10], [sflag:s6] =	dma.local [hbm:s5], $0x1400  }
0x14: {  	_ =	swait.ge [sflag:s11], $0x1400  }
0x15: {  	[sflag:s11] =	ssyncset.done $0x0  }
0x16: {  	[sflag:s11] =	ssyncadd.s32 $0xFFFFEC00  }
0x17: {  	[tilespmem:s3], [sflag:$0x3] =	stream.strided.gather [hbm4b:s7+s12], $0x2780, s13, s12, $0x38;
	[tilespmem:$0x15780] =	vst v63  }
0x18: {  	_ =	swait.ge [sflag:s11], $0x2780  }
0x19: {  	[sflag:s11] =	ssyncset.done $0x0  }
0x1a: {  	[sflag:s11] =	ssyncadd.s32 $0xFFFFD880  }
0x1b: {  	[tilespmem:s14], [sflag:$0x3] =	stream.linear.gather [hbm4b:s8+s3], $0x3E80, $0x38;
	[tilespmem:$0x15780] =	vst v63  }
0x1c: {  	_ =	swait.ge [sflag:s11], $0x3E80  }
0x1d: {  	[sflag:s11] =	ssyncset.done $0x0  }
0x1e: {  	[sflag:s11] =	ssyncadd.s32 $0xFFFFC180  }
0x1f: {  	[bflag:$0x0] =	sbarrier.arrive $0xFFFF  }
0x20: {  	[tilespmem:s15], [sflag:$0x1] =	stream.indirect.gather [hbm4b:s4+s17], $0x80, s3, s17, $0xb8;
	[tilespmem:$0x15780] =	vst v63  }
0x21: {  	_ =	swait.ge [sflag:s16], $0x2800  }
0x22: {  	[sflag:s16] =	ssyncset.done $0x0  }
0x23: {  	[sflag:s16] =	ssyncadd.s32 $0xFFFFD800  }
0x24: {  	[tilespmem:s18], [sflag:$0x2] =	stream.indirect.gather [hbm4b:s4+s17], $0x80, s17, s17, $0xb8;
	[tilespmem:$0x15780] =	vst v63  }
0x25: {  	s23 =	simm.s32 $0x2780  }
0x26: {  	[spmem:s2] =	stream.indirect.scatter.add.f32 [tilespmem:s15], [sflag:$0x3], $0x80, s23, s17, $0xb8;
	[tilespmem:$0x15780] =	vst v63  }
0x27: {  	_ =	swait.ge [sflag:s11], $0x2800  }
0x28: {  	[sflag:s11] =	ssyncset.done $0x0  }
0x29: {  	s30 =	simm.s32 $0xA0;
	[sflag:s11] =	ssyncadd.s32 $0xFFFFD800  }
0x2a: {  	[tilespmem:s15], [sflag:$0x1] =	stream.indirect.gather [hbm4b:s4+s17], $0x80, s30, s17, $0xb8;
	[tilespmem:$0x15780] =	vst v63  }
0x2b: {  	_ =	swait.ge [sflag:s19], $0x2800  }
0x2c: {  	[sflag:s19] =	ssyncset.done $0x0  }
0x2d: {  	s31 =	simm.s32 $0x2800;
	[sflag:s19] =	ssyncadd.s32 $0xFFFFD800  }
0x2e: {  	[spmem:s2] =	stream.indirect.scatter.add.f32 [tilespmem:s18], [sflag:$0x3], $0x80, s31, s17, $0xb8;
	[tilespmem:$0x15780] =	vst v63  }
0x2f: {  	_ =	swait.ge [sflag:s11], $0x2800  }
0x30: {  	s24 =	simm.s32 $0x50;
	s23 =	simm.s32 $0x400;
	[sflag:s11] =	ssyncset.done $0x0  }
.LBB2_2:
0x31: {  	p0 =	sne.s32 s23, $0xF400;
	[sflag:s11] =	ssyncadd.s32 $0xFFFFD800;
	s24 =	sadd.s32 $0xA0, s24  }
0x32: {  	s25 =	smov.u32 s23;
	s23 =	sadd.s32 $0x400, s23;
	_ =	swait.ge [sflag:s16], $0x2800  }
0x33: {  	[sflag:s16] =	ssyncset.done $0x0  }
0x34: {  	s25 =	sshra.s32 s25, $0x2;
	[sflag:s16] =	ssyncadd.s32 $0xFFFFD800  }
0x35: {  	[tilespmem:s18], [sflag:$0x2] =	stream.indirect.gather [hbm4b:s4+s17], $0x80, s24, s17, $0xb8;
	[tilespmem:$0x15780] =	vst v63  }
0x36: {  	s26 =	sadd.s32 $0x2780, s25  }
0x37: {  	[spmem:s2] =	stream.indirect.scatter.add.f32 [tilespmem:s15], [sflag:$0x3], $0x80, s26, s17, $0xb8;
	[tilespmem:$0x15780] =	vst v63  }
0x38: {  	_ =	swait.ge [sflag:s11], $0x2800  }
0x39: {  	[sflag:s11] =	ssyncset.done $0x0  }
0x3a: {  	s26 =	sadd.s32 $0x50, s24;
	[sflag:s11] =	ssyncadd.s32 $0xFFFFD800  }
0x3b: {  	[tilespmem:s15], [sflag:$0x1] =	stream.indirect.gather [hbm4b:s4+s17], $0x80, s26, s17, $0xb8;
	[tilespmem:$0x15780] =	vst v63  }
0x3c: {  	_ =	swait.ge [sflag:s19], $0x2800  }
.Ltmp0:
0x3d: {  	[sflag:s19] =	ssyncset.done $0x0;
	(pc) =	sbr.rel @p0 .LBB2_2-.Ltmp0, $4  }
0x3e: {  	s25 =	sadd.s32 $0x2800, s25;
	[sflag:s19] =	ssyncadd.s32 $0xFFFFD800  }
0x3f: {  	[spmem:s2] =	stream.indirect.scatter.add.f32 [tilespmem:s18], [sflag:$0x3], $0x80, s25, s17, $0xb8;
	[tilespmem:$0x15780] =	vst v63  }
0x40: {  	_ =	swait.ge [sflag:s11], $0x2800  }
0x41: {  	[sflag:s11] =	ssyncset.done $0x0  }
0x42: {  	[sflag:s11] =	ssyncadd.s32 $0xFFFFD800  }
0x43: {  	_ =	swait.ge [sflag:s16], $0x2800  }
0x44: {  	[sflag:s16] =	ssyncset.done $0x0  }
0x45: {  	[sflag:s16] =	ssyncadd.s32 $0xFFFFD800  }
0x46: {  	[spmem:s2] =	stream.indirect.scatter.add.f32 [tilespmem:s15], [sflag:$0x3], $0x80, s20, s17, $0xb8;
	[tilespmem:$0x15780] =	vst v63  }
0x47: {  	_ =	swait.ge [sflag:s11], $0x2800  }
0x48: {  	s22 =	sadd.s32 $0x1, s22;
	[sflag:s11] =	ssyncset.done $0x0  }
0x49: {  	p0 =	sne.s32 s22, s9;
	[sflag:s11] =	ssyncadd.s32 $0xFFFFD800  }
.Ltmp1:
0x4a: {  	[bflag:$0x0] =	sbarrier.arrive $0xFFFF;
	(pc) =	sbr.rel @p0 .LBB2_1-.Ltmp1, $4  }
0x4b: {  	[hbm:s21], [sflag:s6] =	dma.local [spmem:s10], $0x1400  }
0x4c: {  	_ =	swait.ge [sflag:s11], $0x1400  }
0x4d: {  	[sflag:s11] =	ssyncset.done $0x0  }
0x4e: {  	[sflag:s11] =	ssyncadd.s32 $0xFFFFEC00  }
0x4f: {  	_ =	sfence.sel $0x180000  }
0x50: {  	[bflag:$0x0] =	sbarrier.arrive $0xFFFF  }
0x51: {  	p0 =	sne.s32 s0, $0x0;
	_ =	strace $0x9000004D  }
0x52: {  	s0 =	sadd.s32 @!p0 $0x100000, s1;
	[bflag:$0x2] =	sbarrier.arrive $0xFFFF  }
0x53: {  	[sflag:s0] =	ssyncadd.tile.s32 @!p0 $0x1;
	_ =	shalt  }
.Lfunc_end2:
_tile_overlayer_lowered:
.L_overlay_start_2:
0x54: {  	(tag) =	ssettag $0x2  }
0x55: {  	s0 =	rddreg [dreg:$0x0];
	s2 =	stileid.u32  }
0x56: {  	s1 =	rddreg [dreg:$0x1];
	p0 =	sne.s32 s2, $0x0  }
0x57: {  	s3 =	rddreg [dreg:$0x2];
	[bflag:$0x3] =	sbarrier.arrive $0xFFFF;
	s2 =	simm.s32 @!p0 $0x1C03  }
0x58: {  	[timem:s3], [sflag:s2] =	dma.local @!p0 [hbm:s0], s1  }
0x59: {  	s0 =	simm.s32 @!p0 $0x3  }
0x5a: {  	_ =	swait.ge @!p0 [sflag:s0], s1  }
0x5b: {  	s1 =	ssub.s32 @!p0 $0x0, s1;
	[sflag:s0] =	ssyncset.done @!p0 $0x0  }
0x5c: {  	[sflag:s0] =	ssyncadd.s32 @!p0 s1  }
0x5d: {  	[bflag:$0x3] =	sbarrier.arrive $0xFFFF  }
0x5e: {  	_ =	shalt  }

// kernel: kernel.21.cloned.1.call-start
scs
__scs_entry_jumppad:
0x0: {  	(pc) =	sbr.rel $0x88, $3  }
0x1: {  	(tag) =	ssettag $0x0;
	lr =	simm.s32 $0x1  }
0x2: {  	[smem:$0x3F96] =	sst lr;
	_ =	strace $0xD0000000  }
0x3: {  	_ = 	snop  }
0x4: {  	_ = 	snop  }
0x5: {  	_ = 	snop  }
0x6: {  	_ = 	snop  }
0x7: {  	_ = 	snop  }
__scs_overlays_trampoline_lowered:
0x8: {  	[smem:$0x3FA5] =	sst s0  }
0x9: {  	[smem:$0x3FA6] =	sst s1  }
0xa: {  	[smem:$0x3FA7] =	sst s2  }
0xb: {  	[smem:$0x3FA8] =	sst s3  }
0xc: {  	[smem:$0x3FA9] =	sst s4  }
0xd: {  	[smem:$0x3FAA] =	sst s5  }
0xe: {  	[smem:$0x3FAB] =	sst s6  }
0xf: {  	[smem:$0x3FAC] =	sst s7  }
0x10: {  	[smem:$0x3FAD] =	sst s8  }
0x11: {  	[smem:$0x3FAE] =	sst s9;
	s0 =	simm.s32 @!p0 $0x0  }
0x12: {  	s1 =	sld [smem:$0x3F94];
	s0 =	simm.s32 @p0 $0x1  }
0x13: {  	[smem:$0x3FAF] =	sst s0;
	s0 =	simm.s32 @!p1 $0x0  }
0x14: {  	s2 =	sld [smem:$0x3F93];
	s0 =	simm.s32 @p1 $0x1  }
0x15: {  	[smem:$0x3FB0] =	sst s0;
	s0 =	simm.s32 @!p2 $0x0  }
0x16: {  	s3 =	sld [smem:$0x3FDB];
	s0 =	simm.s32 @p2 $0x1  }
0x17: {  	s4 =	simm.s32 $0x1BF5;
	[smem:$0x3FB2] =	sst s0  }
0x18: {  	s0 =	sld [smem:$0x3F95];
	_ =	swait.ge [sflag:s4], $0x0  }
0x19: {  	s7 =	sld [smem:$0x3F96]  }
0x1a: {  	s8 =	sadd.s32 $0xFFFFE003, lr  }
0x1b: {  	s9 =	sadd.s32 $0xFFFFFEF7, lr;
	s5 =	simm.s32 $0xFFFFFFFF;
	p2 =	slt.u32 s8, $0xFFFFF086  }
0x1c: {  	p1 =	slt.u32 s9, $0xF7A;
	s5 =	simm.s32 @!p2 $0x0  }
0x1d: {  	s5 =	simm.s32 @p1 $0x1;
	p0 =	seq.s32 s7, s2  }
0x1e: {  	s7 =	smul.u32 @!p0 $0xF7A, s2;
	p2 =	seq.s32 @!p0 s5, $0x0  }
0x1f: {  	s9 =	smul.u32 $0xF7A, s1;
	s8 =	simm.s32 @!p0 $0x1BF5;
	p2 =	por !p2, p0  }
0x20: {  	[sflag:s8] =	ssyncset.s32 @!p0 $0xFFFFF086;
	s6 =	sadd.s32 @!p0 s3, s7;
	s7 =	simm.s32 @!p0 $0x108  }
0x21: {  	s3 =	sadd.s32 s3, s9;
	s6 =	sadd.s32 @!p0 $0x88, s6;
	s7 =	simm.s32 @p2 $0x1082  }
0x22: {  	[simem:s7], [sflag:s8] =	dma.local @!p0 [hbm:s6], $0xF7A  }
0x23: {  	s9 =	sor.u32 $0xD0000000, s2;
	s6 =	simm.s32 $0x108;
	_ =	swait.ge @!p0 [sflag:s8], $0x0  }
0x24: {  	s3 =	sadd.s32 $0x88, s3;
	s6 =	simm.s32 @!p1 $0x1082;
	[sflag:s4] =	ssyncset.s32 $0xFFFFF086  }
0x25: {  	[simem:s6], [sflag:s4] =	dma.local [hbm:s3], $0xF7A  }
0x26: {  	[smem:$0x3F96] =	sst s1;
	(tag) =	ssettag s2;
	_ =	strace s9  }
0x27: {  	s1 =	sld [smem:$0x3FA6]  }
0x28: {  	s2 =	sld [smem:$0x3FA7]  }
0x29: {  	s4 =	sld [smem:$0x3FA9]  }
0x2a: {  	p0 =	seq.s32 s5, $0x0;
	s5 =	sld [smem:$0x3FAA]  }
0x2b: {  	s6 =	sld [smem:$0x3FAB]  }
0x2c: {  	s7 =	sld [smem:$0x3FAC]  }
0x2d: {  	s3 =	simm.s32 $0x108;
	s8 =	sld [smem:$0x3FAD]  }
0x2e: {  	s3 =	simm.s32 @!p0 $0x1082;
	s9 =	sld [smem:$0x3FAE]  }
0x2f: {  	lr =	sadd.s32 s0, s3;
	s0 =	sld [smem:$0x3FA5]  }
0x30: {  	s3 =	sld [smem:$0x3FA8]  }
0x31: {  	[smem:$0x3FB1] =	sst s10  }
0x32: {  	s10 =	sld [smem:$0x3FAF];
	_ =	sdelay $0x3  }
0x33: {  	p0 =	seq.s32 s10, $0x1;
	s10 =	sld [smem:$0x3FB1];
	_ =	sdelay $0x3  }
0x34: {  	[smem:$0x3FB1] =	sst s10  }
0x35: {  	s10 =	sld [smem:$0x3FB0];
	_ =	sdelay $0x3  }
0x36: {  	p1 =	seq.s32 s10, $0x1;
	s10 =	sld [smem:$0x3FB1];
	_ =	sdelay $0x3  }
0x37: {  	[smem:$0x3FB1] =	sst s10  }
0x38: {  	s10 =	sld [smem:$0x3FB2]  }
0x39: {  	_ = 	snop;
	(pc) =	sbr.ind lr, $3  }
0x3a: {  	_ = 	snop  }
0x3b: {  	_ = 	snop  }
0x3c: {  	p2 =	seq.s32 s10, $0x1;
	s10 =	sld [smem:$0x3FB1]  }
0x3d: {  	_ =	shalt  }
0x3e: {  	_ =	shalt  }
0x3f: {  	_ =	shalt  }
0x40: {  	_ =	shalt  }
0x41: {  	_ =	shalt  }
0x42: {  	_ =	shalt  }
0x43: {  	_ =	shalt  }
0x44: {  	_ =	shalt  }
0x45: {  	_ =	shalt  }
0x46: {  	_ =	shalt  }
0x47: {  	_ =	shalt  }
0x48: {  	_ =	shalt  }
0x49: {  	_ =	shalt  }
0x4a: {  	_ =	shalt  }
0x4b: {  	_ =	shalt  }
0x4c: {  	_ =	shalt  }
0x4d: {  	_ =	shalt  }
0x4e: {  	_ =	shalt  }
0x4f: {  	_ =	shalt  }
0x50: {  	_ =	shalt  }
0x51: {  	_ =	shalt  }
0x52: {  	_ =	shalt  }
0x53: {  	_ =	shalt  }
0x54: {  	_ =	shalt  }
0x55: {  	_ =	shalt  }
0x56: {  	_ =	shalt  }
0x57: {  	_ =	shalt  }
0x58: {  	_ =	shalt  }
0x59: {  	_ =	shalt  }
0x5a: {  	_ =	shalt  }
0x5b: {  	_ =	shalt  }
0x5c: {  	_ =	shalt  }
0x5d: {  	_ =	shalt  }
0x5e: {  	_ =	shalt  }
0x5f: {  	_ =	shalt  }
0x60: {  	_ =	shalt  }
0x61: {  	_ =	shalt  }
0x62: {  	_ =	shalt  }
0x63: {  	_ =	shalt  }
0x64: {  	_ =	shalt  }
0x65: {  	_ =	shalt  }
0x66: {  	_ =	shalt  }
0x67: {  	_ =	shalt  }
0x68: {  	_ =	shalt  }
0x69: {  	_ =	shalt  }
0x6a: {  	_ =	shalt  }
0x6b: {  	_ =	shalt  }
0x6c: {  	_ =	shalt  }
0x6d: {  	_ =	shalt  }
0x6e: {  	_ =	shalt  }
0x6f: {  	_ =	shalt  }
0x70: {  	_ =	shalt  }
0x71: {  	_ =	shalt  }
0x72: {  	_ =	shalt  }
0x73: {  	_ =	shalt  }
0x74: {  	_ =	shalt  }
0x75: {  	_ =	shalt  }
0x76: {  	_ =	shalt  }
0x77: {  	_ =	shalt  }
0x78: {  	_ =	shalt  }
0x79: {  	_ =	shalt  }
0x7a: {  	_ =	shalt  }
0x7b: {  	_ =	shalt  }
0x7c: {  	_ =	shalt  }
0x7d: {  	_ =	shalt  }
0x7e: {  	_ =	shalt  }
0x7f: {  	_ =	shalt  }
0x80: {  	_ =	shalt  }
0x81: {  	_ =	shalt  }
0x82: {  	_ =	shalt  }
0x83: {  	_ =	shalt  }
0x84: {  	_ =	shalt  }
0x85: {  	_ =	shalt  }
0x86: {  	_ =	shalt  }
0x87: {  	_ =	shalt  }
.Lfunc_end0:
.L_simem_size_0:
called_computation.3_lowered:
.L_overlay_start_0:
0x88: {  	s2 =	sld [smem:$0x3FD9]  }
0x89: {  	s3 =	sld [smem:$0x3FFE];
	_ =	sdelay $0x1  }
0x8a: {  	s1 =	srdreg.scid  }
0x8b: {  	s0 =	sand.u32 $0x1, s1  }
0x8c: {  	s16 =	sshll.u32 s0, $0xA;
	s2 =	sadd.s32 s3, s2  }
0x8d: {  	s2 =	sadd.s32 s2, s16  }
0x8e: {  	[smem:$0x3FBD] =	sst s2  }
0x8f: {  	_ = 	snop  }
0x90: {  	(tm) =	ssettm $0x1  }
0x91: {  	s17 =	sld [smem:$0x3FFB];
	_ =	sdelay $0x3  }
0x92: {  	_ =	strace s17  }
0x93: {  	s2 =	sld [smem:$0x3FFC];
	_ =	sdelay $0x3  }
0x94: {  	_ =	strace s2  }
0x95: {  	s2 =	sld [smem:$0x3FFD];
	_ =	sdelay $0x3  }
0x96: {  	_ =	strace s2  }
0x97: {  	_ =	strace $0x8FFFFFFF  }
0x98: {  	s18 =	sld [smem:$0x3FDB];
	_ =	sdelay $0x1  }
0x99: {  	s19 =	simm.s32 $_scs_section_size  }
0x9a: {  	s4 =	simm.s32 $_size__tile_overlayer_lowered;
	s5 =	simm.s32 $_tile_overlayer_lowered  }
0x9b: {  	s22 =	simm.s32 $0x1BFF;
	s21 =	sshll.u32 s5, $0x1;
	s2 =	sadd.s32 s19, s18  }
0x9c: {  	s6 =	simm.s32 $0x0;
	s20 =	sshll.u32 s4, $0x1;
	s4 =	sadd.s32 s21, s2  }
0x9d: {  	[timem:s6], [sflag:s22] =	dma.local [hbm:s4], s20  }
0x9e: {  	_ =	swait.ge [sflag:s22], s20  }
0x9f: {  	s3 =	ssub.s32 $0x0, s20;
	[sflag:s22] =	ssyncset.done $0x0  }
0xa0: {  	[sflag:s22] =	ssyncadd.s32 s3;
	_ =	sdelay $0x1  }
0xa1: {  	s23 =	simm.s32 $0x1B8B  }
0xa2: {  	_ =	swait.ge [sflag:s23], $0x1  }
0xa3: {  	[sflag:s23] =	ssyncset.done $0x0  }
0xa4: {  	s25 =	simm.s32 $0x1B8E;
	s24 =	sld [smem:$0x3FFE];
	[sflag:s23] =	ssyncadd.s32 $0xFFFFFFFF  }
0xa5: {  	s26 =	simm.s32 $execute0_lowered;
	[smem:$0x3FD2] =	sst s25  }
0xa6: {  	s4 =	sshll.u32 s26, $0x1;
	_ =	strace $0x8000004F;
	[dreg:$0x1] =	wrdreg $0xFFFFFFFF  }
0xa7: {  	s28 =	simm.s32 $_size_execute0_lowered;
	s2 =	sadd.s32 s2, s4;
	[dreg:$0x0] =	wrdreg $0x0  }
0xa8: {  	s4 =	sshll.u32 s28, $0x1;
	[dreg:$0x2] =	wrdreg s2  }
0xa9: {  	[dreg:$0x3] =	wrdreg s4  }
0xaa: {  	[dreg:$0x4] =	wrdreg $0xC0  }
0xab: {  	_ =	task [dreg:s6], $0x5FFFF  }
0xac: {  	[dreg:$0x1] =	wrdreg $0xFFFFFFFF  }
0xad: {  	[dreg:$0x0] =	wrdreg $0x60  }
0xae: {  	[dreg:$0x2] =	wrdreg s24  }
0xaf: {  	[dreg:$0x3] =	wrdreg $0xB7800  }
0xb0: {  	[dreg:$0x4] =	wrdreg $0x9  }
0xb1: {  	_ =	task.clear_ibuf [dreg:s6], $0x5FFFF;
	_ =	strace $0x9000004F  }
0xb2: {  	s29 =	simm.s32 $0x9;
	_ =	strace $0x80000051  }
0xb3: {  	_ =	swait.ge [sflag:s29], $0x1  }
0xb4: {  	[sflag:s29] =	ssyncadd.s32 $0xFFFFFFFF  }
0xb5: {  	_ =	strace $0x90000051  }
0xb6: {  	_ =	sfence  }
0xb7: {  	s30 =	sld [smem:$0x0];
	_ =	sdelay $0x2  }
0xb8: {  	s31 =	sshll.u32 s1, $0xD;
	s1 =	sshrl.u32 s1, $0x2  }
0xb9: {  	s3 =	sand.u32 $0x4000, s31;
	s1 =	sadd.s32 s1, s30  }
0xba: {  	s0 =	sor.u32 s3, s0;
	s1 =	sshll.u32 s1, $0x11  }
0xbb: {  	s0 =	sor.u32 s1, s0  }
0xbc: {  	s0 =	sadd.s32 $0x8F2B, s0  }
0xbd: {  	[sflag:s0] =	ssyncadd.remote.s32 $0x1  }
0xbe: {  	_ =	sfence.sel $0xFFFF  }
0xbf: {  	[dreg:$0x0] =	wrdreg $0xFFFFFFFF;
	(pc) =	sbr.abs _section_cstart, $3  }
0xc0: {  	[dreg:$0x1] =	wrdreg $0xFFFFFFFF  }
0xc1: {  	_ =	task.clear_ibuf [dreg:s6], $0x2FFFF;
	_ =	strace $0x9FFFFFFF  }
0xc2: {  	(tm) =	ssettm $0x7FFFFFFF  }
0xc3: {  	_ =	shalt  }
tec
execute0_lowered:
.L_overlay_start_1:
0x0: {  	(tag) =	ssettag $0x1  }
0x1: {  	s7 =	rddreg [dreg:$0x0]  }
0x2: {  	s0 =	srdreg.scid;
	s2 =	rddreg [dreg:$0x1]  }
0x3: {  	s3 =	simm.s32 $0x0;
	s13 =	simm.s32 $0x400;
	s14 =	simm.s32 $0x2780  }
0x4: {  	s15 =	simm.s32 $0x6780;
	s16 =	simm.s32 $0x1;
	s17 =	simm.s32 $0x50  }
0x5: {  	s18 =	simm.s32 $0x8F80;
	s5 =	sand.u32 $0x1, s0;
	s0 =	stileid.u32  }
0x6: {  	s19 =	simm.s32 $0x2;
	s20 =	simm.s32 $0x6580;
	s21 =	smul.u32 $0x1400, s0  }
0x7: {  	[smem:$0x7FF] =	sst s3;
	s1 =	sshll.u32 s5, $0x4;
	s9 =	smul.u32 $0x14000, s5  }
0x8: {  	s8 =	sshll.u32 s0, $0x7;
	s5 =	ssub.s32 $0x2, s5;
	s10 =	smul.u32 $0x28000, s0  }
0x9: {  	s31 =	sshll.u32 s0, $0x6;
	s6 =	sor.u32 s0, s1;
	s8 =	sand.u32 $0x380, s8  }
0xa: {  	s12 =	sshrl.u32 s5, $0x1;
	s1 =	sshrl.u32 s6, $0x3;
	s6 =	sshll.u32 s6, $0xB  }
0xb: {  	s29 =	sadd.s32 s21, s7;
	s9 =	sadd.s32 s9, s7;
	s12 =	ssub.s32 s5, s12  }
0xc: {  	s30 =	sshrl.u32 s10, $0x2;
	s4 =	smul.u32 $0x13C00, s1;
	s1 =	rddreg [dreg:$0x2]  }
0xd: {  	_ =	strace $0x80000050;
	s11 =	sadd.s32 s6, s7;
	s10 =	sadd.s32 s30, s2  }
0xe: {  	s5 =	sadd.s32 $0x51A00, s29;
	s6 =	sor.u32 $0x1C03, s31;
	s22 =	sadd.s32 $0x65A00, s9  }
0xf: {  	s9 =	smax.u32 s12, $0x1;
	s12 =	simm.s32 $0x80;
	s4 =	sor.u32 s8, s4  }
0x10: {  	s10 =	sshrl.u32 s10, $0x3;
	s21 =	sadd.s32 s21, s22;
	s8 =	sshrl.u32 s4, $0x3  }
0x11: {  	s22 =	simm.s32 $0x0;
	s4 =	sadd.s32 $0x3800, s7;
	s8 =	sadd.s32 s8, s7  }
0x12: {  	s7 =	sadd.s32 $0xBFE00, s8;
	s8 =	sadd.s32 $0xC9C00, s11;
	s11 =	simm.s32 $0x3  }
.LBB2_1:
0x13: {  	[spmem:s10], [sflag:s6] =	dma.local [hbm:s5], $0x1400  }
0x14: {  	_ =	swait.ge [sflag:s11], $0x1400  }
0x15: {  	[sflag:s11] =	ssyncset.done $0x0  }
0x16: {  	[sflag:s11] =	ssyncadd.s32 $0xFFFFEC00  }
0x17: {  	[tilespmem:s3], [sflag:$0x3] =	stream.strided.gather [hbm4b:s7+s12], $0x2780, s13, s12, $0x38;
	[tilespmem:$0x15780] =	vst v63  }
0x18: {  	_ =	swait.ge [sflag:s11], $0x2780  }
0x19: {  	[sflag:s11] =	ssyncset.done $0x0  }
0x1a: {  	[sflag:s11] =	ssyncadd.s32 $0xFFFFD880  }
0x1b: {  	[tilespmem:s14], [sflag:$0x3] =	stream.linear.gather [hbm4b:s8+s3], $0x3E80, $0x38;
	[tilespmem:$0x15780] =	vst v63  }
0x1c: {  	_ =	swait.ge [sflag:s11], $0x3E80  }
0x1d: {  	[sflag:s11] =	ssyncset.done $0x0  }
0x1e: {  	[sflag:s11] =	ssyncadd.s32 $0xFFFFC180  }
0x1f: {  	[bflag:$0x0] =	sbarrier.arrive $0xFFFF  }
0x20: {  	[tilespmem:s15], [sflag:$0x1] =	stream.indirect.gather [hbm4b:s4+s17], $0x80, s3, s17, $0xb8;
	[tilespmem:$0x15780] =	vst v63  }
0x21: {  	_ =	swait.ge [sflag:s16], $0x2800  }
0x22: {  	[sflag:s16] =	ssyncset.done $0x0  }
0x23: {  	[sflag:s16] =	ssyncadd.s32 $0xFFFFD800  }
0x24: {  	[tilespmem:s18], [sflag:$0x2] =	stream.indirect.gather [hbm4b:s4+s17], $0x80, s17, s17, $0xb8;
	[tilespmem:$0x15780] =	vst v63  }
0x25: {  	s23 =	simm.s32 $0x2780  }
0x26: {  	[spmem:s2] =	stream.indirect.scatter.add.f32 [tilespmem:s15], [sflag:$0x3], $0x80, s23, s17, $0xb8;
	[tilespmem:$0x15780] =	vst v63  }
0x27: {  	_ =	swait.ge [sflag:s11], $0x2800  }
0x28: {  	[sflag:s11] =	ssyncset.done $0x0  }
0x29: {  	s30 =	simm.s32 $0xA0;
	[sflag:s11] =	ssyncadd.s32 $0xFFFFD800  }
0x2a: {  	[tilespmem:s15], [sflag:$0x1] =	stream.indirect.gather [hbm4b:s4+s17], $0x80, s30, s17, $0xb8;
	[tilespmem:$0x15780] =	vst v63  }
0x2b: {  	_ =	swait.ge [sflag:s19], $0x2800  }
0x2c: {  	[sflag:s19] =	ssyncset.done $0x0  }
0x2d: {  	s31 =	simm.s32 $0x2800;
	[sflag:s19] =	ssyncadd.s32 $0xFFFFD800  }
0x2e: {  	[spmem:s2] =	stream.indirect.scatter.add.f32 [tilespmem:s18], [sflag:$0x3], $0x80, s31, s17, $0xb8;
	[tilespmem:$0x15780] =	vst v63  }
0x2f: {  	_ =	swait.ge [sflag:s11], $0x2800  }
0x30: {  	s24 =	simm.s32 $0x50;
	s23 =	simm.s32 $0x400;
	[sflag:s11] =	ssyncset.done $0x0  }
.LBB2_2:
0x31: {  	p0 =	sne.s32 s23, $0xF400;
	[sflag:s11] =	ssyncadd.s32 $0xFFFFD800;
	s24 =	sadd.s32 $0xA0, s24  }
0x32: {  	s25 =	smov.u32 s23;
	s23 =	sadd.s32 $0x400, s23;
	_ =	swait.ge [sflag:s16], $0x2800  }
0x33: {  	[sflag:s16] =	ssyncset.done $0x0  }
0x34: {  	s25 =	sshra.s32 s25, $0x2;
	[sflag:s16] =	ssyncadd.s32 $0xFFFFD800  }
0x35: {  	[tilespmem:s18], [sflag:$0x2] =	stream.indirect.gather [hbm4b:s4+s17], $0x80, s24, s17, $0xb8;
	[tilespmem:$0x15780] =	vst v63  }
0x36: {  	s26 =	sadd.s32 $0x2780, s25  }
0x37: {  	[spmem:s2] =	stream.indirect.scatter.add.f32 [tilespmem:s15], [sflag:$0x3], $0x80, s26, s17, $0xb8;
	[tilespmem:$0x15780] =	vst v63  }
0x38: {  	_ =	swait.ge [sflag:s11], $0x2800  }
0x39: {  	[sflag:s11] =	ssyncset.done $0x0  }
0x3a: {  	s26 =	sadd.s32 $0x50, s24;
	[sflag:s11] =	ssyncadd.s32 $0xFFFFD800  }
0x3b: {  	[tilespmem:s15], [sflag:$0x1] =	stream.indirect.gather [hbm4b:s4+s17], $0x80, s26, s17, $0xb8;
	[tilespmem:$0x15780] =	vst v63  }
0x3c: {  	_ =	swait.ge [sflag:s19], $0x2800  }
.Ltmp0:
0x3d: {  	[sflag:s19] =	ssyncset.done $0x0;
	(pc) =	sbr.rel @p0 .LBB2_2-.Ltmp0, $4  }
0x3e: {  	s25 =	sadd.s32 $0x2800, s25;
	[sflag:s19] =	ssyncadd.s32 $0xFFFFD800  }
0x3f: {  	[spmem:s2] =	stream.indirect.scatter.add.f32 [tilespmem:s18], [sflag:$0x3], $0x80, s25, s17, $0xb8;
	[tilespmem:$0x15780] =	vst v63  }
0x40: {  	_ =	swait.ge [sflag:s11], $0x2800  }
0x41: {  	[sflag:s11] =	ssyncset.done $0x0  }
0x42: {  	[sflag:s11] =	ssyncadd.s32 $0xFFFFD800  }
0x43: {  	_ =	swait.ge [sflag:s16], $0x2800  }
0x44: {  	[sflag:s16] =	ssyncset.done $0x0  }
0x45: {  	[sflag:s16] =	ssyncadd.s32 $0xFFFFD800  }
0x46: {  	[spmem:s2] =	stream.indirect.scatter.add.f32 [tilespmem:s15], [sflag:$0x3], $0x80, s20, s17, $0xb8;
	[tilespmem:$0x15780] =	vst v63  }
0x47: {  	_ =	swait.ge [sflag:s11], $0x2800  }
0x48: {  	s22 =	sadd.s32 $0x1, s22;
	[sflag:s11] =	ssyncset.done $0x0  }
0x49: {  	p0 =	sne.s32 s22, s9;
	[sflag:s11] =	ssyncadd.s32 $0xFFFFD800  }
.Ltmp1:
0x4a: {  	[bflag:$0x0] =	sbarrier.arrive $0xFFFF;
	(pc) =	sbr.rel @p0 .LBB2_1-.Ltmp1, $4  }
0x4b: {  	[hbm:s21], [sflag:s6] =	dma.local [spmem:s10], $0x1400  }
0x4c: {  	_ =	swait.ge [sflag:s11], $0x1400  }
0x4d: {  	[sflag:s11] =	ssyncset.done $0x0  }
0x4e: {  	[sflag:s11] =	ssyncadd.s32 $0xFFFFEC00  }
0x4f: {  	_ =	sfence.sel $0x180000  }
0x50: {  	[bflag:$0x0] =	sbarrier.arrive $0xFFFF  }
0x51: {  	p0 =	sne.s32 s0, $0x0;
	_ =	strace $0x90000050  }
0x52: {  	s0 =	sadd.s32 @!p0 $0x100000, s1;
	[bflag:$0x2] =	sbarrier.arrive $0xFFFF  }
0x53: {  	[sflag:s0] =	ssyncadd.tile.s32 @!p0 $0x1;
	_ =	shalt  }
.Lfunc_end2:
_tile_overlayer_lowered:
.L_overlay_start_2:
0x54: {  	(tag) =	ssettag $0x2  }
0x55: {  	s0 =	rddreg [dreg:$0x0];
	s2 =	stileid.u32  }
0x56: {  	s1 =	rddreg [dreg:$0x1];
	p0 =	sne.s32 s2, $0x0  }
0x57: {  	s3 =	rddreg [dreg:$0x2];
	[bflag:$0x3] =	sbarrier.arrive $0xFFFF;
	s2 =	simm.s32 @!p0 $0x1C03  }
0x58: {  	[timem:s3], [sflag:s2] =	dma.local @!p0 [hbm:s0], s1  }
0x59: {  	s0 =	simm.s32 @!p0 $0x3  }
0x5a: {  	_ =	swait.ge @!p0 [sflag:s0], s1  }
0x5b: {  	s1 =	ssub.s32 @!p0 $0x0, s1;
	[sflag:s0] =	ssyncset.done @!p0 $0x0  }
0x5c: {  	[sflag:s0] =	ssyncadd.s32 @!p0 s1  }
0x5d: {  	[bflag:$0x3] =	sbarrier.arrive $0xFFFF  }
0x5e: {  	_ =	shalt  }

</sc_bundles>
